<compile_context>
chip_gen: v7x
topology: tpu7x:2x2x1
jax: 0.10.2.dev20260603
libtpu: 0.0.44.dev20260713+nightly
codegen_flags: <defaults>
</compile_context>

<pallas_src>
import functools

import jax
import jax.numpy as jnp
from jax import lax
from jax.experimental import pallas as pl
from jax.experimental.pallas import tpu as pltpu
from jax.experimental.pallas import tpu_sc as plsc

_MARGIN = 0.2
_NC = 2
_NS = 16
_NW = _NC * _NS
_L = 16
_CHUNK = 64
_NBUF = 4


def _triplet_loss_body(t_per_w, n_chunks, d,
                       emb_a, emb_p, emb_n, aidx, pidx, nidx, out,
                       *refs):
    bufs = refs[3:3 + 3 * _NBUF]
    aidx_v, pidx_v, nidx_v = refs[0:3]
    vacc_v = refs[3 + 3 * _NBUF]
    sem_i = refs[4 + 3 * _NBUF]
    sems = refs[5 + 3 * _NBUF:]
    bufsets = tuple((bufs[3 * i], bufs[3 * i + 1], bufs[3 * i + 2], sems[i])
                    for i in range(_NBUF))

    wid = lax.axis_index("s") * _NC + lax.axis_index("c")
    base = wid * t_per_w

    ci0 = pltpu.async_copy(aidx.at[pl.ds(base, t_per_w)], aidx_v, sem_i)
    ci1 = pltpu.async_copy(pidx.at[pl.ds(base, t_per_w)], pidx_v, sem_i)
    ci2 = pltpu.async_copy(nidx.at[pl.ds(base, t_per_w)], nidx_v, sem_i)
    ci0.wait()
    ci1.wait()
    ci2.wait()

    def copies(k, bs):
        ab, pb, nb, sem = bs
        off = k * _CHUNK
        return (
            pltpu.make_async_copy(emb_a.at[aidx_v.at[pl.ds(off, _CHUNK)]], ab, sem),
            pltpu.make_async_copy(emb_p.at[pidx_v.at[pl.ds(off, _CHUNK)]], pb, sem),
            pltpu.make_async_copy(emb_n.at[nidx_v.at[pl.ds(off, _CHUNK)]], nb, sem),
        )

    def issue(k, bs):
        for c in copies(k, bs):
            c.start()

    def drain(k, bs):
        for c in copies(k, bs):
            c.wait()

    lane = lax.iota(jnp.int32, _L)
    is_last = lane == _L - 1

    def compute(bs, vacc):
        ab, pb, nb, _ = bs

        def t_body(t, vacc):
            acc = jnp.zeros((_L,), jnp.float32)
            for jg in range(d // _L):
                sl = pl.ds(jg * _L, _L)
                a = ab[t, sl]
                p = pb[t, sl]
                n = nb[t, sl]
                dp = a - p
                dn = a - n
                acc = acc + (dp * dp - dn * dn)
            s = plsc.cumsum(acc)
            contrib = jnp.maximum(s + _MARGIN, 0.0)
            return vacc + jnp.where(is_last, contrib, 0.0)

        return plsc.parallel_loop(0, _CHUNK, unroll=4, carry=vacc)(t_body)

    for b in range(_NBUF - 2):
        issue(b, bufsets[b])

    def round_body(j, vacc):
        k0 = _NBUF * j
        for b in range(_NBUF):
            k = k0 + b
            kn = k + _NBUF - 2
            bn = (b + _NBUF - 2) % _NBUF
            @pl.when(kn < n_chunks)
            def _():
                issue(kn, bufsets[bn])
            drain(k, bufsets[b])
            vacc = compute(bufsets[b], vacc)
        return vacc

    vacc = lax.fori_loop(0, n_chunks // _NBUF, round_body,
                         jnp.zeros((_L,), jnp.float32))
    vacc_v[...] = vacc
    pltpu.sync_copy(vacc_v, out.at[wid])


def kernel(embeddings, target, triplets):
    del target
    t = triplets.shape[0]
    d = embeddings.shape[2]
    t_per_w = t // _NW
    n_chunks = t_per_w // _CHUNK

    mesh = plsc.VectorSubcoreMesh(core_axis_name="c", subcore_axis_name="s",
                                  num_cores=_NC, num_subcores=_NS)
    body = functools.partial(_triplet_loss_body, t_per_w, n_chunks, d)
    run = pl.kernel(
        body,
        out_type=jax.ShapeDtypeStruct((_NW, _L), jnp.float32),
        mesh=mesh,
        compiler_params=pltpu.CompilerParams(needs_layout_passes=False),
        scratch_types=(
            [pltpu.VMEM((t_per_w,), jnp.int32)] * 3
            + [pltpu.VMEM((_CHUNK, d), jnp.float32)] * (3 * _NBUF)
            + [pltpu.VMEM((_L,), jnp.float32)]
            + [pltpu.SemaphoreType.DMA] * (1 + _NBUF)
        ),
    )
    partials = run(embeddings[0], embeddings[1], embeddings[2],
                   triplets[:, 0], triplets[:, 1], triplets[:, 2])
    loss = jnp.sum(partials) / jnp.float32(t)
    return (loss, t)

# --- scband reference (transcript-rebuilt; emitter-appended) ---
"""Pipeline reference for scband-online-triplet-loss-44478681317921 (READ-ONLY COPY).

The authoritative reference and input builder live on the scoring server;
editing this copy changes nothing except your own understanding.
"""

import jax, jax.numpy as jnp
import numpy as np

MARGIN = 0.2
B = 16384
D = 128
T = 262144
NUM_CLASSES = 1000


def setup_inputs(seed: int = 0) -> dict:
    key = jax.random.key(seed)
    k1, k2, k3 = jax.random.split(key, 3)
    embeddings = jax.random.normal(k1, (3, B, D), dtype=jnp.float32)
    target = jax.random.randint(k2, (B,), 0, NUM_CLASSES, dtype=jnp.int32)
    # triplets models the output of triplet_selector.get_triplets_seq(embeddings, target):
    # int index triples (anchor_idx, positive_idx, negative_idx) into the batch.
    triplets = jax.random.randint(k3, (T, 3), 0, B, dtype=jnp.int32)
    return {"embeddings": embeddings, "target": target, "triplets": triplets}


def reference(embeddings, target, triplets):
    # embeddings: [3, B, D]; embeddings[0]=anchor view, [1]=positive view, [2]=negative view
    anchor = jnp.take(embeddings[0], triplets[:, 0], axis=0)
    positive = jnp.take(embeddings[1], triplets[:, 1], axis=0)
    negative = jnp.take(embeddings[2], triplets[:, 2], axis=0)
    ap_distances = jnp.sum((anchor - positive) ** 2, axis=1)
    an_distances = jnp.sum((anchor - negative) ** 2, axis=1)
    losses = jax.nn.relu(ap_distances - an_distances + MARGIN)
    return (jnp.mean(losses), triplets.shape[0])

if __name__ == "__main__":
    import jax
    _d = setup_inputs()
    print(jax.jit(kernel)(*tuple(_d.values())))

</pallas_src>

<mosaic_0001>
#map = affine_map<(d0, d1) -> (0, 0)>
#map1 = affine_map<(d0, d1) -> (0)>
module attributes {stable_mosaic.version = 14 : i64} {
  func.func @_triplet_loss_body(%arg0: i32, %arg1: i32, %arg2: memref<16384x128xf32, #tpu.memory_space<hbm>>, %arg3: memref<16384x128xf32, #tpu.memory_space<hbm>>, %arg4: memref<16384x128xf32, #tpu.memory_space<hbm>>, %arg5: memref<262144xi32, #tpu.memory_space<hbm>>, %arg6: memref<262144xi32, #tpu.memory_space<hbm>>, %arg7: memref<262144xi32, #tpu.memory_space<hbm>>, %arg8: memref<32x16xf32, #tpu.memory_space<hbm>>, %arg9: memref<8192xi32, #tpu.memory_space<vmem>>, %arg10: memref<8192xi32, #tpu.memory_space<vmem>>, %arg11: memref<8192xi32, #tpu.memory_space<vmem>>, %arg12: memref<64x128xf32, #tpu.memory_space<vmem>>, %arg13: memref<64x128xf32, #tpu.memory_space<vmem>>, %arg14: memref<64x128xf32, #tpu.memory_space<vmem>>, %arg15: memref<64x128xf32, #tpu.memory_space<vmem>>, %arg16: memref<64x128xf32, #tpu.memory_space<vmem>>, %arg17: memref<64x128xf32, #tpu.memory_space<vmem>>, %arg18: memref<64x128xf32, #tpu.memory_space<vmem>>, %arg19: memref<64x128xf32, #tpu.memory_space<vmem>>, %arg20: memref<64x128xf32, #tpu.memory_space<vmem>>, %arg21: memref<64x128xf32, #tpu.memory_space<vmem>>, %arg22: memref<64x128xf32, #tpu.memory_space<vmem>>, %arg23: memref<64x128xf32, #tpu.memory_space<vmem>>, %arg24: memref<16xf32, #tpu.memory_space<vmem>>, %arg25: memref<!tpu.dma_semaphore, #tpu.memory_space<semaphore_mem>>, %arg26: memref<!tpu.dma_semaphore, #tpu.memory_space<semaphore_mem>>, %arg27: memref<!tpu.dma_semaphore, #tpu.memory_space<semaphore_mem>>, %arg28: memref<!tpu.dma_semaphore, #tpu.memory_space<semaphore_mem>>, %arg29: memref<!tpu.dma_semaphore, #tpu.memory_space<semaphore_mem>>) attributes {dimension_semantics = [#tpu.dimension_semantics<core_parallel>, #tpu.dimension_semantics<subcore_parallel>], iteration_bounds = array<i64: 2, 16>, scalar_prefetch = 0 : i64, scratch_operands = 21 : i64, tpu.core_type = #tpu.core_type<sc_vector_subcore>, window_params = [{transform_indices = #map}, {transform_indices = #map}, {transform_indices = #map}, {transform_indices = #map1}, {transform_indices = #map1}, {transform_indices = #map1}, {transform_indices = #map}]} {
    %mul3A = arith.constant 2 : i32
    %mul3A_0 = arith.muli %arg1, %mul3A : i32
    %add3A = arith.addi %mul3A_0, %arg0 : i32
    %mul3A_1 = arith.constant 8192 : i32
    %mul3A_2 = arith.muli %add3A, %mul3A_1 : i32
    %dma_start3A = tpu.memref_slice %arg5[%mul3A_2] : memref<262144xi32, #tpu.memory_space<hbm>> -> memref<8192xi32, #tpu.memory_space<hbm>>
    %dma_start3A_3 = tpu.memref_slice %arg5[%mul3A_2] : memref<262144xi32, #tpu.memory_space<hbm>> -> memref<8192xi32, #tpu.memory_space<hbm>>
    tpu.enqueue_dma source(%dma_start3A_3 : memref<8192xi32, #tpu.memory_space<hbm>>) target(%arg9 : memref<8192xi32, #tpu.memory_space<vmem>>) target_semaphore(%arg25 : memref<!tpu.dma_semaphore, #tpu.memory_space<semaphore_mem>>)
    %dma_start3A_4 = tpu.memref_slice %arg6[%mul3A_2] : memref<262144xi32, #tpu.memory_space<hbm>> -> memref<8192xi32, #tpu.memory_space<hbm>>
    %dma_start3A_5 = tpu.memref_slice %arg6[%mul3A_2] : memref<262144xi32, #tpu.memory_space<hbm>> -> memref<8192xi32, #tpu.memory_space<hbm>>
    tpu.enqueue_dma source(%dma_start3A_5 : memref<8192xi32, #tpu.memory_space<hbm>>) target(%arg10 : memref<8192xi32, #tpu.memory_space<vmem>>) target_semaphore(%arg25 : memref<!tpu.dma_semaphore, #tpu.memory_space<semaphore_mem>>)
    %dma_start3A_6 = tpu.memref_slice %arg7[%mul3A_2] : memref<262144xi32, #tpu.memory_space<hbm>> -> memref<8192xi32, #tpu.memory_space<hbm>>
    %dma_start3A_7 = tpu.memref_slice %arg7[%mul3A_2] : memref<262144xi32, #tpu.memory_space<hbm>> -> memref<8192xi32, #tpu.memory_space<hbm>>
    tpu.enqueue_dma source(%dma_start3A_7 : memref<8192xi32, #tpu.memory_space<hbm>>) target(%arg11 : memref<8192xi32, #tpu.memory_space<vmem>>) target_semaphore(%arg25 : memref<!tpu.dma_semaphore, #tpu.memory_space<semaphore_mem>>)
    %dma_wait3A = tpu.memref_slice %arg5[%mul3A_2] : memref<262144xi32, #tpu.memory_space<hbm>> -> memref<8192xi32, #tpu.memory_space<hbm>>
    %dma_wait3A_8 = tpu.memref_slice %arg5[%mul3A_2] : memref<262144xi32, #tpu.memory_space<hbm>> -> memref<8192xi32, #tpu.memory_space<hbm>>
    tpu.wait_dma2 semaphore(%arg25 : memref<!tpu.dma_semaphore, #tpu.memory_space<semaphore_mem>>) src(%dma_wait3A_8 : memref<8192xi32, #tpu.memory_space<hbm>>) dst(%arg9 : memref<8192xi32, #tpu.memory_space<vmem>>)
    %dma_wait3A_9 = tpu.memref_slice %arg6[%mul3A_2] : memref<262144xi32, #tpu.memory_space<hbm>> -> memref<8192xi32, #tpu.memory_space<hbm>>
    %dma_wait3A_10 = tpu.memref_slice %arg6[%mul3A_2] : memref<262144xi32, #tpu.memory_space<hbm>> -> memref<8192xi32, #tpu.memory_space<hbm>>
    tpu.wait_dma2 semaphore(%arg25 : memref<!tpu.dma_semaphore, #tpu.memory_space<semaphore_mem>>) src(%dma_wait3A_10 : memref<8192xi32, #tpu.memory_space<hbm>>) dst(%arg10 : memref<8192xi32, #tpu.memory_space<vmem>>)
    %dma_wait3A_11 = tpu.memref_slice %arg7[%mul3A_2] : memref<262144xi32, #tpu.memory_space<hbm>> -> memref<8192xi32, #tpu.memory_space<hbm>>
    %dma_wait3A_12 = tpu.memref_slice %arg7[%mul3A_2] : memref<262144xi32, #tpu.memory_space<hbm>> -> memref<8192xi32, #tpu.memory_space<hbm>>
    tpu.wait_dma2 semaphore(%arg25 : memref<!tpu.dma_semaphore, #tpu.memory_space<semaphore_mem>>) src(%dma_wait3A_12 : memref<8192xi32, #tpu.memory_space<hbm>>) dst(%arg11 : memref<8192xi32, #tpu.memory_space<vmem>>)
    %iota3A = tpu.iota {dimensions = array<i32: 0>} : vector<16xi32>
    %eq3A = arith.constant 15 : i32
    %eq3A_13 = vector.broadcast %eq3A : i32 to vector<16xi32>
    %eq3A_14 = arith.cmpi eq, %iota3A, %eq3A_13 : vector<16xi32>
    %dma_start3A_15 = arith.constant 0 : i32
    %dma_start3A_16 = tpu.memref_slice %arg9[%dma_start3A_15] : memref<8192xi32, #tpu.memory_space<vmem>> -> memref<64xi32, #tpu.memory_space<vmem>>
    %dma_start3A_17 = arith.constant 0 : i32
    %dma_start3A_18 = arith.constant 0 : i32
    %dma_start3A_19 = tpu.memref_slice %arg2[%dma_start3A_17, %dma_start3A_18] : memref<16384x128xf32, #tpu.memory_space<hbm>> -> memref<16384x128xf32, #tpu.memory_space<hbm>>
    tpu.enqueue_indirect_dma source(%dma_start3A_19 : memref<16384x128xf32, #tpu.memory_space<hbm>>) target(%arg12 : memref<64x128xf32, #tpu.memory_space<vmem>>) offsets(%dma_start3A_16 : memref<64xi32, #tpu.memory_space<vmem>>) semaphore(%arg26 : memref<!tpu.dma_semaphore, #tpu.memory_space<semaphore_mem>>)
    %dma_start3A_20 = arith.constant 0 : i32
    %dma_start3A_21 = tpu.memref_slice %arg10[%dma_start3A_20] : memref<8192xi32, #tpu.memory_space<vmem>> -> memref<64xi32, #tpu.memory_space<vmem>>
    %dma_start3A_22 = arith.constant 0 : i32
    %dma_start3A_23 = arith.constant 0 : i32
    %dma_start3A_24 = tpu.memref_slice %arg3[%dma_start3A_22, %dma_start3A_23] : memref<16384x128xf32, #tpu.memory_space<hbm>> -> memref<16384x128xf32, #tpu.memory_space<hbm>>
    tpu.enqueue_indirect_dma source(%dma_start3A_24 : memref<16384x128xf32, #tpu.memory_space<hbm>>) target(%arg13 : memref<64x128xf32, #tpu.memory_space<vmem>>) offsets(%dma_start3A_21 : memref<64xi32, #tpu.memory_space<vmem>>) semaphore(%arg26 : memref<!tpu.dma_semaphore, #tpu.memory_space<semaphore_mem>>)
    %dma_start3A_25 = arith.constant 0 : i32
    %dma_start3A_26 = tpu.memref_slice %arg11[%dma_start3A_25] : memref<8192xi32, #tpu.memory_space<vmem>> -> memref<64xi32, #tpu.memory_space<vmem>>
    %dma_start3A_27 = arith.constant 0 : i32
    %dma_start3A_28 = arith.constant 0 : i32
    %dma_start3A_29 = tpu.memref_slice %arg4[%dma_start3A_27, %dma_start3A_28] : memref<16384x128xf32, #tpu.memory_space<hbm>> -> memref<16384x128xf32, #tpu.memory_space<hbm>>
    tpu.enqueue_indirect_dma source(%dma_start3A_29 : memref<16384x128xf32, #tpu.memory_space<hbm>>) target(%arg14 : memref<64x128xf32, #tpu.memory_space<vmem>>) offsets(%dma_start3A_26 : memref<64xi32, #tpu.memory_space<vmem>>) semaphore(%arg26 : memref<!tpu.dma_semaphore, #tpu.memory_space<semaphore_mem>>)
    %dma_start3A_30 = arith.constant 64 : i32
    %dma_start3A_31 = tpu.memref_slice %arg9[%dma_start3A_30] : memref<8192xi32, #tpu.memory_space<vmem>> -> memref<64xi32, #tpu.memory_space<vmem>>
    %dma_start3A_32 = arith.constant 0 : i32
    %dma_start3A_33 = arith.constant 0 : i32
    %dma_start3A_34 = tpu.memref_slice %arg2[%dma_start3A_32, %dma_start3A_33] : memref<16384x128xf32, #tpu.memory_space<hbm>> -> memref<16384x128xf32, #tpu.memory_space<hbm>>
    tpu.enqueue_indirect_dma source(%dma_start3A_34 : memref<16384x128xf32, #tpu.memory_space<hbm>>) target(%arg15 : memref<64x128xf32, #tpu.memory_space<vmem>>) offsets(%dma_start3A_31 : memref<64xi32, #tpu.memory_space<vmem>>) semaphore(%arg27 : memref<!tpu.dma_semaphore, #tpu.memory_space<semaphore_mem>>)
    %dma_start3A_35 = arith.constant 64 : i32
    %dma_start3A_36 = tpu.memref_slice %arg10[%dma_start3A_35] : memref<8192xi32, #tpu.memory_space<vmem>> -> memref<64xi32, #tpu.memory_space<vmem>>
    %dma_start3A_37 = arith.constant 0 : i32
    %dma_start3A_38 = arith.constant 0 : i32
    %dma_start3A_39 = tpu.memref_slice %arg3[%dma_start3A_37, %dma_start3A_38] : memref<16384x128xf32, #tpu.memory_space<hbm>> -> memref<16384x128xf32, #tpu.memory_space<hbm>>
    tpu.enqueue_indirect_dma source(%dma_start3A_39 : memref<16384x128xf32, #tpu.memory_space<hbm>>) target(%arg16 : memref<64x128xf32, #tpu.memory_space<vmem>>) offsets(%dma_start3A_36 : memref<64xi32, #tpu.memory_space<vmem>>) semaphore(%arg27 : memref<!tpu.dma_semaphore, #tpu.memory_space<semaphore_mem>>)
    %dma_start3A_40 = arith.constant 64 : i32
    %dma_start3A_41 = tpu.memref_slice %arg11[%dma_start3A_40] : memref<8192xi32, #tpu.memory_space<vmem>> -> memref<64xi32, #tpu.memory_space<vmem>>
    %dma_start3A_42 = arith.constant 0 : i32
    %dma_start3A_43 = arith.constant 0 : i32
    %dma_start3A_44 = tpu.memref_slice %arg4[%dma_start3A_42, %dma_start3A_43] : memref<16384x128xf32, #tpu.memory_space<hbm>> -> memref<16384x128xf32, #tpu.memory_space<hbm>>
    tpu.enqueue_indirect_dma source(%dma_start3A_44 : memref<16384x128xf32, #tpu.memory_space<hbm>>) target(%arg17 : memref<64x128xf32, #tpu.memory_space<vmem>>) offsets(%dma_start3A_41 : memref<64xi32, #tpu.memory_space<vmem>>) semaphore(%arg27 : memref<!tpu.dma_semaphore, #tpu.memory_space<semaphore_mem>>)
    %broadcast_in_dim3A = arith.constant 0.000000e+00 : f32
    %broadcast_in_dim3A_45 = vector.broadcast %broadcast_in_dim3A : f32 to vector<16xf32>
    %scan3A = arith.constant 0 : i32
    %scan3A_46 = arith.constant 32 : i32
    %scan3A_47 = arith.addi %scan3A, %scan3A_46 : i32
    %scan3A_48 = arith.constant 1 : i32
    %scan3A_49 = scf.for %scan3A_52 = %scan3A to %scan3A_47 step %scan3A_48 iter_args(%scan3A_53 = %broadcast_in_dim3A_45) -> (vector<16xf32>)  : i32 {
      %mul3A_54 = arith.constant 4 : i32
      %mul3A_55 = arith.muli %mul3A_54, %scan3A_52 : i32
      %add3A_56 = arith.constant 0 : i32
      %add3A_57 = arith.addi %mul3A_55, %add3A_56 : i32
      %add3A_58 = arith.constant 4 : i32
      %add3A_59 = arith.addi %add3A_57, %add3A_58 : i32
      %sub3A = arith.constant 2 : i32
      %sub3A_60 = arith.subi %add3A_59, %sub3A : i32
      %lt3A = arith.constant 128 : i32
      %lt3A_61 = arith.cmpi slt, %sub3A_60, %lt3A : i32
      %convert_element_type3A = arith.extui %lt3A_61 : i1 to i32
      %cond3A = arith.constant 0 : i32
      %cond3A_62 = arith.cmpi ne, %convert_element_type3A, %cond3A : i32
      scf.if %cond3A_62 {
        %mul3A_167 = arith.constant 64 : i32
        %mul3A_168 = arith.muli %sub3A_60, %mul3A_167 : i32
        %dma_start3A_169 = tpu.memref_slice %arg9[%mul3A_168] : memref<8192xi32, #tpu.memory_space<vmem>> -> memref<64xi32, #tpu.memory_space<vmem>>
        %dma_start3A_170 = arith.constant 0 : i32
        %dma_start3A_171 = arith.constant 0 : i32
        %dma_start3A_172 = tpu.memref_slice %arg2[%dma_start3A_170, %dma_start3A_171] : memref<16384x128xf32, #tpu.memory_space<hbm>> -> memref<16384x128xf32, #tpu.memory_space<hbm>>
        tpu.enqueue_indirect_dma source(%dma_start3A_172 : memref<16384x128xf32, #tpu.memory_space<hbm>>) target(%arg18 : memref<64x128xf32, #tpu.memory_space<vmem>>) offsets(%dma_start3A_169 : memref<64xi32, #tpu.memory_space<vmem>>) semaphore(%arg28 : memref<!tpu.dma_semaphore, #tpu.memory_space<semaphore_mem>>)
        %dma_start3A_173 = tpu.memref_slice %arg10[%mul3A_168] : memref<8192xi32, #tpu.memory_space<vmem>> -> memref<64xi32, #tpu.memory_space<vmem>>
        %dma_start3A_174 = arith.constant 0 : i32
        %dma_start3A_175 = arith.constant 0 : i32
        %dma_start3A_176 = tpu.memref_slice %arg3[%dma_start3A_174, %dma_start3A_175] : memref<16384x128xf32, #tpu.memory_space<hbm>> -> memref<16384x128xf32, #tpu.memory_space<hbm>>
        tpu.enqueue_indirect_dma source(%dma_start3A_176 : memref<16384x128xf32, #tpu.memory_space<hbm>>) target(%arg19 : memref<64x128xf32, #tpu.memory_space<vmem>>) offsets(%dma_start3A_173 : memref<64xi32, #tpu.memory_space<vmem>>) semaphore(%arg28 : memref<!tpu.dma_semaphore, #tpu.memory_space<semaphore_mem>>)
        %dma_start3A_177 = tpu.memref_slice %arg11[%mul3A_168] : memref<8192xi32, #tpu.memory_space<vmem>> -> memref<64xi32, #tpu.memory_space<vmem>>
        %dma_start3A_178 = arith.constant 0 : i32
        %dma_start3A_179 = arith.constant 0 : i32
        %dma_start3A_180 = tpu.memref_slice %arg4[%dma_start3A_178, %dma_start3A_179] : memref<16384x128xf32, #tpu.memory_space<hbm>> -> memref<16384x128xf32, #tpu.memory_space<hbm>>
        tpu.enqueue_indirect_dma source(%dma_start3A_180 : memref<16384x128xf32, #tpu.memory_space<hbm>>) target(%arg20 : memref<64x128xf32, #tpu.memory_space<vmem>>) offsets(%dma_start3A_177 : memref<64xi32, #tpu.memory_space<vmem>>) semaphore(%arg28 : memref<!tpu.dma_semaphore, #tpu.memory_space<semaphore_mem>>)
      } else {
      }
      %mul3A_63 = arith.constant 64 : i32
      %mul3A_64 = arith.muli %add3A_57, %mul3A_63 : i32
      %dma_wait3A_65 = tpu.memref_slice %arg9[%mul3A_64] : memref<8192xi32, #tpu.memory_space<vmem>> -> memref<64xi32, #tpu.memory_space<vmem>>
      %dma_wait3A_66 = arith.constant 0 : i32
      %dma_wait3A_67 = arith.constant 0 : i32
      %dma_wait3A_68 = tpu.memref_slice %arg2[%dma_wait3A_66, %dma_wait3A_67] : memref<16384x128xf32, #tpu.memory_space<hbm>> -> memref<16384x128xf32, #tpu.memory_space<hbm>>
      tpu.wait_indirect_dma semaphore(%arg26 : memref<!tpu.dma_semaphore, #tpu.memory_space<semaphore_mem>>) src(%dma_wait3A_68 : memref<16384x128xf32, #tpu.memory_space<hbm>>) dst(%arg12 : memref<64x128xf32, #tpu.memory_space<vmem>>)
      %dma_wait3A_69 = tpu.memref_slice %arg10[%mul3A_64] : memref<8192xi32, #tpu.memory_space<vmem>> -> memref<64xi32, #tpu.memory_space<vmem>>
      %dma_wait3A_70 = arith.constant 0 : i32
      %dma_wait3A_71 = arith.constant 0 : i32
      %dma_wait3A_72 = tpu.memref_slice %arg3[%dma_wait3A_70, %dma_wait3A_71] : memref<16384x128xf32, #tpu.memory_space<hbm>> -> memref<16384x128xf32, #tpu.memory_space<hbm>>
      tpu.wait_indirect_dma semaphore(%arg26 : memref<!tpu.dma_semaphore, #tpu.memory_space<semaphore_mem>>) src(%dma_wait3A_72 : memref<16384x128xf32, #tpu.memory_space<hbm>>) dst(%arg13 : memref<64x128xf32, #tpu.memory_space<vmem>>)
      %dma_wait3A_73 = tpu.memref_slice %arg11[%mul3A_64] : memref<8192xi32, #tpu.memory_space<vmem>> -> memref<64xi32, #tpu.memory_space<vmem>>
      %dma_wait3A_74 = arith.constant 0 : i32
      %dma_wait3A_75 = arith.constant 0 : i32
      %dma_wait3A_76 = tpu.memref_slice %arg4[%dma_wait3A_74, %dma_wait3A_75] : memref<16384x128xf32, #tpu.memory_space<hbm>> -> memref<16384x128xf32, #tpu.memory_space<hbm>>
      tpu.wait_indirect_dma semaphore(%arg26 : memref<!tpu.dma_semaphore, #tpu.memory_space<semaphore_mem>>) src(%dma_wait3A_76 : memref<16384x128xf32, #tpu.memory_space<hbm>>) dst(%arg14 : memref<64x128xf32, #tpu.memory_space<vmem>>)
      %parallel_loop3A = arith.constant 0 : i32
      %parallel_loop3A_77 = arith.constant 64 : i32
      %parallel_loop3A_78 = arith.constant 1 : i32
      %parallel_loop3A_79 = scf.for %parallel_loop3A_167 = %parallel_loop3A to %parallel_loop3A_77 step %parallel_loop3A_78 iter_args(%parallel_loop3A_168 = %scan3A_53) -> (vector<16xf32>)  : i32 {
        %parallel_loop3A_169 = arith.constant 0.000000e+00 : f32
        %parallel_loop3A_170 = vector.broadcast %parallel_loop3A_169 : f32 to vector<16xf32>
        %parallel_loop3A_171 = arith.index_cast %parallel_loop3A_167 : i32 to index
        %parallel_loop3A_172 = arith.constant 0 : index
        %parallel_loop3A_173 = tpu.vector_load %arg12[%parallel_loop3A_171, %parallel_loop3A_172] {strides = array<i32>} : memref<64x128xf32, #tpu.memory_space<vmem>>, vector<16xf32>,
        %parallel_loop3A_174 = arith.index_cast %parallel_loop3A_167 : i32 to index
        %parallel_loop3A_175 = arith.constant 0 : index
        %parallel_loop3A_176 = tpu.vector_load %arg13[%parallel_loop3A_174, %parallel_loop3A_175] {strides = array<i32>} : memref<64x128xf32, #tpu.memory_space<vmem>>, vector<16xf32>,
        %parallel_loop3A_177 = arith.index_cast %parallel_loop3A_167 : i32 to index
        %parallel_loop3A_178 = arith.constant 0 : index
        %parallel_loop3A_179 = tpu.vector_load %arg14[%parallel_loop3A_177, %parallel_loop3A_178] {strides = array<i32>} : memref<64x128xf32, #tpu.memory_space<vmem>>, vector<16xf32>,
        %parallel_loop3A_180 = arith.subf %parallel_loop3A_173, %parallel_loop3A_176 : vector<16xf32>
        %parallel_loop3A_181 = arith.subf %parallel_loop3A_173, %parallel_loop3A_179 : vector<16xf32>
        %parallel_loop3A_182 = arith.mulf %parallel_loop3A_180, %parallel_loop3A_180 : vector<16xf32>
        %parallel_loop3A_183 = arith.mulf %parallel_loop3A_181, %parallel_loop3A_181 : vector<16xf32>
        %parallel_loop3A_184 = arith.subf %parallel_loop3A_182, %parallel_loop3A_183 : vector<16xf32>
        %parallel_loop3A_185 = arith.addf %parallel_loop3A_170, %parallel_loop3A_184 : vector<16xf32>
        %parallel_loop3A_186 = arith.index_cast %parallel_loop3A_167 : i32 to index
        %parallel_loop3A_187 = arith.constant 16 : index
        %parallel_loop3A_188 = tpu.vector_load %arg12[%parallel_loop3A_186, %parallel_loop3A_187] {strides = array<i32>} : memref<64x128xf32, #tpu.memory_space<vmem>>, vector<16xf32>,
        %parallel_loop3A_189 = arith.index_cast %parallel_loop3A_167 : i32 to index
        %parallel_loop3A_190 = arith.constant 16 : index
        %parallel_loop3A_191 = tpu.vector_load %arg13[%parallel_loop3A_189, %parallel_loop3A_190] {strides = array<i32>} : memref<64x128xf32, #tpu.memory_space<vmem>>, vector<16xf32>,
        %parallel_loop3A_192 = arith.index_cast %parallel_loop3A_167 : i32 to index
        %parallel_loop3A_193 = arith.constant 16 : index
        %parallel_loop3A_194 = tpu.vector_load %arg14[%parallel_loop3A_192, %parallel_loop3A_193] {strides = array<i32>} : memref<64x128xf32, #tpu.memory_space<vmem>>, vector<16xf32>,
        %parallel_loop3A_195 = arith.subf %parallel_loop3A_188, %parallel_loop3A_191 : vector<16xf32>
        %parallel_loop3A_196 = arith.subf %parallel_loop3A_188, %parallel_loop3A_194 : vector<16xf32>
        %parallel_loop3A_197 = arith.mulf %parallel_loop3A_195, %parallel_loop3A_195 : vector<16xf32>
        %parallel_loop3A_198 = arith.mulf %parallel_loop3A_196, %parallel_loop3A_196 : vector<16xf32>
        %parallel_loop3A_199 = arith.subf %parallel_loop3A_197, %parallel_loop3A_198 : vector<16xf32>
        %parallel_loop3A_200 = arith.addf %parallel_loop3A_185, %parallel_loop3A_199 : vector<16xf32>
        %parallel_loop3A_201 = arith.index_cast %parallel_loop3A_167 : i32 to index
        %parallel_loop3A_202 = arith.constant 32 : index
        %parallel_loop3A_203 = tpu.vector_load %arg12[%parallel_loop3A_201, %parallel_loop3A_202] {strides = array<i32>} : memref<64x128xf32, #tpu.memory_space<vmem>>, vector<16xf32>,
        %parallel_loop3A_204 = arith.index_cast %parallel_loop3A_167 : i32 to index
        %parallel_loop3A_205 = arith.constant 32 : index
        %parallel_loop3A_206 = tpu.vector_load %arg13[%parallel_loop3A_204, %parallel_loop3A_205] {strides = array<i32>} : memref<64x128xf32, #tpu.memory_space<vmem>>, vector<16xf32>,
        %parallel_loop3A_207 = arith.index_cast %parallel_loop3A_167 : i32 to index
        %parallel_loop3A_208 = arith.constant 32 : index
        %parallel_loop3A_209 = tpu.vector_load %arg14[%parallel_loop3A_207, %parallel_loop3A_208] {strides = array<i32>} : memref<64x128xf32, #tpu.memory_space<vmem>>, vector<16xf32>,
        %parallel_loop3A_210 = arith.subf %parallel_loop3A_203, %parallel_loop3A_206 : vector<16xf32>
        %parallel_loop3A_211 = arith.subf %parallel_loop3A_203, %parallel_loop3A_209 : vector<16xf32>
        %parallel_loop3A_212 = arith.mulf %parallel_loop3A_210, %parallel_loop3A_210 : vector<16xf32>
        %parallel_loop3A_213 = arith.mulf %parallel_loop3A_211, %parallel_loop3A_211 : vector<16xf32>
        %parallel_loop3A_214 = arith.subf %parallel_loop3A_212, %parallel_loop3A_213 : vector<16xf32>
        %parallel_loop3A_215 = arith.addf %parallel_loop3A_200, %parallel_loop3A_214 : vector<16xf32>
        %parallel_loop3A_216 = arith.index_cast %parallel_loop3A_167 : i32 to index
        %parallel_loop3A_217 = arith.constant 48 : index
        %parallel_loop3A_218 = tpu.vector_load %arg12[%parallel_loop3A_216, %parallel_loop3A_217] {strides = array<i32>} : memref<64x128xf32, #tpu.memory_space<vmem>>, vector<16xf32>,
        %parallel_loop3A_219 = arith.index_cast %parallel_loop3A_167 : i32 to index
        %parallel_loop3A_220 = arith.constant 48 : index
        %parallel_loop3A_221 = tpu.vector_load %arg13[%parallel_loop3A_219, %parallel_loop3A_220] {strides = array<i32>} : memref<64x128xf32, #tpu.memory_space<vmem>>, vector<16xf32>,
        %parallel_loop3A_222 = arith.index_cast %parallel_loop3A_167 : i32 to index
        %parallel_loop3A_223 = arith.constant 48 : index
        %parallel_loop3A_224 = tpu.vector_load %arg14[%parallel_loop3A_222, %parallel_loop3A_223] {strides = array<i32>} : memref<64x128xf32, #tpu.memory_space<vmem>>, vector<16xf32>,
        %parallel_loop3A_225 = arith.subf %parallel_loop3A_218, %parallel_loop3A_221 : vector<16xf32>
        %parallel_loop3A_226 = arith.subf %parallel_loop3A_218, %parallel_loop3A_224 : vector<16xf32>
        %parallel_loop3A_227 = arith.mulf %parallel_loop3A_225, %parallel_loop3A_225 : vector<16xf32>
        %parallel_loop3A_228 = arith.mulf %parallel_loop3A_226, %parallel_loop3A_226 : vector<16xf32>
        %parallel_loop3A_229 = arith.subf %parallel_loop3A_227, %parallel_loop3A_228 : vector<16xf32>
        %parallel_loop3A_230 = arith.addf %parallel_loop3A_215, %parallel_loop3A_229 : vector<16xf32>
        %parallel_loop3A_231 = arith.index_cast %parallel_loop3A_167 : i32 to index
        %parallel_loop3A_232 = arith.constant 64 : index
        %parallel_loop3A_233 = tpu.vector_load %arg12[%parallel_loop3A_231, %parallel_loop3A_232] {strides = array<i32>} : memref<64x128xf32, #tpu.memory_space<vmem>>, vector<16xf32>,
        %parallel_loop3A_234 = arith.index_cast %parallel_loop3A_167 : i32 to index
        %parallel_loop3A_235 = arith.constant 64 : index
        %parallel_loop3A_236 = tpu.vector_load %arg13[%parallel_loop3A_234, %parallel_loop3A_235] {strides = array<i32>} : memref<64x128xf32, #tpu.memory_space<vmem>>, vector<16xf32>,
        %parallel_loop3A_237 = arith.index_cast %parallel_loop3A_167 : i32 to index
        %parallel_loop3A_238 = arith.constant 64 : index
        %parallel_loop3A_239 = tpu.vector_load %arg14[%parallel_loop3A_237, %parallel_loop3A_238] {strides = array<i32>} : memref<64x128xf32, #tpu.memory_space<vmem>>, vector<16xf32>,
        %parallel_loop3A_240 = arith.subf %parallel_loop3A_233, %parallel_loop3A_236 : vector<16xf32>
        %parallel_loop3A_241 = arith.subf %parallel_loop3A_233, %parallel_loop3A_239 : vector<16xf32>
        %parallel_loop3A_242 = arith.mulf %parallel_loop3A_240, %parallel_loop3A_240 : vector<16xf32>
        %parallel_loop3A_243 = arith.mulf %parallel_loop3A_241, %parallel_loop3A_241 : vector<16xf32>
        %parallel_loop3A_244 = arith.subf %parallel_loop3A_242, %parallel_loop3A_243 : vector<16xf32>
        %parallel_loop3A_245 = arith.addf %parallel_loop3A_230, %parallel_loop3A_244 : vector<16xf32>
        %parallel_loop3A_246 = arith.index_cast %parallel_loop3A_167 : i32 to index
        %parallel_loop3A_247 = arith.constant 80 : index
        %parallel_loop3A_248 = tpu.vector_load %arg12[%parallel_loop3A_246, %parallel_loop3A_247] {strides = array<i32>} : memref<64x128xf32, #tpu.memory_space<vmem>>, vector<16xf32>,
        %parallel_loop3A_249 = arith.index_cast %parallel_loop3A_167 : i32 to index
        %parallel_loop3A_250 = arith.constant 80 : index
        %parallel_loop3A_251 = tpu.vector_load %arg13[%parallel_loop3A_249, %parallel_loop3A_250] {strides = array<i32>} : memref<64x128xf32, #tpu.memory_space<vmem>>, vector<16xf32>,
        %parallel_loop3A_252 = arith.index_cast %parallel_loop3A_167 : i32 to index
        %parallel_loop3A_253 = arith.constant 80 : index
        %parallel_loop3A_254 = tpu.vector_load %arg14[%parallel_loop3A_252, %parallel_loop3A_253] {strides = array<i32>} : memref<64x128xf32, #tpu.memory_space<vmem>>, vector<16xf32>,
        %parallel_loop3A_255 = arith.subf %parallel_loop3A_248, %parallel_loop3A_251 : vector<16xf32>
        %parallel_loop3A_256 = arith.subf %parallel_loop3A_248, %parallel_loop3A_254 : vector<16xf32>
        %parallel_loop3A_257 = arith.mulf %parallel_loop3A_255, %parallel_loop3A_255 : vector<16xf32>
        %parallel_loop3A_258 = arith.mulf %parallel_loop3A_256, %parallel_loop3A_256 : vector<16xf32>
        %parallel_loop3A_259 = arith.subf %parallel_loop3A_257, %parallel_loop3A_258 : vector<16xf32>
        %parallel_loop3A_260 = arith.addf %parallel_loop3A_245, %parallel_loop3A_259 : vector<16xf32>
        %parallel_loop3A_261 = arith.index_cast %parallel_loop3A_167 : i32 to index
        %parallel_loop3A_262 = arith.constant 96 : index
        %parallel_loop3A_263 = tpu.vector_load %arg12[%parallel_loop3A_261, %parallel_loop3A_262] {strides = array<i32>} : memref<64x128xf32, #tpu.memory_space<vmem>>, vector<16xf32>,
        %parallel_loop3A_264 = arith.index_cast %parallel_loop3A_167 : i32 to index
        %parallel_loop3A_265 = arith.constant 96 : index
        %parallel_loop3A_266 = tpu.vector_load %arg13[%parallel_loop3A_264, %parallel_loop3A_265] {strides = array<i32>} : memref<64x128xf32, #tpu.memory_space<vmem>>, vector<16xf32>,
        %parallel_loop3A_267 = arith.index_cast %parallel_loop3A_167 : i32 to index
        %parallel_loop3A_268 = arith.constant 96 : index
        %parallel_loop3A_269 = tpu.vector_load %arg14[%parallel_loop3A_267, %parallel_loop3A_268] {strides = array<i32>} : memref<64x128xf32, #tpu.memory_space<vmem>>, vector<16xf32>,
        %parallel_loop3A_270 = arith.subf %parallel_loop3A_263, %parallel_loop3A_266 : vector<16xf32>
        %parallel_loop3A_271 = arith.subf %parallel_loop3A_263, %parallel_loop3A_269 : vector<16xf32>
        %parallel_loop3A_272 = arith.mulf %parallel_loop3A_270, %parallel_loop3A_270 : vector<16xf32>
        %parallel_loop3A_273 = arith.mulf %parallel_loop3A_271, %parallel_loop3A_271 : vector<16xf32>
        %parallel_loop3A_274 = arith.subf %parallel_loop3A_272, %parallel_loop3A_273 : vector<16xf32>
        %parallel_loop3A_275 = arith.addf %parallel_loop3A_260, %parallel_loop3A_274 : vector<16xf32>
        %parallel_loop3A_276 = arith.index_cast %parallel_loop3A_167 : i32 to index
        %parallel_loop3A_277 = arith.constant 112 : index
        %parallel_loop3A_278 = tpu.vector_load %arg12[%parallel_loop3A_276, %parallel_loop3A_277] {strides = array<i32>} : memref<64x128xf32, #tpu.memory_space<vmem>>, vector<16xf32>,
        %parallel_loop3A_279 = arith.index_cast %parallel_loop3A_167 : i32 to index
        %parallel_loop3A_280 = arith.constant 112 : index
        %parallel_loop3A_281 = tpu.vector_load %arg13[%parallel_loop3A_279, %parallel_loop3A_280] {strides = array<i32>} : memref<64x128xf32, #tpu.memory_space<vmem>>, vector<16xf32>,
        %parallel_loop3A_282 = arith.index_cast %parallel_loop3A_167 : i32 to index
        %parallel_loop3A_283 = arith.constant 112 : index
        %parallel_loop3A_284 = tpu.vector_load %arg14[%parallel_loop3A_282, %parallel_loop3A_283] {strides = array<i32>} : memref<64x128xf32, #tpu.memory_space<vmem>>, vector<16xf32>,
        %parallel_loop3A_285 = arith.subf %parallel_loop3A_278, %parallel_loop3A_281 : vector<16xf32>
        %parallel_loop3A_286 = arith.subf %parallel_loop3A_278, %parallel_loop3A_284 : vector<16xf32>
        %parallel_loop3A_287 = arith.mulf %parallel_loop3A_285, %parallel_loop3A_285 : vector<16xf32>
        %parallel_loop3A_288 = arith.mulf %parallel_loop3A_286, %parallel_loop3A_286 : vector<16xf32>
        %parallel_loop3A_289 = arith.subf %parallel_loop3A_287, %parallel_loop3A_288 : vector<16xf32>
        %parallel_loop3A_290 = arith.addf %parallel_loop3A_275, %parallel_loop3A_289 : vector<16xf32>
        %parallel_loop3A_291 = arith.constant true
        %parallel_loop3A_292 = vector.broadcast %parallel_loop3A_291 : i1 to vector<16xi1>
        %parallel_loop3A_293 = tpu.scan <sum>, %parallel_loop3A_290 masked %parallel_loop3A_292 : vector<16xf32>, vector<16xi1> -> vector<16xf32>
        %parallel_loop3A_294 = arith.constant 2.000000e-01 : f32
        %parallel_loop3A_295 = vector.broadcast %parallel_loop3A_294 : f32 to vector<16xf32>
        %parallel_loop3A_296 = arith.addf %parallel_loop3A_293, %parallel_loop3A_295 : vector<16xf32>
        %parallel_loop3A_297 = arith.constant 0.000000e+00 : f32
        %parallel_loop3A_298 = vector.broadcast %parallel_loop3A_297 : f32 to vector<16xf32>
        %parallel_loop3A_299 = arith.maximumf %parallel_loop3A_296, %parallel_loop3A_298 : vector<16xf32>
        %parallel_loop3A_300 = arith.constant 0.000000e+00 : f32
        %parallel_loop3A_301 = vector.broadcast %parallel_loop3A_300 : f32 to vector<16xf32>
        %parallel_loop3A_302 = arith.select %eq3A_14, %parallel_loop3A_299, %parallel_loop3A_301 : vector<16xi1>, vector<16xf32>
        %parallel_loop3A_303 = arith.addf %parallel_loop3A_168, %parallel_loop3A_302 : vector<16xf32>
        scf.yield %parallel_loop3A_303 : vector<16xf32>
      } {sc.loop_unroll_factor = 4 : i64, sc.parallel_access}
      %add3A_80 = arith.constant 1 : i32
      %add3A_81 = arith.addi %mul3A_55, %add3A_80 : i32
      %add3A_82 = arith.constant 4 : i32
      %add3A_83 = arith.addi %add3A_81, %add3A_82 : i32
      %sub3A_84 = arith.constant 2 : i32
      %sub3A_85 = arith.subi %add3A_83, %sub3A_84 : i32
      %lt3A_86 = arith.constant 128 : i32
      %lt3A_87 = arith.cmpi slt, %sub3A_85, %lt3A_86 : i32
      %convert_element_type3A_88 = arith.extui %lt3A_87 : i1 to i32
      %cond3A_89 = arith.constant 0 : i32
      %cond3A_90 = arith.cmpi ne, %convert_element_type3A_88, %cond3A_89 : i32
      scf.if %cond3A_90 {
        %mul3A_167 = arith.constant 64 : i32
        %mul3A_168 = arith.muli %sub3A_85, %mul3A_167 : i32
        %dma_start3A_169 = tpu.memref_slice %arg9[%mul3A_168] : memref<8192xi32, #tpu.memory_space<vmem>> -> memref<64xi32, #tpu.memory_space<vmem>>
        %dma_start3A_170 = arith.constant 0 : i32
        %dma_start3A_171 = arith.constant 0 : i32
        %dma_start3A_172 = tpu.memref_slice %arg2[%dma_start3A_170, %dma_start3A_171] : memref<16384x128xf32, #tpu.memory_space<hbm>> -> memref<16384x128xf32, #tpu.memory_space<hbm>>
        tpu.enqueue_indirect_dma source(%dma_start3A_172 : memref<16384x128xf32, #tpu.memory_space<hbm>>) target(%arg21 : memref<64x128xf32, #tpu.memory_space<vmem>>) offsets(%dma_start3A_169 : memref<64xi32, #tpu.memory_space<vmem>>) semaphore(%arg29 : memref<!tpu.dma_semaphore, #tpu.memory_space<semaphore_mem>>)
        %dma_start3A_173 = tpu.memref_slice %arg10[%mul3A_168] : memref<8192xi32, #tpu.memory_space<vmem>> -> memref<64xi32, #tpu.memory_space<vmem>>
        %dma_start3A_174 = arith.constant 0 : i32
        %dma_start3A_175 = arith.constant 0 : i32
        %dma_start3A_176 = tpu.memref_slice %arg3[%dma_start3A_174, %dma_start3A_175] : memref<16384x128xf32, #tpu.memory_space<hbm>> -> memref<16384x128xf32, #tpu.memory_space<hbm>>
        tpu.enqueue_indirect_dma source(%dma_start3A_176 : memref<16384x128xf32, #tpu.memory_space<hbm>>) target(%arg22 : memref<64x128xf32, #tpu.memory_space<vmem>>) offsets(%dma_start3A_173 : memref<64xi32, #tpu.memory_space<vmem>>) semaphore(%arg29 : memref<!tpu.dma_semaphore, #tpu.memory_space<semaphore_mem>>)
        %dma_start3A_177 = tpu.memref_slice %arg11[%mul3A_168] : memref<8192xi32, #tpu.memory_space<vmem>> -> memref<64xi32, #tpu.memory_space<vmem>>
        %dma_start3A_178 = arith.constant 0 : i32
        %dma_start3A_179 = arith.constant 0 : i32
        %dma_start3A_180 = tpu.memref_slice %arg4[%dma_start3A_178, %dma_start3A_179] : memref<16384x128xf32, #tpu.memory_space<hbm>> -> memref<16384x128xf32, #tpu.memory_space<hbm>>
        tpu.enqueue_indirect_dma source(%dma_start3A_180 : memref<16384x128xf32, #tpu.memory_space<hbm>>) target(%arg23 : memref<64x128xf32, #tpu.memory_space<vmem>>) offsets(%dma_start3A_177 : memref<64xi32, #tpu.memory_space<vmem>>) semaphore(%arg29 : memref<!tpu.dma_semaphore, #tpu.memory_space<semaphore_mem>>)
      } else {
      }
      %mul3A_91 = arith.constant 64 : i32
      %mul3A_92 = arith.muli %add3A_81, %mul3A_91 : i32
      %dma_wait3A_93 = tpu.memref_slice %arg9[%mul3A_92] : memref<8192xi32, #tpu.memory_space<vmem>> -> memref<64xi32, #tpu.memory_space<vmem>>
      %dma_wait3A_94 = arith.constant 0 : i32
      %dma_wait3A_95 = arith.constant 0 : i32
      %dma_wait3A_96 = tpu.memref_slice %arg2[%dma_wait3A_94, %dma_wait3A_95] : memref<16384x128xf32, #tpu.memory_space<hbm>> -> memref<16384x128xf32, #tpu.memory_space<hbm>>
      tpu.wait_indirect_dma semaphore(%arg27 : memref<!tpu.dma_semaphore, #tpu.memory_space<semaphore_mem>>) src(%dma_wait3A_96 : memref<16384x128xf32, #tpu.memory_space<hbm>>) dst(%arg15 : memref<64x128xf32, #tpu.memory_space<vmem>>)
      %dma_wait3A_97 = tpu.memref_slice %arg10[%mul3A_92] : memref<8192xi32, #tpu.memory_space<vmem>> -> memref<64xi32, #tpu.memory_space<vmem>>
      %dma_wait3A_98 = arith.constant 0 : i32
      %dma_wait3A_99 = arith.constant 0 : i32
      %dma_wait3A_100 = tpu.memref_slice %arg3[%dma_wait3A_98, %dma_wait3A_99] : memref<16384x128xf32, #tpu.memory_space<hbm>> -> memref<16384x128xf32, #tpu.memory_space<hbm>>
      tpu.wait_indirect_dma semaphore(%arg27 : memref<!tpu.dma_semaphore, #tpu.memory_space<semaphore_mem>>) src(%dma_wait3A_100 : memref<16384x128xf32, #tpu.memory_space<hbm>>) dst(%arg16 : memref<64x128xf32, #tpu.memory_space<vmem>>)
      %dma_wait3A_101 = tpu.memref_slice %arg11[%mul3A_92] : memref<8192xi32, #tpu.memory_space<vmem>> -> memref<64xi32, #tpu.memory_space<vmem>>
      %dma_wait3A_102 = arith.constant 0 : i32
      %dma_wait3A_103 = arith.constant 0 : i32
      %dma_wait3A_104 = tpu.memref_slice %arg4[%dma_wait3A_102, %dma_wait3A_103] : memref<16384x128xf32, #tpu.memory_space<hbm>> -> memref<16384x128xf32, #tpu.memory_space<hbm>>
      tpu.wait_indirect_dma semaphore(%arg27 : memref<!tpu.dma_semaphore, #tpu.memory_space<semaphore_mem>>) src(%dma_wait3A_104 : memref<16384x128xf32, #tpu.memory_space<hbm>>) dst(%arg17 : memref<64x128xf32, #tpu.memory_space<vmem>>)
      %parallel_loop3A_105 = arith.constant 0 : i32
      %parallel_loop3A_106 = arith.constant 64 : i32
      %parallel_loop3A_107 = arith.constant 1 : i32
      %parallel_loop3A_108 = scf.for %parallel_loop3A_167 = %parallel_loop3A_105 to %parallel_loop3A_106 step %parallel_loop3A_107 iter_args(%parallel_loop3A_168 = %parallel_loop3A_79) -> (vector<16xf32>)  : i32 {
        %parallel_loop3A_169 = arith.constant 0.000000e+00 : f32
        %parallel_loop3A_170 = vector.broadcast %parallel_loop3A_169 : f32 to vector<16xf32>
        %parallel_loop3A_171 = arith.index_cast %parallel_loop3A_167 : i32 to index
        %parallel_loop3A_172 = arith.constant 0 : index
        %parallel_loop3A_173 = tpu.vector_load %arg15[%parallel_loop3A_171, %parallel_loop3A_172] {strides = array<i32>} : memref<64x128xf32, #tpu.memory_space<vmem>>, vector<16xf32>,
        %parallel_loop3A_174 = arith.index_cast %parallel_loop3A_167 : i32 to index
        %parallel_loop3A_175 = arith.constant 0 : index
        %parallel_loop3A_176 = tpu.vector_load %arg16[%parallel_loop3A_174, %parallel_loop3A_175] {strides = array<i32>} : memref<64x128xf32, #tpu.memory_space<vmem>>, vector<16xf32>,
        %parallel_loop3A_177 = arith.index_cast %parallel_loop3A_167 : i32 to index
        %parallel_loop3A_178 = arith.constant 0 : index
        %parallel_loop3A_179 = tpu.vector_load %arg17[%parallel_loop3A_177, %parallel_loop3A_178] {strides = array<i32>} : memref<64x128xf32, #tpu.memory_space<vmem>>, vector<16xf32>,
        %parallel_loop3A_180 = arith.subf %parallel_loop3A_173, %parallel_loop3A_176 : vector<16xf32>
        %parallel_loop3A_181 = arith.subf %parallel_loop3A_173, %parallel_loop3A_179 : vector<16xf32>
        %parallel_loop3A_182 = arith.mulf %parallel_loop3A_180, %parallel_loop3A_180 : vector<16xf32>
        %parallel_loop3A_183 = arith.mulf %parallel_loop3A_181, %parallel_loop3A_181 : vector<16xf32>
        %parallel_loop3A_184 = arith.subf %parallel_loop3A_182, %parallel_loop3A_183 : vector<16xf32>
        %parallel_loop3A_185 = arith.addf %parallel_loop3A_170, %parallel_loop3A_184 : vector<16xf32>
        %parallel_loop3A_186 = arith.index_cast %parallel_loop3A_167 : i32 to index
        %parallel_loop3A_187 = arith.constant 16 : index
        %parallel_loop3A_188 = tpu.vector_load %arg15[%parallel_loop3A_186, %parallel_loop3A_187] {strides = array<i32>} : memref<64x128xf32, #tpu.memory_space<vmem>>, vector<16xf32>,
        %parallel_loop3A_189 = arith.index_cast %parallel_loop3A_167 : i32 to index
        %parallel_loop3A_190 = arith.constant 16 : index
        %parallel_loop3A_191 = tpu.vector_load %arg16[%parallel_loop3A_189, %parallel_loop3A_190] {strides = array<i32>} : memref<64x128xf32, #tpu.memory_space<vmem>>, vector<16xf32>,
        %parallel_loop3A_192 = arith.index_cast %parallel_loop3A_167 : i32 to index
        %parallel_loop3A_193 = arith.constant 16 : index
        %parallel_loop3A_194 = tpu.vector_load %arg17[%parallel_loop3A_192, %parallel_loop3A_193] {strides = array<i32>} : memref<64x128xf32, #tpu.memory_space<vmem>>, vector<16xf32>,
        %parallel_loop3A_195 = arith.subf %parallel_loop3A_188, %parallel_loop3A_191 : vector<16xf32>
        %parallel_loop3A_196 = arith.subf %parallel_loop3A_188, %parallel_loop3A_194 : vector<16xf32>
        %parallel_loop3A_197 = arith.mulf %parallel_loop3A_195, %parallel_loop3A_195 : vector<16xf32>
        %parallel_loop3A_198 = arith.mulf %parallel_loop3A_196, %parallel_loop3A_196 : vector<16xf32>
        %parallel_loop3A_199 = arith.subf %parallel_loop3A_197, %parallel_loop3A_198 : vector<16xf32>
        %parallel_loop3A_200 = arith.addf %parallel_loop3A_185, %parallel_loop3A_199 : vector<16xf32>
        %parallel_loop3A_201 = arith.index_cast %parallel_loop3A_167 : i32 to index
        %parallel_loop3A_202 = arith.constant 32 : index
        %parallel_loop3A_203 = tpu.vector_load %arg15[%parallel_loop3A_201, %parallel_loop3A_202] {strides = array<i32>} : memref<64x128xf32, #tpu.memory_space<vmem>>, vector<16xf32>,
        %parallel_loop3A_204 = arith.index_cast %parallel_loop3A_167 : i32 to index
        %parallel_loop3A_205 = arith.constant 32 : index
        %parallel_loop3A_206 = tpu.vector_load %arg16[%parallel_loop3A_204, %parallel_loop3A_205] {strides = array<i32>} : memref<64x128xf32, #tpu.memory_space<vmem>>, vector<16xf32>,
        %parallel_loop3A_207 = arith.index_cast %parallel_loop3A_167 : i32 to index
        %parallel_loop3A_208 = arith.constant 32 : index
        %parallel_loop3A_209 = tpu.vector_load %arg17[%parallel_loop3A_207, %parallel_loop3A_208] {strides = array<i32>} : memref<64x128xf32, #tpu.memory_space<vmem>>, vector<16xf32>,
        %parallel_loop3A_210 = arith.subf %parallel_loop3A_203, %parallel_loop3A_206 : vector<16xf32>
        %parallel_loop3A_211 = arith.subf %parallel_loop3A_203, %parallel_loop3A_209 : vector<16xf32>
        %parallel_loop3A_212 = arith.mulf %parallel_loop3A_210, %parallel_loop3A_210 : vector<16xf32>
        %parallel_loop3A_213 = arith.mulf %parallel_loop3A_211, %parallel_loop3A_211 : vector<16xf32>
        %parallel_loop3A_214 = arith.subf %parallel_loop3A_212, %parallel_loop3A_213 : vector<16xf32>
        %parallel_loop3A_215 = arith.addf %parallel_loop3A_200, %parallel_loop3A_214 : vector<16xf32>
        %parallel_loop3A_216 = arith.index_cast %parallel_loop3A_167 : i32 to index
        %parallel_loop3A_217 = arith.constant 48 : index
        %parallel_loop3A_218 = tpu.vector_load %arg15[%parallel_loop3A_216, %parallel_loop3A_217] {strides = array<i32>} : memref<64x128xf32, #tpu.memory_space<vmem>>, vector<16xf32>,
        %parallel_loop3A_219 = arith.index_cast %parallel_loop3A_167 : i32 to index
        %parallel_loop3A_220 = arith.constant 48 : index
        %parallel_loop3A_221 = tpu.vector_load %arg16[%parallel_loop3A_219, %parallel_loop3A_220] {strides = array<i32>} : memref<64x128xf32, #tpu.memory_space<vmem>>, vector<16xf32>,
        %parallel_loop3A_222 = arith.index_cast %parallel_loop3A_167 : i32 to index
        %parallel_loop3A_223 = arith.constant 48 : index
        %parallel_loop3A_224 = tpu.vector_load %arg17[%parallel_loop3A_222, %parallel_loop3A_223] {strides = array<i32>} : memref<64x128xf32, #tpu.memory_space<vmem>>, vector<16xf32>,
        %parallel_loop3A_225 = arith.subf %parallel_loop3A_218, %parallel_loop3A_221 : vector<16xf32>
        %parallel_loop3A_226 = arith.subf %parallel_loop3A_218, %parallel_loop3A_224 : vector<16xf32>
        %parallel_loop3A_227 = arith.mulf %parallel_loop3A_225, %parallel_loop3A_225 : vector<16xf32>
        %parallel_loop3A_228 = arith.mulf %parallel_loop3A_226, %parallel_loop3A_226 : vector<16xf32>
        %parallel_loop3A_229 = arith.subf %parallel_loop3A_227, %parallel_loop3A_228 : vector<16xf32>
        %parallel_loop3A_230 = arith.addf %parallel_loop3A_215, %parallel_loop3A_229 : vector<16xf32>
        %parallel_loop3A_231 = arith.index_cast %parallel_loop3A_167 : i32 to index
        %parallel_loop3A_232 = arith.constant 64 : index
        %parallel_loop3A_233 = tpu.vector_load %arg15[%parallel_loop3A_231, %parallel_loop3A_232] {strides = array<i32>} : memref<64x128xf32, #tpu.memory_space<vmem>>, vector<16xf32>,
        %parallel_loop3A_234 = arith.index_cast %parallel_loop3A_167 : i32 to index
        %parallel_loop3A_235 = arith.constant 64 : index
        %parallel_loop3A_236 = tpu.vector_load %arg16[%parallel_loop3A_234, %parallel_loop3A_235] {strides = array<i32>} : memref<64x128xf32, #tpu.memory_space<vmem>>, vector<16xf32>,
        %parallel_loop3A_237 = arith.index_cast %parallel_loop3A_167 : i32 to index
        %parallel_loop3A_238 = arith.constant 64 : index
        %parallel_loop3A_239 = tpu.vector_load %arg17[%parallel_loop3A_237, %parallel_loop3A_238] {strides = array<i32>} : memref<64x128xf32, #tpu.memory_space<vmem>>, vector<16xf32>,
        %parallel_loop3A_240 = arith.subf %parallel_loop3A_233, %parallel_loop3A_236 : vector<16xf32>
        %parallel_loop3A_241 = arith.subf %parallel_loop3A_233, %parallel_loop3A_239 : vector<16xf32>
        %parallel_loop3A_242 = arith.mulf %parallel_loop3A_240, %parallel_loop3A_240 : vector<16xf32>
        %parallel_loop3A_243 = arith.mulf %parallel_loop3A_241, %parallel_loop3A_241 : vector<16xf32>
        %parallel_loop3A_244 = arith.subf %parallel_loop3A_242, %parallel_loop3A_243 : vector<16xf32>
        %parallel_loop3A_245 = arith.addf %parallel_loop3A_230, %parallel_loop3A_244 : vector<16xf32>
        %parallel_loop3A_246 = arith.index_cast %parallel_loop3A_167 : i32 to index
        %parallel_loop3A_247 = arith.constant 80 : index
        %parallel_loop3A_248 = tpu.vector_load %arg15[%parallel_loop3A_246, %parallel_loop3A_247] {strides = array<i32>} : memref<64x128xf32, #tpu.memory_space<vmem>>, vector<16xf32>,
        %parallel_loop3A_249 = arith.index_cast %parallel_loop3A_167 : i32 to index
        %parallel_loop3A_250 = arith.constant 80 : index
        %parallel_loop3A_251 = tpu.vector_load %arg16[%parallel_loop3A_249, %parallel_loop3A_250] {strides = array<i32>} : memref<64x128xf32, #tpu.memory_space<vmem>>, vector<16xf32>,
        %parallel_loop3A_252 = arith.index_cast %parallel_loop3A_167 : i32 to index
        %parallel_loop3A_253 = arith.constant 80 : index
        %parallel_loop3A_254 = tpu.vector_load %arg17[%parallel_loop3A_252, %parallel_loop3A_253] {strides = array<i32>} : memref<64x128xf32, #tpu.memory_space<vmem>>, vector<16xf32>,
        %parallel_loop3A_255 = arith.subf %parallel_loop3A_248, %parallel_loop3A_251 : vector<16xf32>
        %parallel_loop3A_256 = arith.subf %parallel_loop3A_248, %parallel_loop3A_254 : vector<16xf32>
        %parallel_loop3A_257 = arith.mulf %parallel_loop3A_255, %parallel_loop3A_255 : vector<16xf32>
        %parallel_loop3A_258 = arith.mulf %parallel_loop3A_256, %parallel_loop3A_256 : vector<16xf32>
        %parallel_loop3A_259 = arith.subf %parallel_loop3A_257, %parallel_loop3A_258 : vector<16xf32>
        %parallel_loop3A_260 = arith.addf %parallel_loop3A_245, %parallel_loop3A_259 : vector<16xf32>
        %parallel_loop3A_261 = arith.index_cast %parallel_loop3A_167 : i32 to index
        %parallel_loop3A_262 = arith.constant 96 : index
        %parallel_loop3A_263 = tpu.vector_load %arg15[%parallel_loop3A_261, %parallel_loop3A_262] {strides = array<i32>} : memref<64x128xf32, #tpu.memory_space<vmem>>, vector<16xf32>,
        %parallel_loop3A_264 = arith.index_cast %parallel_loop3A_167 : i32 to index
        %parallel_loop3A_265 = arith.constant 96 : index
        %parallel_loop3A_266 = tpu.vector_load %arg16[%parallel_loop3A_264, %parallel_loop3A_265] {strides = array<i32>} : memref<64x128xf32, #tpu.memory_space<vmem>>, vector<16xf32>,
        %parallel_loop3A_267 = arith.index_cast %parallel_loop3A_167 : i32 to index
        %parallel_loop3A_268 = arith.constant 96 : index
        %parallel_loop3A_269 = tpu.vector_load %arg17[%parallel_loop3A_267, %parallel_loop3A_268] {strides = array<i32>} : memref<64x128xf32, #tpu.memory_space<vmem>>, vector<16xf32>,
        %parallel_loop3A_270 = arith.subf %parallel_loop3A_263, %parallel_loop3A_266 : vector<16xf32>
        %parallel_loop3A_271 = arith.subf %parallel_loop3A_263, %parallel_loop3A_269 : vector<16xf32>
        %parallel_loop3A_272 = arith.mulf %parallel_loop3A_270, %parallel_loop3A_270 : vector<16xf32>
        %parallel_loop3A_273 = arith.mulf %parallel_loop3A_271, %parallel_loop3A_271 : vector<16xf32>
        %parallel_loop3A_274 = arith.subf %parallel_loop3A_272, %parallel_loop3A_273 : vector<16xf32>
        %parallel_loop3A_275 = arith.addf %parallel_loop3A_260, %parallel_loop3A_274 : vector<16xf32>
        %parallel_loop3A_276 = arith.index_cast %parallel_loop3A_167 : i32 to index
        %parallel_loop3A_277 = arith.constant 112 : index
        %parallel_loop3A_278 = tpu.vector_load %arg15[%parallel_loop3A_276, %parallel_loop3A_277] {strides = array<i32>} : memref<64x128xf32, #tpu.memory_space<vmem>>, vector<16xf32>,
        %parallel_loop3A_279 = arith.index_cast %parallel_loop3A_167 : i32 to index
        %parallel_loop3A_280 = arith.constant 112 : index
        %parallel_loop3A_281 = tpu.vector_load %arg16[%parallel_loop3A_279, %parallel_loop3A_280] {strides = array<i32>} : memref<64x128xf32, #tpu.memory_space<vmem>>, vector<16xf32>,
        %parallel_loop3A_282 = arith.index_cast %parallel_loop3A_167 : i32 to index
        %parallel_loop3A_283 = arith.constant 112 : index
        %parallel_loop3A_284 = tpu.vector_load %arg17[%parallel_loop3A_282, %parallel_loop3A_283] {strides = array<i32>} : memref<64x128xf32, #tpu.memory_space<vmem>>, vector<16xf32>,
        %parallel_loop3A_285 = arith.subf %parallel_loop3A_278, %parallel_loop3A_281 : vector<16xf32>
        %parallel_loop3A_286 = arith.subf %parallel_loop3A_278, %parallel_loop3A_284 : vector<16xf32>
        %parallel_loop3A_287 = arith.mulf %parallel_loop3A_285, %parallel_loop3A_285 : vector<16xf32>
        %parallel_loop3A_288 = arith.mulf %parallel_loop3A_286, %parallel_loop3A_286 : vector<16xf32>
        %parallel_loop3A_289 = arith.subf %parallel_loop3A_287, %parallel_loop3A_288 : vector<16xf32>
        %parallel_loop3A_290 = arith.addf %parallel_loop3A_275, %parallel_loop3A_289 : vector<16xf32>
        %parallel_loop3A_291 = arith.constant true
        %parallel_loop3A_292 = vector.broadcast %parallel_loop3A_291 : i1 to vector<16xi1>
        %parallel_loop3A_293 = tpu.scan <sum>, %parallel_loop3A_290 masked %parallel_loop3A_292 : vector<16xf32>, vector<16xi1> -> vector<16xf32>
        %parallel_loop3A_294 = arith.constant 2.000000e-01 : f32
        %parallel_loop3A_295 = vector.broadcast %parallel_loop3A_294 : f32 to vector<16xf32>
        %parallel_loop3A_296 = arith.addf %parallel_loop3A_293, %parallel_loop3A_295 : vector<16xf32>
        %parallel_loop3A_297 = arith.constant 0.000000e+00 : f32
        %parallel_loop3A_298 = vector.broadcast %parallel_loop3A_297 : f32 to vector<16xf32>
        %parallel_loop3A_299 = arith.maximumf %parallel_loop3A_296, %parallel_loop3A_298 : vector<16xf32>
        %parallel_loop3A_300 = arith.constant 0.000000e+00 : f32
        %parallel_loop3A_301 = vector.broadcast %parallel_loop3A_300 : f32 to vector<16xf32>
        %parallel_loop3A_302 = arith.select %eq3A_14, %parallel_loop3A_299, %parallel_loop3A_301 : vector<16xi1>, vector<16xf32>
        %parallel_loop3A_303 = arith.addf %parallel_loop3A_168, %parallel_loop3A_302 : vector<16xf32>
        scf.yield %parallel_loop3A_303 : vector<16xf32>
      } {sc.loop_unroll_factor = 4 : i64, sc.parallel_access}
      %add3A_109 = arith.constant 2 : i32
      %add3A_110 = arith.addi %mul3A_55, %add3A_109 : i32
      %add3A_111 = arith.constant 4 : i32
      %add3A_112 = arith.addi %add3A_110, %add3A_111 : i32
      %sub3A_113 = arith.constant 2 : i32
      %sub3A_114 = arith.subi %add3A_112, %sub3A_113 : i32
      %lt3A_115 = arith.constant 128 : i32
      %lt3A_116 = arith.cmpi slt, %sub3A_114, %lt3A_115 : i32
      %convert_element_type3A_117 = arith.extui %lt3A_116 : i1 to i32
      %cond3A_118 = arith.constant 0 : i32
      %cond3A_119 = arith.cmpi ne, %convert_element_type3A_117, %cond3A_118 : i32
      scf.if %cond3A_119 {
        %mul3A_167 = arith.constant 64 : i32
        %mul3A_168 = arith.muli %sub3A_114, %mul3A_167 : i32
        %dma_start3A_169 = tpu.memref_slice %arg9[%mul3A_168] : memref<8192xi32, #tpu.memory_space<vmem>> -> memref<64xi32, #tpu.memory_space<vmem>>
        %dma_start3A_170 = arith.constant 0 : i32
        %dma_start3A_171 = arith.constant 0 : i32
        %dma_start3A_172 = tpu.memref_slice %arg2[%dma_start3A_170, %dma_start3A_171] : memref<16384x128xf32, #tpu.memory_space<hbm>> -> memref<16384x128xf32, #tpu.memory_space<hbm>>
        tpu.enqueue_indirect_dma source(%dma_start3A_172 : memref<16384x128xf32, #tpu.memory_space<hbm>>) target(%arg12 : memref<64x128xf32, #tpu.memory_space<vmem>>) offsets(%dma_start3A_169 : memref<64xi32, #tpu.memory_space<vmem>>) semaphore(%arg26 : memref<!tpu.dma_semaphore, #tpu.memory_space<semaphore_mem>>)
        %dma_start3A_173 = tpu.memref_slice %arg10[%mul3A_168] : memref<8192xi32, #tpu.memory_space<vmem>> -> memref<64xi32, #tpu.memory_space<vmem>>
        %dma_start3A_174 = arith.constant 0 : i32
        %dma_start3A_175 = arith.constant 0 : i32
        %dma_start3A_176 = tpu.memref_slice %arg3[%dma_start3A_174, %dma_start3A_175] : memref<16384x128xf32, #tpu.memory_space<hbm>> -> memref<16384x128xf32, #tpu.memory_space<hbm>>
        tpu.enqueue_indirect_dma source(%dma_start3A_176 : memref<16384x128xf32, #tpu.memory_space<hbm>>) target(%arg13 : memref<64x128xf32, #tpu.memory_space<vmem>>) offsets(%dma_start3A_173 : memref<64xi32, #tpu.memory_space<vmem>>) semaphore(%arg26 : memref<!tpu.dma_semaphore, #tpu.memory_space<semaphore_mem>>)
        %dma_start3A_177 = tpu.memref_slice %arg11[%mul3A_168] : memref<8192xi32, #tpu.memory_space<vmem>> -> memref<64xi32, #tpu.memory_space<vmem>>
        %dma_start3A_178 = arith.constant 0 : i32
        %dma_start3A_179 = arith.constant 0 : i32
        %dma_start3A_180 = tpu.memref_slice %arg4[%dma_start3A_178, %dma_start3A_179] : memref<16384x128xf32, #tpu.memory_space<hbm>> -> memref<16384x128xf32, #tpu.memory_space<hbm>>
        tpu.enqueue_indirect_dma source(%dma_start3A_180 : memref<16384x128xf32, #tpu.memory_space<hbm>>) target(%arg14 : memref<64x128xf32, #tpu.memory_space<vmem>>) offsets(%dma_start3A_177 : memref<64xi32, #tpu.memory_space<vmem>>) semaphore(%arg26 : memref<!tpu.dma_semaphore, #tpu.memory_space<semaphore_mem>>)
      } else {
      }
      %mul3A_120 = arith.constant 64 : i32
      %mul3A_121 = arith.muli %add3A_110, %mul3A_120 : i32
      %dma_wait3A_122 = tpu.memref_slice %arg9[%mul3A_121] : memref<8192xi32, #tpu.memory_space<vmem>> -> memref<64xi32, #tpu.memory_space<vmem>>
      %dma_wait3A_123 = arith.constant 0 : i32
      %dma_wait3A_124 = arith.constant 0 : i32
      %dma_wait3A_125 = tpu.memref_slice %arg2[%dma_wait3A_123, %dma_wait3A_124] : memref<16384x128xf32, #tpu.memory_space<hbm>> -> memref<16384x128xf32, #tpu.memory_space<hbm>>
      tpu.wait_indirect_dma semaphore(%arg28 : memref<!tpu.dma_semaphore, #tpu.memory_space<semaphore_mem>>) src(%dma_wait3A_125 : memref<16384x128xf32, #tpu.memory_space<hbm>>) dst(%arg18 : memref<64x128xf32, #tpu.memory_space<vmem>>)
      %dma_wait3A_126 = tpu.memref_slice %arg10[%mul3A_121] : memref<8192xi32, #tpu.memory_space<vmem>> -> memref<64xi32, #tpu.memory_space<vmem>>
      %dma_wait3A_127 = arith.constant 0 : i32
      %dma_wait3A_128 = arith.constant 0 : i32
      %dma_wait3A_129 = tpu.memref_slice %arg3[%dma_wait3A_127, %dma_wait3A_128] : memref<16384x128xf32, #tpu.memory_space<hbm>> -> memref<16384x128xf32, #tpu.memory_space<hbm>>
      tpu.wait_indirect_dma semaphore(%arg28 : memref<!tpu.dma_semaphore, #tpu.memory_space<semaphore_mem>>) src(%dma_wait3A_129 : memref<16384x128xf32, #tpu.memory_space<hbm>>) dst(%arg19 : memref<64x128xf32, #tpu.memory_space<vmem>>)
      %dma_wait3A_130 = tpu.memref_slice %arg11[%mul3A_121] : memref<8192xi32, #tpu.memory_space<vmem>> -> memref<64xi32, #tpu.memory_space<vmem>>
      %dma_wait3A_131 = arith.constant 0 : i32
      %dma_wait3A_132 = arith.constant 0 : i32
      %dma_wait3A_133 = tpu.memref_slice %arg4[%dma_wait3A_131, %dma_wait3A_132] : memref<16384x128xf32, #tpu.memory_space<hbm>> -> memref<16384x128xf32, #tpu.memory_space<hbm>>
      tpu.wait_indirect_dma semaphore(%arg28 : memref<!tpu.dma_semaphore, #tpu.memory_space<semaphore_mem>>) src(%dma_wait3A_133 : memref<16384x128xf32, #tpu.memory_space<hbm>>) dst(%arg20 : memref<64x128xf32, #tpu.memory_space<vmem>>)
      %parallel_loop3A_134 = arith.constant 0 : i32
      %parallel_loop3A_135 = arith.constant 64 : i32
      %parallel_loop3A_136 = arith.constant 1 : i32
      %parallel_loop3A_137 = scf.for %parallel_loop3A_167 = %parallel_loop3A_134 to %parallel_loop3A_135 step %parallel_loop3A_136 iter_args(%parallel_loop3A_168 = %parallel_loop3A_108) -> (vector<16xf32>)  : i32 {
        %parallel_loop3A_169 = arith.constant 0.000000e+00 : f32
        %parallel_loop3A_170 = vector.broadcast %parallel_loop3A_169 : f32 to vector<16xf32>
        %parallel_loop3A_171 = arith.index_cast %parallel_loop3A_167 : i32 to index
        %parallel_loop3A_172 = arith.constant 0 : index
        %parallel_loop3A_173 = tpu.vector_load %arg18[%parallel_loop3A_171, %parallel_loop3A_172] {strides = array<i32>} : memref<64x128xf32, #tpu.memory_space<vmem>>, vector<16xf32>,
        %parallel_loop3A_174 = arith.index_cast %parallel_loop3A_167 : i32 to index
        %parallel_loop3A_175 = arith.constant 0 : index
        %parallel_loop3A_176 = tpu.vector_load %arg19[%parallel_loop3A_174, %parallel_loop3A_175] {strides = array<i32>} : memref<64x128xf32, #tpu.memory_space<vmem>>, vector<16xf32>,
        %parallel_loop3A_177 = arith.index_cast %parallel_loop3A_167 : i32 to index
        %parallel_loop3A_178 = arith.constant 0 : index
        %parallel_loop3A_179 = tpu.vector_load %arg20[%parallel_loop3A_177, %parallel_loop3A_178] {strides = array<i32>} : memref<64x128xf32, #tpu.memory_space<vmem>>, vector<16xf32>,
        %parallel_loop3A_180 = arith.subf %parallel_loop3A_173, %parallel_loop3A_176 : vector<16xf32>
        %parallel_loop3A_181 = arith.subf %parallel_loop3A_173, %parallel_loop3A_179 : vector<16xf32>
        %parallel_loop3A_182 = arith.mulf %parallel_loop3A_180, %parallel_loop3A_180 : vector<16xf32>
        %parallel_loop3A_183 = arith.mulf %parallel_loop3A_181, %parallel_loop3A_181 : vector<16xf32>
        %parallel_loop3A_184 = arith.subf %parallel_loop3A_182, %parallel_loop3A_183 : vector<16xf32>
        %parallel_loop3A_185 = arith.addf %parallel_loop3A_170, %parallel_loop3A_184 : vector<16xf32>
        %parallel_loop3A_186 = arith.index_cast %parallel_loop3A_167 : i32 to index
        %parallel_loop3A_187 = arith.constant 16 : index
        %parallel_loop3A_188 = tpu.vector_load %arg18[%parallel_loop3A_186, %parallel_loop3A_187] {strides = array<i32>} : memref<64x128xf32, #tpu.memory_space<vmem>>, vector<16xf32>,
        %parallel_loop3A_189 = arith.index_cast %parallel_loop3A_167 : i32 to index
        %parallel_loop3A_190 = arith.constant 16 : index
        %parallel_loop3A_191 = tpu.vector_load %arg19[%parallel_loop3A_189, %parallel_loop3A_190] {strides = array<i32>} : memref<64x128xf32, #tpu.memory_space<vmem>>, vector<16xf32>,
        %parallel_loop3A_192 = arith.index_cast %parallel_loop3A_167 : i32 to index
        %parallel_loop3A_193 = arith.constant 16 : index
        %parallel_loop3A_194 = tpu.vector_load %arg20[%parallel_loop3A_192, %parallel_loop3A_193] {strides = array<i32>} : memref<64x128xf32, #tpu.memory_space<vmem>>, vector<16xf32>,
        %parallel_loop3A_195 = arith.subf %parallel_loop3A_188, %parallel_loop3A_191 : vector<16xf32>
        %parallel_loop3A_196 = arith.subf %parallel_loop3A_188, %parallel_loop3A_194 : vector<16xf32>
        %parallel_loop3A_197 = arith.mulf %parallel_loop3A_195, %parallel_loop3A_195 : vector<16xf32>
        %parallel_loop3A_198 = arith.mulf %parallel_loop3A_196, %parallel_loop3A_196 : vector<16xf32>
        %parallel_loop3A_199 = arith.subf %parallel_loop3A_197, %parallel_loop3A_198 : vector<16xf32>
        %parallel_loop3A_200 = arith.addf %parallel_loop3A_185, %parallel_loop3A_199 : vector<16xf32>
        %parallel_loop3A_201 = arith.index_cast %parallel_loop3A_167 : i32 to index
        %parallel_loop3A_202 = arith.constant 32 : index
        %parallel_loop3A_203 = tpu.vector_load %arg18[%parallel_loop3A_201, %parallel_loop3A_202] {strides = array<i32>} : memref<64x128xf32, #tpu.memory_space<vmem>>, vector<16xf32>,
        %parallel_loop3A_204 = arith.index_cast %parallel_loop3A_167 : i32 to index
        %parallel_loop3A_205 = arith.constant 32 : index
        %parallel_loop3A_206 = tpu.vector_load %arg19[%parallel_loop3A_204, %parallel_loop3A_205] {strides = array<i32>} : memref<64x128xf32, #tpu.memory_space<vmem>>, vector<16xf32>,
        %parallel_loop3A_207 = arith.index_cast %parallel_loop3A_167 : i32 to index
        %parallel_loop3A_208 = arith.constant 32 : index
        %parallel_loop3A_209 = tpu.vector_load %arg20[%parallel_loop3A_207, %parallel_loop3A_208] {strides = array<i32>} : memref<64x128xf32, #tpu.memory_space<vmem>>, vector<16xf32>,
        %parallel_loop3A_210 = arith.subf %parallel_loop3A_203, %parallel_loop3A_206 : vector<16xf32>
        %parallel_loop3A_211 = arith.subf %parallel_loop3A_203, %parallel_loop3A_209 : vector<16xf32>
        %parallel_loop3A_212 = arith.mulf %parallel_loop3A_210, %parallel_loop3A_210 : vector<16xf32>
        %parallel_loop3A_213 = arith.mulf %parallel_loop3A_211, %parallel_loop3A_211 : vector<16xf32>
        %parallel_loop3A_214 = arith.subf %parallel_loop3A_212, %parallel_loop3A_213 : vector<16xf32>
        %parallel_loop3A_215 = arith.addf %parallel_loop3A_200, %parallel_loop3A_214 : vector<16xf32>
        %parallel_loop3A_216 = arith.index_cast %parallel_loop3A_167 : i32 to index
        %parallel_loop3A_217 = arith.constant 48 : index
        %parallel_loop3A_218 = tpu.vector_load %arg18[%parallel_loop3A_216, %parallel_loop3A_217] {strides = array<i32>} : memref<64x128xf32, #tpu.memory_space<vmem>>, vector<16xf32>,
        %parallel_loop3A_219 = arith.index_cast %parallel_loop3A_167 : i32 to index
        %parallel_loop3A_220 = arith.constant 48 : index
        %parallel_loop3A_221 = tpu.vector_load %arg19[%parallel_loop3A_219, %parallel_loop3A_220] {strides = array<i32>} : memref<64x128xf32, #tpu.memory_space<vmem>>, vector<16xf32>,
        %parallel_loop3A_222 = arith.index_cast %parallel_loop3A_167 : i32 to index
        %parallel_loop3A_223 = arith.constant 48 : index
        %parallel_loop3A_224 = tpu.vector_load %arg20[%parallel_loop3A_222, %parallel_loop3A_223] {strides = array<i32>} : memref<64x128xf32, #tpu.memory_space<vmem>>, vector<16xf32>,
        %parallel_loop3A_225 = arith.subf %parallel_loop3A_218, %parallel_loop3A_221 : vector<16xf32>
        %parallel_loop3A_226 = arith.subf %parallel_loop3A_218, %parallel_loop3A_224 : vector<16xf32>
        %parallel_loop3A_227 = arith.mulf %parallel_loop3A_225, %parallel_loop3A_225 : vector<16xf32>
        %parallel_loop3A_228 = arith.mulf %parallel_loop3A_226, %parallel_loop3A_226 : vector<16xf32>
        %parallel_loop3A_229 = arith.subf %parallel_loop3A_227, %parallel_loop3A_228 : vector<16xf32>
        %parallel_loop3A_230 = arith.addf %parallel_loop3A_215, %parallel_loop3A_229 : vector<16xf32>
        %parallel_loop3A_231 = arith.index_cast %parallel_loop3A_167 : i32 to index
        %parallel_loop3A_232 = arith.constant 64 : index
        %parallel_loop3A_233 = tpu.vector_load %arg18[%parallel_loop3A_231, %parallel_loop3A_232] {strides = array<i32>} : memref<64x128xf32, #tpu.memory_space<vmem>>, vector<16xf32>,
        %parallel_loop3A_234 = arith.index_cast %parallel_loop3A_167 : i32 to index
        %parallel_loop3A_235 = arith.constant 64 : index
        %parallel_loop3A_236 = tpu.vector_load %arg19[%parallel_loop3A_234, %parallel_loop3A_235] {strides = array<i32>} : memref<64x128xf32, #tpu.memory_space<vmem>>, vector<16xf32>,
        %parallel_loop3A_237 = arith.index_cast %parallel_loop3A_167 : i32 to index
        %parallel_loop3A_238 = arith.constant 64 : index
        %parallel_loop3A_239 = tpu.vector_load %arg20[%parallel_loop3A_237, %parallel_loop3A_238] {strides = array<i32>} : memref<64x128xf32, #tpu.memory_space<vmem>>, vector<16xf32>,
        %parallel_loop3A_240 = arith.subf %parallel_loop3A_233, %parallel_loop3A_236 : vector<16xf32>
        %parallel_loop3A_241 = arith.subf %parallel_loop3A_233, %parallel_loop3A_239 : vector<16xf32>
        %parallel_loop3A_242 = arith.mulf %parallel_loop3A_240, %parallel_loop3A_240 : vector<16xf32>
        %parallel_loop3A_243 = arith.mulf %parallel_loop3A_241, %parallel_loop3A_241 : vector<16xf32>
        %parallel_loop3A_244 = arith.subf %parallel_loop3A_242, %parallel_loop3A_243 : vector<16xf32>
        %parallel_loop3A_245 = arith.addf %parallel_loop3A_230, %parallel_loop3A_244 : vector<16xf32>
        %parallel_loop3A_246 = arith.index_cast %parallel_loop3A_167 : i32 to index
        %parallel_loop3A_247 = arith.constant 80 : index
        %parallel_loop3A_248 = tpu.vector_load %arg18[%parallel_loop3A_246, %parallel_loop3A_247] {strides = array<i32>} : memref<64x128xf32, #tpu.memory_space<vmem>>, vector<16xf32>,
        %parallel_loop3A_249 = arith.index_cast %parallel_loop3A_167 : i32 to index
        %parallel_loop3A_250 = arith.constant 80 : index
        %parallel_loop3A_251 = tpu.vector_load %arg19[%parallel_loop3A_249, %parallel_loop3A_250] {strides = array<i32>} : memref<64x128xf32, #tpu.memory_space<vmem>>, vector<16xf32>,
        %parallel_loop3A_252 = arith.index_cast %parallel_loop3A_167 : i32 to index
        %parallel_loop3A_253 = arith.constant 80 : index
        %parallel_loop3A_254 = tpu.vector_load %arg20[%parallel_loop3A_252, %parallel_loop3A_253] {strides = array<i32>} : memref<64x128xf32, #tpu.memory_space<vmem>>, vector<16xf32>,
        %parallel_loop3A_255 = arith.subf %parallel_loop3A_248, %parallel_loop3A_251 : vector<16xf32>
        %parallel_loop3A_256 = arith.subf %parallel_loop3A_248, %parallel_loop3A_254 : vector<16xf32>
        %parallel_loop3A_257 = arith.mulf %parallel_loop3A_255, %parallel_loop3A_255 : vector<16xf32>
        %parallel_loop3A_258 = arith.mulf %parallel_loop3A_256, %parallel_loop3A_256 : vector<16xf32>
        %parallel_loop3A_259 = arith.subf %parallel_loop3A_257, %parallel_loop3A_258 : vector<16xf32>
        %parallel_loop3A_260 = arith.addf %parallel_loop3A_245, %parallel_loop3A_259 : vector<16xf32>
        %parallel_loop3A_261 = arith.index_cast %parallel_loop3A_167 : i32 to index
        %parallel_loop3A_262 = arith.constant 96 : index
        %parallel_loop3A_263 = tpu.vector_load %arg18[%parallel_loop3A_261, %parallel_loop3A_262] {strides = array<i32>} : memref<64x128xf32, #tpu.memory_space<vmem>>, vector<16xf32>,
        %parallel_loop3A_264 = arith.index_cast %parallel_loop3A_167 : i32 to index
        %parallel_loop3A_265 = arith.constant 96 : index
        %parallel_loop3A_266 = tpu.vector_load %arg19[%parallel_loop3A_264, %parallel_loop3A_265] {strides = array<i32>} : memref<64x128xf32, #tpu.memory_space<vmem>>, vector<16xf32>,
        %parallel_loop3A_267 = arith.index_cast %parallel_loop3A_167 : i32 to index
        %parallel_loop3A_268 = arith.constant 96 : index
        %parallel_loop3A_269 = tpu.vector_load %arg20[%parallel_loop3A_267, %parallel_loop3A_268] {strides = array<i32>} : memref<64x128xf32, #tpu.memory_space<vmem>>, vector<16xf32>,
        %parallel_loop3A_270 = arith.subf %parallel_loop3A_263, %parallel_loop3A_266 : vector<16xf32>
        %parallel_loop3A_271 = arith.subf %parallel_loop3A_263, %parallel_loop3A_269 : vector<16xf32>
        %parallel_loop3A_272 = arith.mulf %parallel_loop3A_270, %parallel_loop3A_270 : vector<16xf32>
        %parallel_loop3A_273 = arith.mulf %parallel_loop3A_271, %parallel_loop3A_271 : vector<16xf32>
        %parallel_loop3A_274 = arith.subf %parallel_loop3A_272, %parallel_loop3A_273 : vector<16xf32>
        %parallel_loop3A_275 = arith.addf %parallel_loop3A_260, %parallel_loop3A_274 : vector<16xf32>
        %parallel_loop3A_276 = arith.index_cast %parallel_loop3A_167 : i32 to index
        %parallel_loop3A_277 = arith.constant 112 : index
        %parallel_loop3A_278 = tpu.vector_load %arg18[%parallel_loop3A_276, %parallel_loop3A_277] {strides = array<i32>} : memref<64x128xf32, #tpu.memory_space<vmem>>, vector<16xf32>,
        %parallel_loop3A_279 = arith.index_cast %parallel_loop3A_167 : i32 to index
        %parallel_loop3A_280 = arith.constant 112 : index
        %parallel_loop3A_281 = tpu.vector_load %arg19[%parallel_loop3A_279, %parallel_loop3A_280] {strides = array<i32>} : memref<64x128xf32, #tpu.memory_space<vmem>>, vector<16xf32>,
        %parallel_loop3A_282 = arith.index_cast %parallel_loop3A_167 : i32 to index
        %parallel_loop3A_283 = arith.constant 112 : index
        %parallel_loop3A_284 = tpu.vector_load %arg20[%parallel_loop3A_282, %parallel_loop3A_283] {strides = array<i32>} : memref<64x128xf32, #tpu.memory_space<vmem>>, vector<16xf32>,
        %parallel_loop3A_285 = arith.subf %parallel_loop3A_278, %parallel_loop3A_281 : vector<16xf32>
        %parallel_loop3A_286 = arith.subf %parallel_loop3A_278, %parallel_loop3A_284 : vector<16xf32>
        %parallel_loop3A_287 = arith.mulf %parallel_loop3A_285, %parallel_loop3A_285 : vector<16xf32>
        %parallel_loop3A_288 = arith.mulf %parallel_loop3A_286, %parallel_loop3A_286 : vector<16xf32>
        %parallel_loop3A_289 = arith.subf %parallel_loop3A_287, %parallel_loop3A_288 : vector<16xf32>
        %parallel_loop3A_290 = arith.addf %parallel_loop3A_275, %parallel_loop3A_289 : vector<16xf32>
        %parallel_loop3A_291 = arith.constant true
        %parallel_loop3A_292 = vector.broadcast %parallel_loop3A_291 : i1 to vector<16xi1>
        %parallel_loop3A_293 = tpu.scan <sum>, %parallel_loop3A_290 masked %parallel_loop3A_292 : vector<16xf32>, vector<16xi1> -> vector<16xf32>
        %parallel_loop3A_294 = arith.constant 2.000000e-01 : f32
        %parallel_loop3A_295 = vector.broadcast %parallel_loop3A_294 : f32 to vector<16xf32>
        %parallel_loop3A_296 = arith.addf %parallel_loop3A_293, %parallel_loop3A_295 : vector<16xf32>
        %parallel_loop3A_297 = arith.constant 0.000000e+00 : f32
        %parallel_loop3A_298 = vector.broadcast %parallel_loop3A_297 : f32 to vector<16xf32>
        %parallel_loop3A_299 = arith.maximumf %parallel_loop3A_296, %parallel_loop3A_298 : vector<16xf32>
        %parallel_loop3A_300 = arith.constant 0.000000e+00 : f32
        %parallel_loop3A_301 = vector.broadcast %parallel_loop3A_300 : f32 to vector<16xf32>
        %parallel_loop3A_302 = arith.select %eq3A_14, %parallel_loop3A_299, %parallel_loop3A_301 : vector<16xi1>, vector<16xf32>
        %parallel_loop3A_303 = arith.addf %parallel_loop3A_168, %parallel_loop3A_302 : vector<16xf32>
        scf.yield %parallel_loop3A_303 : vector<16xf32>
      } {sc.loop_unroll_factor = 4 : i64, sc.parallel_access}
      %add3A_138 = arith.constant 3 : i32
      %add3A_139 = arith.addi %mul3A_55, %add3A_138 : i32
      %add3A_140 = arith.constant 4 : i32
      %add3A_141 = arith.addi %add3A_139, %add3A_140 : i32
      %sub3A_142 = arith.constant 2 : i32
      %sub3A_143 = arith.subi %add3A_141, %sub3A_142 : i32
      %lt3A_144 = arith.constant 128 : i32
      %lt3A_145 = arith.cmpi slt, %sub3A_143, %lt3A_144 : i32
      %convert_element_type3A_146 = arith.extui %lt3A_145 : i1 to i32
      %cond3A_147 = arith.constant 0 : i32
      %cond3A_148 = arith.cmpi ne, %convert_element_type3A_146, %cond3A_147 : i32
      scf.if %cond3A_148 {
        %mul3A_167 = arith.constant 64 : i32
        %mul3A_168 = arith.muli %sub3A_143, %mul3A_167 : i32
        %dma_start3A_169 = tpu.memref_slice %arg9[%mul3A_168] : memref<8192xi32, #tpu.memory_space<vmem>> -> memref<64xi32, #tpu.memory_space<vmem>>
        %dma_start3A_170 = arith.constant 0 : i32
        %dma_start3A_171 = arith.constant 0 : i32
        %dma_start3A_172 = tpu.memref_slice %arg2[%dma_start3A_170, %dma_start3A_171] : memref<16384x128xf32, #tpu.memory_space<hbm>> -> memref<16384x128xf32, #tpu.memory_space<hbm>>
        tpu.enqueue_indirect_dma source(%dma_start3A_172 : memref<16384x128xf32, #tpu.memory_space<hbm>>) target(%arg15 : memref<64x128xf32, #tpu.memory_space<vmem>>) offsets(%dma_start3A_169 : memref<64xi32, #tpu.memory_space<vmem>>) semaphore(%arg27 : memref<!tpu.dma_semaphore, #tpu.memory_space<semaphore_mem>>)
        %dma_start3A_173 = tpu.memref_slice %arg10[%mul3A_168] : memref<8192xi32, #tpu.memory_space<vmem>> -> memref<64xi32, #tpu.memory_space<vmem>>
        %dma_start3A_174 = arith.constant 0 : i32
        %dma_start3A_175 = arith.constant 0 : i32
        %dma_start3A_176 = tpu.memref_slice %arg3[%dma_start3A_174, %dma_start3A_175] : memref<16384x128xf32, #tpu.memory_space<hbm>> -> memref<16384x128xf32, #tpu.memory_space<hbm>>
        tpu.enqueue_indirect_dma source(%dma_start3A_176 : memref<16384x128xf32, #tpu.memory_space<hbm>>) target(%arg16 : memref<64x128xf32, #tpu.memory_space<vmem>>) offsets(%dma_start3A_173 : memref<64xi32, #tpu.memory_space<vmem>>) semaphore(%arg27 : memref<!tpu.dma_semaphore, #tpu.memory_space<semaphore_mem>>)
        %dma_start3A_177 = tpu.memref_slice %arg11[%mul3A_168] : memref<8192xi32, #tpu.memory_space<vmem>> -> memref<64xi32, #tpu.memory_space<vmem>>
        %dma_start3A_178 = arith.constant 0 : i32
        %dma_start3A_179 = arith.constant 0 : i32
        %dma_start3A_180 = tpu.memref_slice %arg4[%dma_start3A_178, %dma_start3A_179] : memref<16384x128xf32, #tpu.memory_space<hbm>> -> memref<16384x128xf32, #tpu.memory_space<hbm>>
        tpu.enqueue_indirect_dma source(%dma_start3A_180 : memref<16384x128xf32, #tpu.memory_space<hbm>>) target(%arg17 : memref<64x128xf32, #tpu.memory_space<vmem>>) offsets(%dma_start3A_177 : memref<64xi32, #tpu.memory_space<vmem>>) semaphore(%arg27 : memref<!tpu.dma_semaphore, #tpu.memory_space<semaphore_mem>>)
      } else {
      }
      %mul3A_149 = arith.constant 64 : i32
      %mul3A_150 = arith.muli %add3A_139, %mul3A_149 : i32
      %dma_wait3A_151 = tpu.memref_slice %arg9[%mul3A_150] : memref<8192xi32, #tpu.memory_space<vmem>> -> memref<64xi32, #tpu.memory_space<vmem>>
      %dma_wait3A_152 = arith.constant 0 : i32
      %dma_wait3A_153 = arith.constant 0 : i32
      %dma_wait3A_154 = tpu.memref_slice %arg2[%dma_wait3A_152, %dma_wait3A_153] : memref<16384x128xf32, #tpu.memory_space<hbm>> -> memref<16384x128xf32, #tpu.memory_space<hbm>>
      tpu.wait_indirect_dma semaphore(%arg29 : memref<!tpu.dma_semaphore, #tpu.memory_space<semaphore_mem>>) src(%dma_wait3A_154 : memref<16384x128xf32, #tpu.memory_space<hbm>>) dst(%arg21 : memref<64x128xf32, #tpu.memory_space<vmem>>)
      %dma_wait3A_155 = tpu.memref_slice %arg10[%mul3A_150] : memref<8192xi32, #tpu.memory_space<vmem>> -> memref<64xi32, #tpu.memory_space<vmem>>
      %dma_wait3A_156 = arith.constant 0 : i32
      %dma_wait3A_157 = arith.constant 0 : i32
      %dma_wait3A_158 = tpu.memref_slice %arg3[%dma_wait3A_156, %dma_wait3A_157] : memref<16384x128xf32, #tpu.memory_space<hbm>> -> memref<16384x128xf32, #tpu.memory_space<hbm>>
      tpu.wait_indirect_dma semaphore(%arg29 : memref<!tpu.dma_semaphore, #tpu.memory_space<semaphore_mem>>) src(%dma_wait3A_158 : memref<16384x128xf32, #tpu.memory_space<hbm>>) dst(%arg22 : memref<64x128xf32, #tpu.memory_space<vmem>>)
      %dma_wait3A_159 = tpu.memref_slice %arg11[%mul3A_150] : memref<8192xi32, #tpu.memory_space<vmem>> -> memref<64xi32, #tpu.memory_space<vmem>>
      %dma_wait3A_160 = arith.constant 0 : i32
      %dma_wait3A_161 = arith.constant 0 : i32
      %dma_wait3A_162 = tpu.memref_slice %arg4[%dma_wait3A_160, %dma_wait3A_161] : memref<16384x128xf32, #tpu.memory_space<hbm>> -> memref<16384x128xf32, #tpu.memory_space<hbm>>
      tpu.wait_indirect_dma semaphore(%arg29 : memref<!tpu.dma_semaphore, #tpu.memory_space<semaphore_mem>>) src(%dma_wait3A_162 : memref<16384x128xf32, #tpu.memory_space<hbm>>) dst(%arg23 : memref<64x128xf32, #tpu.memory_space<vmem>>)
      %parallel_loop3A_163 = arith.constant 0 : i32
      %parallel_loop3A_164 = arith.constant 64 : i32
      %parallel_loop3A_165 = arith.constant 1 : i32
      %parallel_loop3A_166 = scf.for %parallel_loop3A_167 = %parallel_loop3A_163 to %parallel_loop3A_164 step %parallel_loop3A_165 iter_args(%parallel_loop3A_168 = %parallel_loop3A_137) -> (vector<16xf32>)  : i32 {
        %parallel_loop3A_169 = arith.constant 0.000000e+00 : f32
        %parallel_loop3A_170 = vector.broadcast %parallel_loop3A_169 : f32 to vector<16xf32>
        %parallel_loop3A_171 = arith.index_cast %parallel_loop3A_167 : i32 to index
        %parallel_loop3A_172 = arith.constant 0 : index
        %parallel_loop3A_173 = tpu.vector_load %arg21[%parallel_loop3A_171, %parallel_loop3A_172] {strides = array<i32>} : memref<64x128xf32, #tpu.memory_space<vmem>>, vector<16xf32>,
        %parallel_loop3A_174 = arith.index_cast %parallel_loop3A_167 : i32 to index
        %parallel_loop3A_175 = arith.constant 0 : index
        %parallel_loop3A_176 = tpu.vector_load %arg22[%parallel_loop3A_174, %parallel_loop3A_175] {strides = array<i32>} : memref<64x128xf32, #tpu.memory_space<vmem>>, vector<16xf32>,
        %parallel_loop3A_177 = arith.index_cast %parallel_loop3A_167 : i32 to index
        %parallel_loop3A_178 = arith.constant 0 : index
        %parallel_loop3A_179 = tpu.vector_load %arg23[%parallel_loop3A_177, %parallel_loop3A_178] {strides = array<i32>} : memref<64x128xf32, #tpu.memory_space<vmem>>, vector<16xf32>,
        %parallel_loop3A_180 = arith.subf %parallel_loop3A_173, %parallel_loop3A_176 : vector<16xf32>
        %parallel_loop3A_181 = arith.subf %parallel_loop3A_173, %parallel_loop3A_179 : vector<16xf32>
        %parallel_loop3A_182 = arith.mulf %parallel_loop3A_180, %parallel_loop3A_180 : vector<16xf32>
        %parallel_loop3A_183 = arith.mulf %parallel_loop3A_181, %parallel_loop3A_181 : vector<16xf32>
        %parallel_loop3A_184 = arith.subf %parallel_loop3A_182, %parallel_loop3A_183 : vector<16xf32>
        %parallel_loop3A_185 = arith.addf %parallel_loop3A_170, %parallel_loop3A_184 : vector<16xf32>
        %parallel_loop3A_186 = arith.index_cast %parallel_loop3A_167 : i32 to index
        %parallel_loop3A_187 = arith.constant 16 : index
        %parallel_loop3A_188 = tpu.vector_load %arg21[%parallel_loop3A_186, %parallel_loop3A_187] {strides = array<i32>} : memref<64x128xf32, #tpu.memory_space<vmem>>, vector<16xf32>,
        %parallel_loop3A_189 = arith.index_cast %parallel_loop3A_167 : i32 to index
        %parallel_loop3A_190 = arith.constant 16 : index
        %parallel_loop3A_191 = tpu.vector_load %arg22[%parallel_loop3A_189, %parallel_loop3A_190] {strides = array<i32>} : memref<64x128xf32, #tpu.memory_space<vmem>>, vector<16xf32>,
        %parallel_loop3A_192 = arith.index_cast %parallel_loop3A_167 : i32 to index
        %parallel_loop3A_193 = arith.constant 16 : index
        %parallel_loop3A_194 = tpu.vector_load %arg23[%parallel_loop3A_192, %parallel_loop3A_193] {strides = array<i32>} : memref<64x128xf32, #tpu.memory_space<vmem>>, vector<16xf32>,
        %parallel_loop3A_195 = arith.subf %parallel_loop3A_188, %parallel_loop3A_191 : vector<16xf32>
        %parallel_loop3A_196 = arith.subf %parallel_loop3A_188, %parallel_loop3A_194 : vector<16xf32>
        %parallel_loop3A_197 = arith.mulf %parallel_loop3A_195, %parallel_loop3A_195 : vector<16xf32>
        %parallel_loop3A_198 = arith.mulf %parallel_loop3A_196, %parallel_loop3A_196 : vector<16xf32>
        %parallel_loop3A_199 = arith.subf %parallel_loop3A_197, %parallel_loop3A_198 : vector<16xf32>
        %parallel_loop3A_200 = arith.addf %parallel_loop3A_185, %parallel_loop3A_199 : vector<16xf32>
        %parallel_loop3A_201 = arith.index_cast %parallel_loop3A_167 : i32 to index
        %parallel_loop3A_202 = arith.constant 32 : index
        %parallel_loop3A_203 = tpu.vector_load %arg21[%parallel_loop3A_201, %parallel_loop3A_202] {strides = array<i32>} : memref<64x128xf32, #tpu.memory_space<vmem>>, vector<16xf32>,
        %parallel_loop3A_204 = arith.index_cast %parallel_loop3A_167 : i32 to index
        %parallel_loop3A_205 = arith.constant 32 : index
        %parallel_loop3A_206 = tpu.vector_load %arg22[%parallel_loop3A_204, %parallel_loop3A_205] {strides = array<i32>} : memref<64x128xf32, #tpu.memory_space<vmem>>, vector<16xf32>,
        %parallel_loop3A_207 = arith.index_cast %parallel_loop3A_167 : i32 to index
        %parallel_loop3A_208 = arith.constant 32 : index
        %parallel_loop3A_209 = tpu.vector_load %arg23[%parallel_loop3A_207, %parallel_loop3A_208] {strides = array<i32>} : memref<64x128xf32, #tpu.memory_space<vmem>>, vector<16xf32>,
        %parallel_loop3A_210 = arith.subf %parallel_loop3A_203, %parallel_loop3A_206 : vector<16xf32>
        %parallel_loop3A_211 = arith.subf %parallel_loop3A_203, %parallel_loop3A_209 : vector<16xf32>
        %parallel_loop3A_212 = arith.mulf %parallel_loop3A_210, %parallel_loop3A_210 : vector<16xf32>
        %parallel_loop3A_213 = arith.mulf %parallel_loop3A_211, %parallel_loop3A_211 : vector<16xf32>
        %parallel_loop3A_214 = arith.subf %parallel_loop3A_212, %parallel_loop3A_213 : vector<16xf32>
        %parallel_loop3A_215 = arith.addf %parallel_loop3A_200, %parallel_loop3A_214 : vector<16xf32>
        %parallel_loop3A_216 = arith.index_cast %parallel_loop3A_167 : i32 to index
        %parallel_loop3A_217 = arith.constant 48 : index
        %parallel_loop3A_218 = tpu.vector_load %arg21[%parallel_loop3A_216, %parallel_loop3A_217] {strides = array<i32>} : memref<64x128xf32, #tpu.memory_space<vmem>>, vector<16xf32>,
        %parallel_loop3A_219 = arith.index_cast %parallel_loop3A_167 : i32 to index
        %parallel_loop3A_220 = arith.constant 48 : index
        %parallel_loop3A_221 = tpu.vector_load %arg22[%parallel_loop3A_219, %parallel_loop3A_220] {strides = array<i32>} : memref<64x128xf32, #tpu.memory_space<vmem>>, vector<16xf32>,
        %parallel_loop3A_222 = arith.index_cast %parallel_loop3A_167 : i32 to index
        %parallel_loop3A_223 = arith.constant 48 : index
        %parallel_loop3A_224 = tpu.vector_load %arg23[%parallel_loop3A_222, %parallel_loop3A_223] {strides = array<i32>} : memref<64x128xf32, #tpu.memory_space<vmem>>, vector<16xf32>,
        %parallel_loop3A_225 = arith.subf %parallel_loop3A_218, %parallel_loop3A_221 : vector<16xf32>
        %parallel_loop3A_226 = arith.subf %parallel_loop3A_218, %parallel_loop3A_224 : vector<16xf32>
        %parallel_loop3A_227 = arith.mulf %parallel_loop3A_225, %parallel_loop3A_225 : vector<16xf32>
        %parallel_loop3A_228 = arith.mulf %parallel_loop3A_226, %parallel_loop3A_226 : vector<16xf32>
        %parallel_loop3A_229 = arith.subf %parallel_loop3A_227, %parallel_loop3A_228 : vector<16xf32>
        %parallel_loop3A_230 = arith.addf %parallel_loop3A_215, %parallel_loop3A_229 : vector<16xf32>
        %parallel_loop3A_231 = arith.index_cast %parallel_loop3A_167 : i32 to index
        %parallel_loop3A_232 = arith.constant 64 : index
        %parallel_loop3A_233 = tpu.vector_load %arg21[%parallel_loop3A_231, %parallel_loop3A_232] {strides = array<i32>} : memref<64x128xf32, #tpu.memory_space<vmem>>, vector<16xf32>,
        %parallel_loop3A_234 = arith.index_cast %parallel_loop3A_167 : i32 to index
        %parallel_loop3A_235 = arith.constant 64 : index
        %parallel_loop3A_236 = tpu.vector_load %arg22[%parallel_loop3A_234, %parallel_loop3A_235] {strides = array<i32>} : memref<64x128xf32, #tpu.memory_space<vmem>>, vector<16xf32>,
        %parallel_loop3A_237 = arith.index_cast %parallel_loop3A_167 : i32 to index
        %parallel_loop3A_238 = arith.constant 64 : index
        %parallel_loop3A_239 = tpu.vector_load %arg23[%parallel_loop3A_237, %parallel_loop3A_238] {strides = array<i32>} : memref<64x128xf32, #tpu.memory_space<vmem>>, vector<16xf32>,
        %parallel_loop3A_240 = arith.subf %parallel_loop3A_233, %parallel_loop3A_236 : vector<16xf32>
        %parallel_loop3A_241 = arith.subf %parallel_loop3A_233, %parallel_loop3A_239 : vector<16xf32>
        %parallel_loop3A_242 = arith.mulf %parallel_loop3A_240, %parallel_loop3A_240 : vector<16xf32>
        %parallel_loop3A_243 = arith.mulf %parallel_loop3A_241, %parallel_loop3A_241 : vector<16xf32>
        %parallel_loop3A_244 = arith.subf %parallel_loop3A_242, %parallel_loop3A_243 : vector<16xf32>
        %parallel_loop3A_245 = arith.addf %parallel_loop3A_230, %parallel_loop3A_244 : vector<16xf32>
        %parallel_loop3A_246 = arith.index_cast %parallel_loop3A_167 : i32 to index
        %parallel_loop3A_247 = arith.constant 80 : index
        %parallel_loop3A_248 = tpu.vector_load %arg21[%parallel_loop3A_246, %parallel_loop3A_247] {strides = array<i32>} : memref<64x128xf32, #tpu.memory_space<vmem>>, vector<16xf32>,
        %parallel_loop3A_249 = arith.index_cast %parallel_loop3A_167 : i32 to index
        %parallel_loop3A_250 = arith.constant 80 : index
        %parallel_loop3A_251 = tpu.vector_load %arg22[%parallel_loop3A_249, %parallel_loop3A_250] {strides = array<i32>} : memref<64x128xf32, #tpu.memory_space<vmem>>, vector<16xf32>,
        %parallel_loop3A_252 = arith.index_cast %parallel_loop3A_167 : i32 to index
        %parallel_loop3A_253 = arith.constant 80 : index
        %parallel_loop3A_254 = tpu.vector_load %arg23[%parallel_loop3A_252, %parallel_loop3A_253] {strides = array<i32>} : memref<64x128xf32, #tpu.memory_space<vmem>>, vector<16xf32>,
        %parallel_loop3A_255 = arith.subf %parallel_loop3A_248, %parallel_loop3A_251 : vector<16xf32>
        %parallel_loop3A_256 = arith.subf %parallel_loop3A_248, %parallel_loop3A_254 : vector<16xf32>
        %parallel_loop3A_257 = arith.mulf %parallel_loop3A_255, %parallel_loop3A_255 : vector<16xf32>
        %parallel_loop3A_258 = arith.mulf %parallel_loop3A_256, %parallel_loop3A_256 : vector<16xf32>
        %parallel_loop3A_259 = arith.subf %parallel_loop3A_257, %parallel_loop3A_258 : vector<16xf32>
        %parallel_loop3A_260 = arith.addf %parallel_loop3A_245, %parallel_loop3A_259 : vector<16xf32>
        %parallel_loop3A_261 = arith.index_cast %parallel_loop3A_167 : i32 to index
        %parallel_loop3A_262 = arith.constant 96 : index
        %parallel_loop3A_263 = tpu.vector_load %arg21[%parallel_loop3A_261, %parallel_loop3A_262] {strides = array<i32>} : memref<64x128xf32, #tpu.memory_space<vmem>>, vector<16xf32>,
        %parallel_loop3A_264 = arith.index_cast %parallel_loop3A_167 : i32 to index
        %parallel_loop3A_265 = arith.constant 96 : index
        %parallel_loop3A_266 = tpu.vector_load %arg22[%parallel_loop3A_264, %parallel_loop3A_265] {strides = array<i32>} : memref<64x128xf32, #tpu.memory_space<vmem>>, vector<16xf32>,
        %parallel_loop3A_267 = arith.index_cast %parallel_loop3A_167 : i32 to index
        %parallel_loop3A_268 = arith.constant 96 : index
        %parallel_loop3A_269 = tpu.vector_load %arg23[%parallel_loop3A_267, %parallel_loop3A_268] {strides = array<i32>} : memref<64x128xf32, #tpu.memory_space<vmem>>, vector<16xf32>,
        %parallel_loop3A_270 = arith.subf %parallel_loop3A_263, %parallel_loop3A_266 : vector<16xf32>
        %parallel_loop3A_271 = arith.subf %parallel_loop3A_263, %parallel_loop3A_269 : vector<16xf32>
        %parallel_loop3A_272 = arith.mulf %parallel_loop3A_270, %parallel_loop3A_270 : vector<16xf32>
        %parallel_loop3A_273 = arith.mulf %parallel_loop3A_271, %parallel_loop3A_271 : vector<16xf32>
        %parallel_loop3A_274 = arith.subf %parallel_loop3A_272, %parallel_loop3A_273 : vector<16xf32>
        %parallel_loop3A_275 = arith.addf %parallel_loop3A_260, %parallel_loop3A_274 : vector<16xf32>
        %parallel_loop3A_276 = arith.index_cast %parallel_loop3A_167 : i32 to index
        %parallel_loop3A_277 = arith.constant 112 : index
        %parallel_loop3A_278 = tpu.vector_load %arg21[%parallel_loop3A_276, %parallel_loop3A_277] {strides = array<i32>} : memref<64x128xf32, #tpu.memory_space<vmem>>, vector<16xf32>,
        %parallel_loop3A_279 = arith.index_cast %parallel_loop3A_167 : i32 to index
        %parallel_loop3A_280 = arith.constant 112 : index
        %parallel_loop3A_281 = tpu.vector_load %arg22[%parallel_loop3A_279, %parallel_loop3A_280] {strides = array<i32>} : memref<64x128xf32, #tpu.memory_space<vmem>>, vector<16xf32>,
        %parallel_loop3A_282 = arith.index_cast %parallel_loop3A_167 : i32 to index
        %parallel_loop3A_283 = arith.constant 112 : index
        %parallel_loop3A_284 = tpu.vector_load %arg23[%parallel_loop3A_282, %parallel_loop3A_283] {strides = array<i32>} : memref<64x128xf32, #tpu.memory_space<vmem>>, vector<16xf32>,
        %parallel_loop3A_285 = arith.subf %parallel_loop3A_278, %parallel_loop3A_281 : vector<16xf32>
        %parallel_loop3A_286 = arith.subf %parallel_loop3A_278, %parallel_loop3A_284 : vector<16xf32>
        %parallel_loop3A_287 = arith.mulf %parallel_loop3A_285, %parallel_loop3A_285 : vector<16xf32>
        %parallel_loop3A_288 = arith.mulf %parallel_loop3A_286, %parallel_loop3A_286 : vector<16xf32>
        %parallel_loop3A_289 = arith.subf %parallel_loop3A_287, %parallel_loop3A_288 : vector<16xf32>
        %parallel_loop3A_290 = arith.addf %parallel_loop3A_275, %parallel_loop3A_289 : vector<16xf32>
        %parallel_loop3A_291 = arith.constant true
        %parallel_loop3A_292 = vector.broadcast %parallel_loop3A_291 : i1 to vector<16xi1>
        %parallel_loop3A_293 = tpu.scan <sum>, %parallel_loop3A_290 masked %parallel_loop3A_292 : vector<16xf32>, vector<16xi1> -> vector<16xf32>
        %parallel_loop3A_294 = arith.constant 2.000000e-01 : f32
        %parallel_loop3A_295 = vector.broadcast %parallel_loop3A_294 : f32 to vector<16xf32>
        %parallel_loop3A_296 = arith.addf %parallel_loop3A_293, %parallel_loop3A_295 : vector<16xf32>
        %parallel_loop3A_297 = arith.constant 0.000000e+00 : f32
        %parallel_loop3A_298 = vector.broadcast %parallel_loop3A_297 : f32 to vector<16xf32>
        %parallel_loop3A_299 = arith.maximumf %parallel_loop3A_296, %parallel_loop3A_298 : vector<16xf32>
        %parallel_loop3A_300 = arith.constant 0.000000e+00 : f32
        %parallel_loop3A_301 = vector.broadcast %parallel_loop3A_300 : f32 to vector<16xf32>
        %parallel_loop3A_302 = arith.select %eq3A_14, %parallel_loop3A_299, %parallel_loop3A_301 : vector<16xi1>, vector<16xf32>
        %parallel_loop3A_303 = arith.addf %parallel_loop3A_168, %parallel_loop3A_302 : vector<16xf32>
        scf.yield %parallel_loop3A_303 : vector<16xf32>
      } {sc.loop_unroll_factor = 4 : i64, sc.parallel_access}
      scf.yield %parallel_loop3A_166 : vector<16xf32>
    }
    %scan3A_50 = arith.constant 32 : i32
    %swap3A = arith.constant 0 : index
    %swap3A_51 = tpu.vector_load %arg24[%swap3A] {strides = array<i32>} : memref<16xf32, #tpu.memory_space<vmem>>, vector<16xf32>,
    tpu.vector_store %arg24[%swap3A], %scan3A_49 {strides = array<i32>} : memref<16xf32, #tpu.memory_space<vmem>>, vector<16xf32>,
    "tpu.region"() ({
      %run_scoped3A = tpu.sem_alloc : memref<!tpu.dma_semaphore, #tpu.memory_space<semaphore_mem>>
      %dma_start3A_52 = arith.constant 0 : i32
      %dma_start3A_53 = tpu.memref_slice %arg8[%add3A, %dma_start3A_52] : memref<32x16xf32, #tpu.memory_space<hbm>> -> memref<1x16xf32, #tpu.memory_space<hbm>>
      %dma_start3A_54 = tpu.memref_squeeze %dma_start3A_53 : memref<1x16xf32, #tpu.memory_space<hbm>> -> memref<16xf32, #tpu.memory_space<hbm>>
      %dma_start3A_55 = arith.constant 0 : i32
      %dma_start3A_56 = tpu.memref_slice %arg8[%add3A, %dma_start3A_55] : memref<32x16xf32, #tpu.memory_space<hbm>> -> memref<1x16xf32, #tpu.memory_space<hbm>>
      %dma_start3A_57 = tpu.memref_squeeze %dma_start3A_56 : memref<1x16xf32, #tpu.memory_space<hbm>> -> memref<16xf32, #tpu.memory_space<hbm>>
      tpu.enqueue_dma source(%arg24 : memref<16xf32, #tpu.memory_space<vmem>>) target(%dma_start3A_57 : memref<16xf32, #tpu.memory_space<hbm>>) target_semaphore(%run_scoped3A : memref<!tpu.dma_semaphore, #tpu.memory_space<semaphore_mem>>)
      %dma_wait3A_58 = arith.constant 0 : i32
      %dma_wait3A_59 = tpu.memref_slice %arg8[%add3A, %dma_wait3A_58] : memref<32x16xf32, #tpu.memory_space<hbm>> -> memref<1x16xf32, #tpu.memory_space<hbm>>
      %dma_wait3A_60 = tpu.memref_squeeze %dma_wait3A_59 : memref<1x16xf32, #tpu.memory_space<hbm>> -> memref<16xf32, #tpu.memory_space<hbm>>
      %dma_wait3A_61 = arith.constant 0 : i32
      %dma_wait3A_62 = tpu.memref_slice %arg8[%add3A, %dma_wait3A_61] : memref<32x16xf32, #tpu.memory_space<hbm>> -> memref<1x16xf32, #tpu.memory_space<hbm>>
      %dma_wait3A_63 = tpu.memref_squeeze %dma_wait3A_62 : memref<1x16xf32, #tpu.memory_space<hbm>> -> memref<16xf32, #tpu.memory_space<hbm>>
      tpu.wait_dma2 semaphore(%run_scoped3A : memref<!tpu.dma_semaphore, #tpu.memory_space<semaphore_mem>>) src(%arg24 : memref<16xf32, #tpu.memory_space<vmem>>) dst(%dma_wait3A_63 : memref<16xf32, #tpu.memory_space<hbm>>)
      tpu.yield
    }) : () -> ()
    return
  }
}

</mosaic_0001>

<sc_bundles>
// kernel: kernel.3.cloned.1.call-start
scs
__scs_entry_jumppad:
0x0: {  	(pc) =	sbr.rel $0x88, $3  }
0x1: {  	(tag) =	ssettag $0x0;
	lr =	simm.s32 $0x1  }
0x2: {  	[smem:$0x3F9F] =	sst lr;
	_ =	strace $0xD0000000  }
0x3: {  	_ = 	snop  }
0x4: {  	_ = 	snop  }
0x5: {  	_ = 	snop  }
0x6: {  	_ = 	snop  }
0x7: {  	_ = 	snop  }
__scs_overlays_trampoline_lowered:
0x8: {  	[smem:$0x3FAE] =	sst s0  }
0x9: {  	[smem:$0x3FAF] =	sst s1  }
0xa: {  	[smem:$0x3FB0] =	sst s2  }
0xb: {  	[smem:$0x3FB1] =	sst s3  }
0xc: {  	[smem:$0x3FB2] =	sst s4  }
0xd: {  	[smem:$0x3FB3] =	sst s5  }
0xe: {  	[smem:$0x3FB4] =	sst s6  }
0xf: {  	[smem:$0x3FB5] =	sst s7  }
0x10: {  	[smem:$0x3FB6] =	sst s8  }
0x11: {  	[smem:$0x3FB7] =	sst s9;
	s0 =	simm.s32 @!p0 $0x0  }
0x12: {  	s1 =	sld [smem:$0x3F9D];
	s0 =	simm.s32 @p0 $0x1  }
0x13: {  	[smem:$0x3FB8] =	sst s0;
	s0 =	simm.s32 @!p1 $0x0  }
0x14: {  	s2 =	sld [smem:$0x3F9C];
	s0 =	simm.s32 @p1 $0x1  }
0x15: {  	[smem:$0x3FB9] =	sst s0;
	s0 =	simm.s32 @!p2 $0x0  }
0x16: {  	s3 =	sld [smem:$0x3FDB];
	s0 =	simm.s32 @p2 $0x1  }
0x17: {  	s4 =	simm.s32 $0x1BF5;
	[smem:$0x3FBB] =	sst s0  }
0x18: {  	s0 =	sld [smem:$0x3F9E];
	_ =	swait.ge [sflag:s4], $0x0  }
0x19: {  	s7 =	sld [smem:$0x3F9F]  }
0x1a: {  	s8 =	sadd.s32 $0xFFFFE003, lr  }
0x1b: {  	s9 =	sadd.s32 $0xFFFFFEF7, lr;
	s5 =	simm.s32 $0xFFFFFFFF;
	p2 =	slt.u32 s8, $0xFFFFF086  }
0x1c: {  	p1 =	slt.u32 s9, $0xF7A;
	s5 =	simm.s32 @!p2 $0x0  }
0x1d: {  	s5 =	simm.s32 @p1 $0x1;
	p0 =	seq.s32 s7, s2  }
0x1e: {  	s7 =	smul.u32 @!p0 $0xF7A, s2;
	p2 =	seq.s32 @!p0 s5, $0x0  }
0x1f: {  	s9 =	smul.u32 $0xF7A, s1;
	s8 =	simm.s32 @!p0 $0x1BF5;
	p2 =	por !p2, p0  }
0x20: {  	[sflag:s8] =	ssyncset.s32 @!p0 $0xFFFFF086;
	s6 =	sadd.s32 @!p0 s3, s7;
	s7 =	simm.s32 @!p0 $0x108  }
0x21: {  	s3 =	sadd.s32 s3, s9;
	s6 =	sadd.s32 @!p0 $0x88, s6;
	s7 =	simm.s32 @p2 $0x1082  }
0x22: {  	[simem:s7], [sflag:s8] =	dma.local @!p0 [hbm:s6], $0xF7A  }
0x23: {  	s9 =	sor.u32 $0xD0000000, s2;
	s6 =	simm.s32 $0x108;
	_ =	swait.ge @!p0 [sflag:s8], $0x0  }
0x24: {  	s3 =	sadd.s32 $0x88, s3;
	s6 =	simm.s32 @!p1 $0x1082;
	[sflag:s4] =	ssyncset.s32 $0xFFFFF086  }
0x25: {  	[simem:s6], [sflag:s4] =	dma.local [hbm:s3], $0xF7A  }
0x26: {  	[smem:$0x3F9F] =	sst s1;
	(tag) =	ssettag s2;
	_ =	strace s9  }
0x27: {  	s1 =	sld [smem:$0x3FAF]  }
0x28: {  	s2 =	sld [smem:$0x3FB0]  }
0x29: {  	s4 =	sld [smem:$0x3FB2]  }
0x2a: {  	p0 =	seq.s32 s5, $0x0;
	s5 =	sld [smem:$0x3FB3]  }
0x2b: {  	s6 =	sld [smem:$0x3FB4]  }
0x2c: {  	s7 =	sld [smem:$0x3FB5]  }
0x2d: {  	s3 =	simm.s32 $0x108;
	s8 =	sld [smem:$0x3FB6]  }
0x2e: {  	s3 =	simm.s32 @!p0 $0x1082;
	s9 =	sld [smem:$0x3FB7]  }
0x2f: {  	lr =	sadd.s32 s0, s3;
	s0 =	sld [smem:$0x3FAE]  }
0x30: {  	s3 =	sld [smem:$0x3FB1]  }
0x31: {  	[smem:$0x3FBA] =	sst s10  }
0x32: {  	s10 =	sld [smem:$0x3FB8];
	_ =	sdelay $0x3  }
0x33: {  	p0 =	seq.s32 s10, $0x1;
	s10 =	sld [smem:$0x3FBA];
	_ =	sdelay $0x3  }
0x34: {  	[smem:$0x3FBA] =	sst s10  }
0x35: {  	s10 =	sld [smem:$0x3FB9];
	_ =	sdelay $0x3  }
0x36: {  	p1 =	seq.s32 s10, $0x1;
	s10 =	sld [smem:$0x3FBA];
	_ =	sdelay $0x3  }
0x37: {  	[smem:$0x3FBA] =	sst s10  }
0x38: {  	s10 =	sld [smem:$0x3FBB]  }
0x39: {  	_ = 	snop;
	(pc) =	sbr.ind lr, $3  }
0x3a: {  	_ = 	snop  }
0x3b: {  	_ = 	snop  }
0x3c: {  	p2 =	seq.s32 s10, $0x1;
	s10 =	sld [smem:$0x3FBA]  }
0x3d: {  	_ =	shalt  }
0x3e: {  	_ =	shalt  }
0x3f: {  	_ =	shalt  }
0x40: {  	_ =	shalt  }
0x41: {  	_ =	shalt  }
0x42: {  	_ =	shalt  }
0x43: {  	_ =	shalt  }
0x44: {  	_ =	shalt  }
0x45: {  	_ =	shalt  }
0x46: {  	_ =	shalt  }
0x47: {  	_ =	shalt  }
0x48: {  	_ =	shalt  }
0x49: {  	_ =	shalt  }
0x4a: {  	_ =	shalt  }
0x4b: {  	_ =	shalt  }
0x4c: {  	_ =	shalt  }
0x4d: {  	_ =	shalt  }
0x4e: {  	_ =	shalt  }
0x4f: {  	_ =	shalt  }
0x50: {  	_ =	shalt  }
0x51: {  	_ =	shalt  }
0x52: {  	_ =	shalt  }
0x53: {  	_ =	shalt  }
0x54: {  	_ =	shalt  }
0x55: {  	_ =	shalt  }
0x56: {  	_ =	shalt  }
0x57: {  	_ =	shalt  }
0x58: {  	_ =	shalt  }
0x59: {  	_ =	shalt  }
0x5a: {  	_ =	shalt  }
0x5b: {  	_ =	shalt  }
0x5c: {  	_ =	shalt  }
0x5d: {  	_ =	shalt  }
0x5e: {  	_ =	shalt  }
0x5f: {  	_ =	shalt  }
0x60: {  	_ =	shalt  }
0x61: {  	_ =	shalt  }
0x62: {  	_ =	shalt  }
0x63: {  	_ =	shalt  }
0x64: {  	_ =	shalt  }
0x65: {  	_ =	shalt  }
0x66: {  	_ =	shalt  }
0x67: {  	_ =	shalt  }
0x68: {  	_ =	shalt  }
0x69: {  	_ =	shalt  }
0x6a: {  	_ =	shalt  }
0x6b: {  	_ =	shalt  }
0x6c: {  	_ =	shalt  }
0x6d: {  	_ =	shalt  }
0x6e: {  	_ =	shalt  }
0x6f: {  	_ =	shalt  }
0x70: {  	_ =	shalt  }
0x71: {  	_ =	shalt  }
0x72: {  	_ =	shalt  }
0x73: {  	_ =	shalt  }
0x74: {  	_ =	shalt  }
0x75: {  	_ =	shalt  }
0x76: {  	_ =	shalt  }
0x77: {  	_ =	shalt  }
0x78: {  	_ =	shalt  }
0x79: {  	_ =	shalt  }
0x7a: {  	_ =	shalt  }
0x7b: {  	_ =	shalt  }
0x7c: {  	_ =	shalt  }
0x7d: {  	_ =	shalt  }
0x7e: {  	_ =	shalt  }
0x7f: {  	_ =	shalt  }
0x80: {  	_ =	shalt  }
0x81: {  	_ =	shalt  }
0x82: {  	_ =	shalt  }
0x83: {  	_ =	shalt  }
0x84: {  	_ =	shalt  }
0x85: {  	_ =	shalt  }
0x86: {  	_ =	shalt  }
0x87: {  	_ =	shalt  }
.Lfunc_end0:
.L_simem_size_0:
called_computation_lowered:
.L_overlay_start_0:
0x88: {  	s2 =	sld [smem:$0x3FD9]  }
0x89: {  	s3 =	sld [smem:$0x3FFE];
	_ =	sdelay $0x1  }
0x8a: {  	s1 =	srdreg.scid  }
0x8b: {  	s0 =	sand.u32 $0x1, s1  }
0x8c: {  	s16 =	sshll.u32 s0, $0xA;
	s2 =	sadd.s32 s3, s2  }
0x8d: {  	s2 =	sadd.s32 s2, s16  }
0x8e: {  	[smem:$0x3FC6] =	sst s2  }
0x8f: {  	_ = 	snop  }
0x90: {  	(tm) =	ssettm $0x1  }
0x91: {  	s17 =	sld [smem:$0x3FFB];
	_ =	sdelay $0x3  }
0x92: {  	_ =	strace s17  }
0x93: {  	s2 =	sld [smem:$0x3FFC];
	_ =	sdelay $0x3  }
0x94: {  	_ =	strace s2  }
0x95: {  	s2 =	sld [smem:$0x3FFD];
	_ =	sdelay $0x3  }
0x96: {  	_ =	strace s2  }
0x97: {  	_ =	strace $0x8FFFFFFF  }
0x98: {  	s18 =	sld [smem:$0x3FDB];
	_ =	sdelay $0x1  }
0x99: {  	s19 =	simm.s32 $_scs_section_size  }
0x9a: {  	s4 =	simm.s32 $_size__tile_overlayer_lowered;
	s5 =	simm.s32 $_tile_overlayer_lowered  }
0x9b: {  	s22 =	simm.s32 $0x1BFF;
	s21 =	sshll.u32 s5, $0x1;
	s2 =	sadd.s32 s19, s18  }
0x9c: {  	s6 =	simm.s32 $0x0;
	s20 =	sshll.u32 s4, $0x1;
	s4 =	sadd.s32 s21, s2  }
0x9d: {  	[timem:s6], [sflag:s22] =	dma.local [hbm:s4], s20  }
0x9e: {  	_ =	swait.ge [sflag:s22], s20  }
0x9f: {  	s3 =	ssub.s32 $0x0, s20;
	[sflag:s22] =	ssyncset.done $0x0  }
0xa0: {  	[sflag:s22] =	ssyncadd.s32 s3;
	_ =	sdelay $0x1  }
0xa1: {  	s23 =	simm.s32 $0x1B8B  }
0xa2: {  	_ =	swait.ge [sflag:s23], $0x1  }
0xa3: {  	[sflag:s23] =	ssyncset.done $0x0  }
0xa4: {  	s25 =	simm.s32 $0x1B8E;
	s24 =	sld [smem:$0x3FFE];
	[sflag:s23] =	ssyncadd.s32 $0xFFFFFFFF  }
0xa5: {  	s26 =	simm.s32 $execute0_lowered;
	[smem:$0x3FD2] =	sst s25  }
0xa6: {  	s4 =	sshll.u32 s26, $0x1;
	_ =	strace $0x80000046;
	[dreg:$0x1] =	wrdreg $0xFFFFFFFF  }
0xa7: {  	s28 =	simm.s32 $_size_execute0_lowered;
	s2 =	sadd.s32 s2, s4;
	[dreg:$0x0] =	wrdreg $0x0  }
0xa8: {  	s4 =	sshll.u32 s28, $0x1;
	[dreg:$0x2] =	wrdreg s2  }
0xa9: {  	[dreg:$0x3] =	wrdreg s4  }
0xaa: {  	[dreg:$0x4] =	wrdreg $0xC0  }
0xab: {  	_ =	task [dreg:s6], $0x5FFFF  }
0xac: {  	[dreg:$0x1] =	wrdreg $0xFFFFFFFF  }
0xad: {  	[dreg:$0x0] =	wrdreg $0x60  }
0xae: {  	[dreg:$0x2] =	wrdreg s24  }
0xaf: {  	[dreg:$0x3] =	wrdreg $0x9  }
0xb0: {  	_ =	task.clear_ibuf [dreg:s6], $0x4FFFF;
	_ =	strace $0x90000046  }
0xb1: {  	s29 =	simm.s32 $0x9;
	_ =	strace $0x80000048  }
0xb2: {  	_ =	swait.ge [sflag:s29], $0x1  }
0xb3: {  	[sflag:s29] =	ssyncadd.s32 $0xFFFFFFFF  }
0xb4: {  	_ =	strace $0x90000048  }
0xb5: {  	_ =	sfence  }
0xb6: {  	s30 =	sld [smem:$0x0];
	_ =	sdelay $0x2  }
0xb7: {  	s31 =	sshll.u32 s1, $0xD;
	s1 =	sshrl.u32 s1, $0x2  }
0xb8: {  	s3 =	sand.u32 $0x4000, s31;
	s1 =	sadd.s32 s1, s30  }
0xb9: {  	s0 =	sor.u32 s3, s0;
	s1 =	sshll.u32 s1, $0x11  }
0xba: {  	s0 =	sor.u32 s1, s0  }
0xbb: {  	s0 =	sadd.s32 $0x8F2B, s0  }
0xbc: {  	[sflag:s0] =	ssyncadd.remote.s32 $0x1  }
0xbd: {  	_ =	sfence.sel $0xFFFF  }
0xbe: {  	[dreg:$0x0] =	wrdreg $0xFFFFFFFF;
	(pc) =	sbr.abs _section_cstart, $3  }
0xbf: {  	[dreg:$0x1] =	wrdreg $0xFFFFFFFF  }
0xc0: {  	_ =	task.clear_ibuf [dreg:s6], $0x2FFFF;
	_ =	strace $0x9FFFFFFF  }
0xc1: {  	(tm) =	ssettm $0x7FFFFFFF  }
tec
execute0_lowered:
.L_overlay_start_1:
0x0: {  	(tag) =	ssettag $0x1  }
0x1: {  	s0 =	rddreg [dreg:$0x0]  }
0x2: {  	s1 =	simm.s32 $0x0;
	s2 =	srdreg.scid;
	s5 =	stileid.u32  }
0x3: {  	s11 =	simm.s32 $0x2000;
	s12 =	simm.s32 $0x4000;
	s13 =	simm.s32 $0x1  }
0x4: {  	s14 =	simm.s32 $0x40;
	s23 =	simm.s32 $0x12000;
	s24 =	simm.s32 $0x14000  }
0x5: {  	s25 =	simm.s32 $0x16000;
	s26 =	simm.s32 $0x2;
	s28 =	simm.s32 $0x18000  }
0x6: {  	s29 =	simm.s32 $0x1A000;
	s30 =	simm.s32 $0x1C000;
	s31 =	simm.s32 $0x3  }
0x7: {  	s16 =	simm.s32 $0x6;
	s17 =	simm.s32 $0x0;
	[smem:$0x7FF] =	sst s1  }
0x8: {  	s3 =	sadd.s32 $0x80600, s0;
	s2 =	sand.u32 $0x1, s2;
	s6 =	sshll.u32 s5, $0x1  }
0x9: {  	s4 =	sadd.s32 $0x40600, s0;
	s5 =	sadd.s32 $0x600, s0;
	s6 =	sor.u32 s2, s6  }
0xa: {  	_ =	strace $0x80000047;
	s2 =	ssub.s32 $0x2, s2;
	s7 =	sshll.u32 s6, $0xA  }
0xb: {  	s6 =	sshll.u32 s6, $0x4;
	s8 =	sshrl.u32 s2, $0x1;
	s9 =	sadd.s32 s7, s0  }
0xc: {  	s0 =	sadd.s32 s6, s0;
	s2 =	ssub.s32 s2, s8;
	s6 =	sadd.s32 $0xD0600, s9  }
0xd: {  	s7 =	sadd.s32 $0xC8600, s9;
	s8 =	sadd.s32 $0xC0600, s9;
	s9 =	sadd.s32 $0xD8600, s0  }
0xe: {  	vm0 =	vmmov $0x7fff;
	s10 =	smax.u32 s2, $0x1;
	s0 =	simm.s32 $0x4;
	s2 =	simm.s32 $0x5  }
.LBB2_1:
0xf: {  	[tilespmem:s1], [sflag:$0x1] =	stream.linear.gather [hbm4b:s6+s1], $0x2000, $0x38;
	[tilespmem:$0x1E080] =	vst v63  }
0x10: {  	_ = 	snop  }
0x11: {  	[tilespmem:s11], [sflag:$0x1] =	stream.linear.gather [hbm4b:s7+s1], $0x2000, $0x38;
	[tilespmem:$0x1E080] =	vst v63  }
0x12: {  	_ = 	snop  }
0x13: {  	[tilespmem:s12], [sflag:$0x1] =	stream.linear.gather [hbm4b:s8+s1], $0x2000, $0x38;
	[tilespmem:$0x1E080] =	vst v63  }
0x14: {  	_ =	swait.ge [sflag:s13], $0x2000  }
0x15: {  	[sflag:s13] =	ssyncset.done $0x0  }
0x16: {  	[sflag:s13] =	ssyncadd.s32 $0xFFFFE000  }
0x17: {  	_ =	swait.ge [sflag:s13], $0x2000  }
0x18: {  	[sflag:s13] =	ssyncset.done $0x0  }
0x19: {  	[sflag:s13] =	ssyncadd.s32 $0xFFFFE000  }
0x1a: {  	_ =	swait.ge [sflag:s13], $0x2000  }
0x1b: {  	[sflag:s13] =	ssyncset.done $0x0  }
0x1c: {  	s15 =	simm.s32 $0x6000;
	[sflag:s13] =	ssyncadd.s32 $0xFFFFE000  }
0x1d: {  	[tilespmem:s15], [sflag:$0x2] =	stream.indirect.gather [hbm4b:s3+s14], $0x80, s1, s14, $0xb8;
	[tilespmem:$0x1E080] =	vst v63  }
0x1e: {  	s22 =	simm.s32 $0x8000  }
0x1f: {  	[tilespmem:s22], [sflag:$0x2] =	stream.indirect.gather [hbm4b:s4+s14], $0x80, s11, s14, $0xb8;
	[tilespmem:$0x1E080] =	vst v63  }
0x20: {  	s18 =	simm.s32 $0xA000  }
0x21: {  	[tilespmem:s18], [sflag:$0x2] =	stream.indirect.gather [hbm4b:s5+s14], $0x80, s12, s14, $0xb8;
	[tilespmem:$0x1E080] =	vst v63  }
0x22: {  	s19 =	simm.s32 $0xC000  }
0x23: {  	[tilespmem:s19], [sflag:$0x3] =	stream.indirect.gather [hbm4b:s3+s14], $0x80, s14, s14, $0xb8;
	[tilespmem:$0x1E080] =	vst v63  }
0x24: {  	s20 =	simm.s32 $0x2040;
	s18 =	simm.s32 $0xE000  }
0x25: {  	[tilespmem:s18], [sflag:$0x3] =	stream.indirect.gather [hbm4b:s4+s14], $0x80, s20, s14, $0xb8;
	[tilespmem:$0x1E080] =	vst v63  }
0x26: {  	s21 =	simm.s32 $0x4040;
	s22 =	simm.s32 $0x10000;
	s18 =	simm.s32 $0x0  }
0x27: {  	v0 =	vimm.f32 $0.0e+00;
	[tilespmem:s22], [sflag:$0x3] =	stream.indirect.gather [hbm4b:s5+s14], $0x80, s21, s14, $0xb8;
	[tilespmem:$0x1E080] =	vst v63  }
.LBB2_2:
0x28: {  	s19 =	sshll.u32 s18, $0x8  }
0x29: {  	s15 =	sor.u32 $0x80, s19  }
0x2a: {  	[tilespmem:s23], [sflag:$0x4] =	stream.indirect.gather [hbm4b:s3+s14], $0x80, s15, s14, $0xb8;
	[tilespmem:$0x1E080] =	vst v63  }
0x2b: {  	s20 =	sadd.s32 $0x2080, s19  }
0x2c: {  	[tilespmem:s24], [sflag:$0x4] =	stream.indirect.gather [hbm4b:s4+s14], $0x80, s20, s14, $0xb8;
	[tilespmem:$0x1E080] =	vst v63  }
0x2d: {  	[tilespmem:$0x1FE50] =	vst v0;
	s21 =	sadd.s32 $0x4080, s19  }
0x2e: {  	[tilespmem:s25], [sflag:$0x4] =	stream.indirect.gather [hbm4b:s5+s14], $0x80, s21, s14, $0xb8;
	[tilespmem:$0x1E080] =	vst v63  }
0x2f: {  	_ =	swait.ge [sflag:s26], $0x2000  }
0x30: {  	[sflag:s26] =	ssyncset.done $0x0  }
0x31: {  	[sflag:s26] =	ssyncadd.s32 $0xFFFFE000  }
0x32: {  	_ =	swait.ge [sflag:s26], $0x2000  }
0x33: {  	[sflag:s26] =	ssyncset.done $0x0  }
0x34: {  	[sflag:s26] =	ssyncadd.s32 $0xFFFFE000  }
0x35: {  	_ =	swait.ge [sflag:s26], $0x2000  }
0x36: {  	[sflag:s26] =	ssyncset.done $0x0  }
0x37: {  	s22 =	simm.s32 $0x6100;
	[sflag:s26] =	ssyncadd.s32 $0xFFFFE000  }
0x38: {  	s20 =	simm.s32 $0x8100;
	v1 =	vld [tilespmem:s22+$0xF0]  }
0x39: {  	s21 =	simm.s32 $0xA100;
	v2 =	vld [tilespmem:s20+$0xF0]  }
0x3a: {  	v12 =	vld [tilespmem:s21+$0xF0]  }
0x3b: {  	v63 =	vld [tilespmem:s21+$0xE0]  }
0x3c: {  	v4 =	vld [tilespmem:s22+$0x70]  }
0x3d: {  	v5 =	vld [tilespmem:s20+$0x70]  }
0x3e: {  	v9 =	vld [tilespmem:s21+$0x70]  }
0x3f: {  	v7 =	vld [tilespmem:s22+$0xE0]  }
0x40: {  	v8 =	vld [tilespmem:s20+$0xE0];
	[tilespmem:$0x1FE80] =	vst v63  }
0x41: {  	v0 =	vld [tilespmem:s21+$0xFFFFFFF0];
	_ =	sdelay $0x3  }
0x42: {  	v10 =	vld [tilespmem:s22+$0xFFFFFFF0]  }
0x43: {  	v3 =	vld [tilespmem:s20+$0xFFFFFFF0];
	[tilespmem:$0x1FE90] =	vst v0  }
0x44: {  	v0 =	vld [tilespmem:s21+$0x60];
	_ =	sdelay $0x3  }
0x45: {  	v13 =	vld [tilespmem:s22+$0x60]  }
0x46: {  	v6 =	vld [tilespmem:s20+$0x60];
	[tilespmem:$0x1FEB0] =	vst v0  }
0x47: {  	v16 =	vld [tilespmem:s22+$0xD0]  }
0x48: {  	v17 =	vld [tilespmem:s20+$0xD0]  }
0x49: {  	v18 =	vld [tilespmem:s21+$0xD0]  }
0x4a: {  	v19 =	vld [tilespmem:s22+$0xFFFFFF70]  }
0x4b: {  	v20 =	vld [tilespmem:s20+$0xFFFFFF70]  }
0x4c: {  	v21 =	vld [tilespmem:s21+$0xFFFFFF70]  }
0x4d: {  	v22 =	vld [tilespmem:s22+$0xFFFFFFE0]  }
0x4e: {  	v23 =	vld [tilespmem:s20+$0xFFFFFFE0]  }
0x4f: {  	v24 =	vld [tilespmem:s21+$0xFFFFFFE0]  }
0x50: {  	v25 =	vld [tilespmem:s22+$0x50]  }
0x51: {  	v26 =	vld [tilespmem:s20+$0x50]  }
0x52: {  	v27 =	vld [tilespmem:s21+$0x50]  }
0x53: {  	v28 =	vld [tilespmem:s22+$0xC0]  }
0x54: {  	v29 =	vld [tilespmem:s20+$0xC0]  }
0x55: {  	v30 =	vld [tilespmem:s21+$0xC0]  }
0x56: {  	v31 =	vld [tilespmem:s22+$0xFFFFFF60]  }
0x57: {  	v32 =	vld [tilespmem:s20+$0xFFFFFF60]  }
0x58: {  	v33 =	vld [tilespmem:s21+$0xFFFFFF60]  }
0x59: {  	v34 =	vld [tilespmem:s22+$0xFFFFFFD0]  }
0x5a: {  	v35 =	vld [tilespmem:s20+$0xFFFFFFD0]  }
0x5b: {  	v36 =	vld [tilespmem:s21+$0xFFFFFFD0]  }
0x5c: {  	v37 =	vld [tilespmem:s22+$0x40]  }
0x5d: {  	v38 =	vld [tilespmem:s20+$0x40]  }
0x5e: {  	v39 =	vld [tilespmem:s21+$0x40]  }
0x5f: {  	v40 =	vld [tilespmem:s22+$0xB0]  }
0x60: {  	v41 =	vld [tilespmem:s20+$0xB0]  }
0x61: {  	v42 =	vld [tilespmem:s21+$0xB0]  }
0x62: {  	v43 =	vld [tilespmem:s22+$0xFFFFFF50]  }
0x63: {  	v44 =	vld [tilespmem:s20+$0xFFFFFF50]  }
0x64: {  	v45 =	vld [tilespmem:s21+$0xFFFFFF50]  }
0x65: {  	v46 =	vld [tilespmem:s22+$0xFFFFFFC0]  }
0x66: {  	v47 =	vld [tilespmem:s20+$0xFFFFFFC0]  }
0x67: {  	v48 =	vld [tilespmem:s21+$0xFFFFFFC0]  }
0x68: {  	v49 =	vld [tilespmem:s22+$0x30]  }
0x69: {  	v50 =	vld [tilespmem:s20+$0x30]  }
0x6a: {  	v51 =	vld [tilespmem:s21+$0x30]  }
0x6b: {  	v52 =	vld [tilespmem:s22+$0xA0]  }
0x6c: {  	v53 =	vld [tilespmem:s20+$0xA0]  }
0x6d: {  	v54 =	vld [tilespmem:s21+$0xA0]  }
0x6e: {  	v55 =	vld [tilespmem:s22+$0xFFFFFF40]  }
0x6f: {  	v56 =	vld [tilespmem:s20+$0xFFFFFF40]  }
0x70: {  	v57 =	vld [tilespmem:s21+$0xFFFFFF40]  }
0x71: {  	v58 =	vld [tilespmem:s22+$0xFFFFFFB0]  }
0x72: {  	v59 =	vld [tilespmem:s20+$0xFFFFFFB0]  }
0x73: {  	v60 =	vld [tilespmem:s21+$0xFFFFFFB0]  }
0x74: {  	v61 =	vld [tilespmem:s22+$0x20]  }
0x75: {  	v0 =	vsub.f32 v1, v2;
	v62 =	vld [tilespmem:s20+$0x20]  }
0x76: {  	v63 =	vld [tilespmem:s21+$0x20]  }
0x77: {  	v5 =	vsub.f32 v4, v5;
	v11 =	vld [tilespmem:s22+$0x80];
	[tilespmem:$0x1FF10] =	vst v0  }
0x78: {  	v15 =	vld [tilespmem:s20+$0x80]  }
0x79: {  	[tilespmem:$0x1FE60] =	vst v5;
	v5 =	vld [tilespmem:$0x1FE80]  }
0x7a: {  	v0 =	vsub.f32 v1, v12;
	_ =	sdelay $0x1  }
0x7b: {  	[tilespmem:$0x1FF20] =	vst v0  }
0x7c: {  	v9 =	vsub.f32 v4, v9;
	v4 =	vsub.f32 v7, v8;
	v14 =	vld [tilespmem:s21+$0x80]  }
0x7d: {  	v0 =	vsub.f32 v7, v5;
	v5 =	vsub.f32 v13, v6;
	v6 =	vld [tilespmem:$0x1FEB0]  }
0x7e: {  	v8 =	vsub.f32 v10, v3;
	[tilespmem:$0x1FF30] =	vst v4;
	v4 =	vld [tilespmem:$0x1FE90]  }
0x7f: {  	[tilespmem:$0x1FE70] =	vst v9  }
0x80: {  	v9 =	vld [tilespmem:s22+$0x90];
	[tilespmem:$0x1FF50] =	vst v8  }
0x81: {  	v8 =	vsub.f32 v16, v17;
	v2 =	vsub.f32 v58, v59;
	[tilespmem:$0x1FF40] =	vst v0  }
0x82: {  	v3 =	vsub.f32 v58, v60;
	v12 =	vld [tilespmem:s20+$0x90];
	[tilespmem:$0x1FEA0] =	vst v5;
	v0 =	vsub.f32 v13, v6  }
0x83: {  	v7 =	vsub.f32 v10, v4;
	v4 =	vsub.f32 v16, v18;
	v10 =	vld [tilespmem:s21+$0x90];
	[tilespmem:$0x1FF60] =	vst v8  }
0x84: {  	v58 =	vsub.f32 v61, v63;
	v5 =	vsub.f32 v22, v23;
	v63 =	vld [tilespmem:$0x1FF40];
	[tilespmem:$0x1FEC0] =	vst v0  }
0x85: {  	v17 =	vld [tilespmem:s22+$0xFFFFFF30];
	[tilespmem:$0x1FF70] =	vst v4;
	v4 =	vsub.f32 v25, v26  }
0x86: {  	v13 =	vsub.f32 v19, v20;
	v6 =	vsub.f32 v22, v24;
	v20 =	vld [tilespmem:s20+$0xFFFFFF30];
	[tilespmem:$0x1FF80] =	vst v5  }
0x87: {  	v5 =	vsub.f32 v25, v27;
	v23 =	vld [tilespmem:s21+$0xFFFFFF30];
	[tilespmem:$0x1FED0] =	vst v4;
	v4 =	vsub.f32 v37, v38  }
0x88: {  	[tilespmem:$0x1FF90] =	vst v6;
	v38 =	vsub.f32 v43, v44;
	v44 =	vsub.f32 v49, v50;
	v50 =	vld [tilespmem:$0x1FF10]  }
0x89: {  	v6 =	vsub.f32 v28, v30;
	v24 =	vld [tilespmem:s22+$0xFFFFFFA0];
	[tilespmem:$0x1FEE0] =	vst v5  }
0x8a: {  	v36 =	vsub.f32 v34, v36;
	v26 =	vld [tilespmem:s20+$0xFFFFFFA0]  }
0x8b: {  	v1 =	vsub.f32 v55, v57;
	[tilespmem:$0x1FFA0] =	vst v6;
	v6 =	vsub.f32 v55, v56;
	v55 =	vld [tilespmem:$0x1FF20]  }
0x8c: {  	v18 =	vsub.f32 v28, v29;
	v29 =	vld [tilespmem:s21+$0xFFFFFFA0]  }
0x8d: {  	v16 =	vsub.f32 v31, v32;
	v5 =	vsub.f32 v37, v39;
	v32 =	vld [tilespmem:s22+$0x0];
	[tilespmem:$0x1FFB0] =	vst v36  }
0x8e: {  	v56 =	vsub.f32 v61, v62;
	v62 =	vld [tilespmem:$0x1FF30];
	[tilespmem:$0x1FEF0] =	vst v4  }
0x8f: {  	v22 =	vsub.f32 v34, v35;
	v34 =	vld [tilespmem:s20+$0x0];
	[tilespmem:$0x1FF00] =	vst v5  }
0x90: {  	v36 =	vld [tilespmem:s21+$0x0]  }
0x91: {  	v39 =	vld [tilespmem:s22+$0x10]  }
0x92: {  	v37 =	vsub.f32 v40, v42;
	v42 =	vld [tilespmem:s20+$0x10]  }
0x93: {  	v28 =	vsub.f32 v40, v41;
	v40 =	vsub.f32 v43, v45;
	v45 =	vld [tilespmem:s21+$0x10]  }
0x94: {  	v43 =	vsub.f32 v46, v48;
	v48 =	vld [tilespmem:s22+$0xFFFFFF20];
	[tilespmem:$0x1FFC0] =	vst v6  }
0x95: {  	v30 =	vsub.f32 v46, v47;
	v46 =	vsub.f32 v49, v51;
	v51 =	vld [tilespmem:s20+$0xFFFFFF20]  }
0x96: {  	v49 =	vsub.f32 v52, v54;
	v54 =	vld [tilespmem:s21+$0xFFFFFF20]  }
0x97: {  	v57 =	vld [tilespmem:s22+$0xFFFFFF80]  }
0x98: {  	v60 =	vld [tilespmem:s20+$0xFFFFFF80]  }
0x99: {  	v59 =	vsub.f32 v11, v15;
	v0 =	vsub.f32 v11, v14;
	v11 =	vld [tilespmem:s21+$0xFFFFFF80]  }
0x9a: {  	v4 =	vsub.f32 v9, v12;
	v12 =	vld [tilespmem:s22+$0xFFFFFF90]  }
0x9b: {  	v14 =	vld [tilespmem:s20+$0xFFFFFF90]  }
0x9c: {  	v8 =	vsub.f32 v19, v21;
	v19 =	vmul.f32 v55, v55;
	v55 =	vld [tilespmem:$0x1FF90]  }
0x9d: {  	v21 =	vsub.f32 v31, v33;
	v33 =	vsub.f32 v24, v29;
	v29 =	vmul.f32 v62, v62;
	v62 =	vld [tilespmem:$0x1FFA0]  }
0x9e: {  	v35 =	vsub.f32 v32, v34;
	v34 =	vmul.f32 v50, v50;
	v50 =	vld [tilespmem:$0x1FF80]  }
0x9f: {  	[tilespmem:$0x1FFD0] =	vst v33;
	v33 =	vld [tilespmem:$0x1FF50]  }
0xa0: {  	v41 =	vsub.f32 v32, v36;
	v36 =	vmul.f32 v63, v63;
	v63 =	vld [tilespmem:$0x1FFB0]  }
0xa1: {  	v5 =	vsub.f32 v9, v10;
	[tilespmem:$0x1FFE0] =	vst v35;
	v35 =	vld [tilespmem:$0x1FF60]  }
0xa2: {  	v9 =	vsub.f32 v17, v20;
	v10 =	vsub.f32 v17, v23;
	v17 =	vld [tilespmem:s21+$0xFFFFFF90]  }
0xa3: {  	v31 =	vmul.f32 v18, v18;
	[tilespmem:$0x1FFF0] =	vst v41;
	v41 =	vld [tilespmem:$0x1FF70]  }
0xa4: {  	v16 =	vmul.f32 v16, v16;
	v27 =	vmul.f32 v7, v7;
	v47 =	vsub.f32 v52, v53;
	v20 =	vld [tilespmem:s22+$0xFFFFFF00]  }
0xa5: {  	v40 =	vmul.f32 v40, v40;
	v49 =	vmul.f32 v49, v49;
	v61 =	vsub.f32 v24, v26;
	v23 =	vld [tilespmem:s20+$0xFFFFFF00]  }
0xa6: {  	v24 =	vmul.f32 v8, v8;
	v53 =	vsub.f32 v39, v42;
	v15 =	vsub.f32 v48, v54;
	v32 =	vld [tilespmem:s21+$0xFFFFFF00]  }
0xa7: {  	v54 =	vsub.f32 v57, v60;
	v57 =	vsub.f32 v57, v11;
	v11 =	vmul.f32 v47, v47;
	v42 =	vld [tilespmem:s22+$0xFFFFFF10]  }
0xa8: {  	v51 =	vsub.f32 v48, v51;
	v25 =	vmul.f32 v55, v55;
	v48 =	vld [tilespmem:s20+$0xFFFFFF10];
	v26 =	vmul.f32 v50, v50  }
0xa9: {  	v52 =	vsub.f32 v39, v45;
	v45 =	vld [tilespmem:s21+$0xFFFFFF10];
	v50 =	vmul.f32 v54, v54;
	v39 =	vmul.f32 v33, v33  }
0xaa: {  	v33 =	vmul.f32 v35, v35;
	v35 =	vmul.f32 v13, v13  }
0xab: {  	v13 =	vmul.f32 v21, v21;
	v60 =	vmul.f32 v41, v41  }
0xac: {  	v41 =	vmul.f32 v22, v22;
	v55 =	vsub.f32 v39, v27;
	v39 =	vmul.f32 v59, v59  }
0xad: {  	v47 =	vld [tilespmem:$0x1FFC0];
	v18 =	vsub.f32 v20, v23;
	v20 =	vsub.f32 v20, v32;
	v32 =	vmul.f32 v62, v62  }
0xae: {  	v21 =	vsub.f32 v42, v48;
	v22 =	vsub.f32 v42, v45;
	v42 =	vmul.f32 v63, v63  }
0xaf: {  	v48 =	vmul.f32 v28, v28;
	v23 =	vsub.f32 v29, v36;
	v29 =	vmul.f32 v37, v37  }
0xb0: {  	v28 =	vmul.f32 v38, v38;
	v63 =	vsub.f32 v34, v19;
	v34 =	vmul.f32 v30, v30  }
0xb1: {  	v14 =	vsub.f32 v12, v14;
	v30 =	vmul.f32 v43, v43;
	v45 =	vmul.f32 v44, v44  }
0xb2: {  	v62 =	vsub.f32 v35, v24;
	v35 =	vmul.f32 v47, v47;
	v36 =	vmul.f32 v1, v1  }
0xb3: {  	v49 =	vsub.f32 v11, v49;
	v37 =	vmul.f32 v2, v2;
	v38 =	vmul.f32 v3, v3  }
0xb4: {  	v59 =	vld [tilespmem:$0x1FFE0];
	v24 =	vsub.f32 v26, v25;
	v26 =	vmul.f32 v56, v56;
	v43 =	vmul.f32 v4, v4  }
0xb5: {  	v44 =	vmul.f32 v9, v9;
	v27 =	vsub.f32 v33, v60;
	v33 =	vmul.f32 v58, v58;
	v58 =	vld [tilespmem:$0x1FFD0]  }
0xb6: {  	v25 =	vsub.f32 v31, v32;
	v31 =	vsub.f32 v41, v42;
	v42 =	vmul.f32 v61, v61;
	v61 =	vld [tilespmem:$0x1FFF0]  }
0xb7: {  	v17 =	vsub.f32 v12, v17;
	v47 =	vmul.f32 v10, v10;
	v60 =	vmul.f32 v46, v46  }
0xb8: {  	v16 =	vsub.f32 v16, v13;
	v46 =	vmul.f32 v5, v5;
	v41 =	vmul.f32 v0, v0  }
0xb9: {  	v32 =	vsub.f32 v48, v29;
	v29 =	vsub.f32 v34, v30;
	v34 =	vmul.f32 v51, v51  }
0xba: {  	v28 =	vsub.f32 v28, v40;
	v51 =	vmul.f32 v57, v57;
	v40 =	vmul.f32 v59, v59  }
0xbb: {  	s15 =	simm.s32 $0x6300;
	s22 =	simm.s32 $0x0;
	v30 =	vsub.f32 v45, v60;
	v48 =	vmul.f32 v58, v58;
	v45 =	vmul.f32 v61, v61  }
.LBB2_3:
0xbc: {  	v13 =	vld [tilespmem:s15+$0xF0]  }
0xbd: {  	v9 =	vld [tilespmem:s15+$0xFFFFFFF0]  }
0xbe: {  	s20 =	sadd.s32 $0x200, s20;
	v7 =	vmul.f32 v53, v53;
	v53 =	vld [tilespmem:$0x1FE60]  }
0xbf: {  	v61 =	vmul.f32 v14, v14;
	s21 =	sadd.s32 $0x200, s21;
	v14 =	vld [tilespmem:s20+$0xF0]  }
0xc0: {  	v0 =	vmul.f32 v17, v17;
	v17 =	vld [tilespmem:s21+$0xF0]  }
0xc1: {  	v2 =	vmul.f32 v18, v18;
	v18 =	vld [tilespmem:s15+$0x70]  }
0xc2: {  	v33 =	vsub.f32 v26, v33;
	v26 =	vmul.f32 v20, v20;
	v20 =	vld [tilespmem:s20+$0x70]  }
0xc3: {  	v3 =	vmul.f32 v21, v21;
	v21 =	vld [tilespmem:s21+$0x70]  }
0xc4: {  	v5 =	vmul.f32 v22, v22;
	v22 =	vld [tilespmem:s15+$0xE0]  }
0xc5: {  	v6 =	vmul.f32 v15, v15;
	v15 =	vld [tilespmem:s20+$0xE0]  }
0xc6: {  	v10 =	vld [tilespmem:s21+$0xE0]  }
0xc7: {  	v8 =	vld [tilespmem:s21+$0x60]  }
0xc8: {  	v1 =	vsub.f32 v43, v46;
	v46 =	vld [tilespmem:$0x1FF00]  }
0xc9: {  	v42 =	vsub.f32 v42, v48;
	v48 =	vld [tilespmem:$0x1FED0]  }
0xca: {  	v4 =	vsub.f32 v50, v51;
	v50 =	vld [tilespmem:$0x1FEE0]  }
0xcb: {  	v51 =	vld [tilespmem:$0x1FEA0]  }
0xcc: {  	v12 =	vld [tilespmem:s20+$0xFFFFFF70]  }
0xcd: {  	v39 =	vsub.f32 v39, v41;
	v41 =	vld [tilespmem:s15+$0x40]  }
0xce: {  	v35 =	vsub.f32 v35, v36;
	v36 =	vsub.f32 v61, v0;
	v0 =	vld [tilespmem:$0x1FEF0]  }
0xcf: {  	v37 =	vsub.f32 v37, v38;
	v34 =	vsub.f32 v34, v6;
	v6 =	vld [tilespmem:s20+$0xD0]  }
0xd0: {  	v61 =	vld [tilespmem:$0x1FE50];
	v26 =	vsub.f32 v2, v26;
	v38 =	vsub.f32 v3, v5  }
0xd1: {  	v5 =	vld [tilespmem:s21+$0xD0]  }
0xd2: {  	v36 =	vadd.f32 v36, v4;
	v38 =	vadd.f32 v38, v26;
	v26 =	vld [tilespmem:s21+$0xFFFFFFF0]  }
0xd3: {  	v2 =	vmul.f32 v53, v53;
	v53 =	vld [tilespmem:s15+$0x30]  }
0xd4: {  	v39 =	vadd.f32 v1, v39;
	v36 =	vadd.f32 v42, v36;
	v42 =	vmul.f32 v52, v52;
	v52 =	vld [tilespmem:$0x1FEC0]  }
0xd5: {  	v44 =	vsub.f32 v44, v47;
	v47 =	vmul.f32 v46, v46;
	v46 =	vld [tilespmem:s21+$0xB0]  }
0xd6: {  	v39 =	vadd.f32 v49, v39;
	v49 =	vmul.f32 v48, v48;
	v48 =	vld [tilespmem:s20+$0xFFFFFF50]  }
0xd7: {  	v4 =	vmul.f32 v51, v51;
	v51 =	vld [tilespmem:s20+$0xFFFFFFC0]  }
0xd8: {  	v15 =	vsub.f32 v22, v15;
	v10 =	vsub.f32 v22, v10;
	v22 =	vld [tilespmem:s15+$0x80]  }
0xd9: {  	v34 =	vadd.f32 v34, v38;
	v38 =	vld [tilespmem:s15+$0xFFFFFFD0]  }
0xda: {  	v32 =	vadd.f32 v32, v39;
	v39 =	vld [tilespmem:s20+$0xFFFFFFD0]  }
0xdb: {  	v43 =	vsub.f32 v7, v42;
	v7 =	vld [tilespmem:s15+$0xD0]  }
0xdc: {  	v36 =	vadd.f32 v37, v36;
	v42 =	vld [tilespmem:s20+$0x40]  }
0xdd: {  	v40 =	vsub.f32 v40, v45;
	v32 =	vadd.f32 v25, v32;
	v25 =	vld [tilespmem:s20+$0xFFFFFFF0]  }
0xde: {  	v36 =	vadd.f32 v29, v36;
	v29 =	vld [tilespmem:s20+$0x60]  }
0xdf: {  	v37 =	vadd.f32 v43, v40;
	v40 =	vld [tilespmem:s21+$0xFFFFFFD0]  }
0xe0: {  	v34 =	vadd.f32 v44, v34;
	v43 =	vld [tilespmem:s21+$0x40]  }
0xe1: {  	v32 =	vadd.f32 v27, v32;
	v27 =	vld [tilespmem:s15+$0x60]  }
0xe2: {  	v34 =	vadd.f32 v35, v34;
	v35 =	vld [tilespmem:s15+$0xFFFFFF60]  }
0xe3: {  	v3 =	vmul.f32 v52, v52;
	v52 =	vld [tilespmem:s21+$0xFFFFFFC0]  }
0xe4: {  	v45 =	vadd.f32 v33, v37;
	v33 =	vld [tilespmem:s20+$0xC0]  }
0xe5: {  	v31 =	vadd.f32 v31, v36;
	v36 =	vld [tilespmem:s20+$0xFFFFFF60]  }
0xe6: {  	v37 =	vld [tilespmem:s21+$0xFFFFFF60]  }
0xe7: {  	v23 =	vadd.f32 v23, v32;
	v32 =	vld [tilespmem:s15+$0xC0]  }
0xe8: {  	v28 =	vadd.f32 v28, v34;
	v34 =	vld [tilespmem:s21+$0xC0]  }
0xe9: {  	v3 =	vsub.f32 v4, v3;
	v30 =	vadd.f32 v30, v45;
	v45 =	vld [tilespmem:s20+$0xB0]  }
0xea: {  	v44 =	vmul.f32 v0, v0;
	v4 =	vsub.f32 v18, v20;
	v20 =	vsub.f32 v9, v25;
	v25 =	vld [tilespmem:s20+$0x80]  }
0xeb: {  	v19 =	vadd.f32 v63, v23;
	v28 =	vadd.f32 v16, v28;
	v16 =	vld [tilespmem:s21+$0xFFFFFF70]  }
0xec: {  	v23 =	vadd.f32 v24, v31;
	v24 =	vsub.f32 v44, v47;
	v44 =	vld [tilespmem:s15+$0xB0]  }
0xed: {  	v47 =	vld [tilespmem:s15+$0xFFFFFF50]  }
0xee: {  	v31 =	vmul.f32 v50, v50;
	v50 =	vld [tilespmem:s15+$0xFFFFFFC0]  }
0xef: {  	[tilespmem:$0x1FE60] =	vst v4;
	v4 =	vsub.f32 v18, v21;
	v18 =	vld [tilespmem:s20+$0x20]  }
0xf0: {  	v21 =	vld [tilespmem:s21+$0x20]  }
0xf1: {  	(xrf2) =	vadd.scan.msk.f32 $0xffff, v19;
	v19 =	vld [tilespmem:s15+$0xFFFFFF70]  }
0xf2: {  	v23 =	vadd.f32 v55, v23;
	v55 =	vld [tilespmem:$0x1FE70]  }
0xf3: {  	v54 =	vadd.f32 v62, v28;
	v28 =	vld [tilespmem:s21+$0xFFFFFFE0]  }
0xf4: {  	v24 =	vadd.f32 v24, v30;
	v30 =	vld [tilespmem:s20+$0x50]  }
0xf5: {  	v31 =	vsub.f32 v49, v31;
	v49 =	vld [tilespmem:s21+$0xFFFFFF50]  }
0xf6: {  	[tilespmem:$0x1FE70] =	vst v4;
	v4 =	vsub.f32 v27, v29;
	v29 =	vld [tilespmem:s21+$0x90]  }
0xf7: {  	(xrf2) =	vadd.scan.msk.f32 $0xffff, v23;
	v23 =	vld [tilespmem:s15+$0xFFFFFFE0]  }
0xf8: {  	v42 =	vsub.f32 v41, v42;
	v11 =	vadd.f32 v31, v24;
	v24 =	vld [tilespmem:s20+$0xFFFFFFE0]  }
0xf9: {  	v9 =	vsub.f32 v9, v26;
	v26 =	vsub.f32 v7, v6;
	v31 =	vld [tilespmem:s21+$0x50]  }
0xfa: {  	[tilespmem:$0x1FEA0] =	vst v4;
	v4 =	vsub.f32 v27, v8;
	v27 =	vsub.f32 v7, v5;
	v7 =	vld [tilespmem:s20+$0x90]  }
0xfb: {  	(xrf2) =	vadd.scan.msk.f32 $0xffff, v54;
	v54 =	vld [tilespmem:s20+$0x30]  }
0xfc: {  	[tilespmem:$0x1FEF0] =	vst v42;
	v42 =	vsub.f32 v47, v48;
	v48 =	vld [tilespmem:s15+$0x0]  }
0xfd: {  	v43 =	vsub.f32 v41, v43;
	v3 =	vadd.f32 v3, v11;
	v11 =	vld [tilespmem:s15+$0x50]  }
0xfe: {  	v41 =	vsub.f32 v44, v46;
	v46 =	vsub.f32 v50, v51;
	v51 =	vld [tilespmem:s20+$0x0];
	v1 =	vmul.f32 v55, v55  }
0xff: {  	[tilespmem:$0x1FEC0] =	vst v4;
	v4 =	vld [tilespmem:s20+$0xFFFFFFA0];
	v12 =	vsub.f32 v19, v12  }
0x100: {  	v55 =	vld [tilespmem:s21+$0x30];
	v16 =	vsub.f32 v19, v16;
	v1 =	vsub.f32 v2, v1  }
0x101: {  	v19 =	vld [tilespmem:s21+$0x80];
	v24 =	vsub.f32 v23, v24;
	v23 =	vsub.f32 v23, v28  }
0x102: {  	v28 =	vld [tilespmem:s15+$0x90];
	v5 =	vsub.f32 v11, v30;
	v6 =	vsub.f32 v11, v31  }
0x103: {  	v30 =	vsub.f32 v32, v33;
	v31 =	vsub.f32 v32, v34;
	v32 =	vld [tilespmem:s15+$0xFFFFFF30]  }
0x104: {  	v33 =	vsub.f32 v35, v36;
	v34 =	vsub.f32 v35, v37;
	v35 =	vld [tilespmem:s20+$0xFFFFFF30]  }
0x105: {  	v36 =	vsub.f32 v38, v39;
	v37 =	vsub.f32 v38, v40;
	v38 =	vld [tilespmem:s21+$0xFFFFFF30]  }
0x106: {  	v39 =	vld [tilespmem:s15+$0xFFFFFFA0]  }
0x107: {  	v56 =	vadd.f32 v1, v3;
	v40 =	vsub.f32 v44, v45;
	v45 =	vld [tilespmem:s21+$0xFFFFFFA0]  }
0x108: {  	v11 =	vmul.f32 v15, v15;
	v15 =	vld [tilespmem:s21+$0xFFFFFF20]  }
0x109: {  	v57, _, _ =	vpop (xrf2);
	(xrf2) =	vadd.scan.msk.f32 $0xffff, v56;
	v56 =	vld [tilespmem:s15+$0xA0]  }
0x10a: {  	v1 =	vadd.f32 $2.000000030e-01, v57;
	v57 =	vld [tilespmem:s20+$0xA0]  }
0x10b: {  	[tilespmem:$0x1FEE0] =	vst v6;
	v6 =	vsub.f32 v22, v19;
	v19 =	vmul.f32 v12, v12;
	v12 =	vld [tilespmem:s20+$0xFFFFFF80]  }
0x10c: {  	[tilespmem:$0x1FE10] =	vst v11;
	v11 =	vmul.f32 v23, v23;
	v23 =	vld [tilespmem:s15+$0xFFFFFF90];
	v58, _, _ =	vpop (xrf2)  }
0x10d: {  	v14 =	vsub.f32 v13, v14;
	[tilespmem:$0x1FF00] =	vst v43;
	v59, _, _ =	vpop (xrf2);
	v2 =	vadd.f32 $2.000000030e-01, v58;
	v58 =	vld [tilespmem:s21+$0xA0]  }
0x10e: {  	v43 =	vsub.f32 v47, v49;
	[tilespmem:$0x1FE00] =	vst v6;
	v6 =	vmul.f32 v33, v33;
	v33 =	vld [tilespmem:s20+$0xFFFFFF90];
	v3 =	vadd.f32 $2.000000030e-01, v59  }
0x10f: {  	v47 =	vsub.f32 v50, v52;
	v59 =	vld [tilespmem:s15+$0xFFFFFF40];
	v4 =	vsub.f32 v39, v4  }
0x110: {  	v45 =	vsub.f32 v39, v45;
	v39 =	vld [tilespmem:s15+$0xFFFFFF00];
	v3 =	vmax.f32 v3, $0.0e+00;
	v52 =	vsub.f32 v56, v57  }
0x111: {  	v57 =	vsub.f32 v28, v7;
	v7 =	vmul.f32 v14, v14;
	v14 =	vld [tilespmem:s20+$0xFFFFFF20];
	v3 =	vsel vm0, $0x0, v3  }
0x112: {  	v49 =	vsub.f32 v53, v54;
	v0 =	vadd.f32 v3, v61;
	v61 =	vld [tilespmem:s21+$0xFFFFFF40]  }
0x113: {  	v27 =	vmul.f32 v27, v27;
	v50 =	vsub.f32 v53, v55;
	v53 =	vsub.f32 v56, v58;
	v56 =	vld [tilespmem:s21+$0x0];
	v60, _, _ =	vpop (xrf2)  }
0x114: {  	v16 =	vmul.f32 v16, v16;
	v2 =	vmax.f32 v2, $0.0e+00;
	v58 =	vld [tilespmem:s15+$0x10];
	v62 =	vadd.f32 $2.000000030e-01, v60  }
0x115: {  	v51 =	vsub.f32 v48, v51;
	v2 =	vsel vm0, $0x0, v2;
	v3 =	vmul.f32 v43, v43;
	v60 =	vld [tilespmem:s20+$0xFFFFFF40]  }
0x116: {  	v43 =	vmul.f32 v57, v57;
	v57 =	vld [tilespmem:$0x1FE10];
	v0 =	vadd.f32 v2, v0;
	v63 =	vmax.f32 v62, $0.0e+00  }
0x117: {  	v24 =	vmul.f32 v24, v24;
	v49 =	vmul.f32 v49, v49;
	v62 =	vld [tilespmem:s15+$0xFFFFFFB0];
	v2 =	vsel vm0, $0x0, v63  }
0x118: {  	v30 =	vmul.f32 v30, v30;
	v1 =	vmax.f32 v1, $0.0e+00;
	v63 =	vld [tilespmem:s20+$0xFFFFFFB0];
	v0 =	vadd.f32 v2, v0  }
0x119: {  	v1 =	vsel vm0, $0x0, v1;
	v55 =	vsub.f32 v59, v61;
	v56 =	vsub.f32 v48, v56;
	v48 =	vld [tilespmem:s20+$0xFFFFFF10]  }
0x11a: {  	v31 =	vmul.f32 v31, v31;
	v54 =	vsub.f32 v59, v60;
	v59 =	vld [tilespmem:s20+$0x10];
	v0 =	vadd.f32 v1, v0  }
0x11b: {  	v34 =	vmul.f32 v34, v34;
	[tilespmem:$0x1FE20] =	vst v7;
	v7 =	vmul.f32 v36, v36;
	v1 =	vsub.f32 v13, v17;
	v17 =	vld [tilespmem:s15+$0x20]  }
0x11c: {  	v24 =	vsub.f32 v24, v11;
	v52 =	vmul.f32 v52, v52;
	v53 =	vmul.f32 v53, v53;
	[tilespmem:$0x1FE50] =	vst v0;
	v0 =	vld [tilespmem:s21+$0xFFFFFFB0]  }
0x11d: {  	[tilespmem:$0x1FED0] =	vst v5;
	v5 =	vsub.f32 v62, v63;
	v63 =	vsub.f32 v22, v25;
	v25 =	vmul.f32 v26, v26;
	v26 =	vld [tilespmem:s21+$0xFFFFFF80]  }
0x11e: {  	v22 =	vsub.f32 v28, v29;
	v29 =	vmul.f32 v10, v10;
	v10 =	vmul.f32 v42, v42;
	v42 =	vld [tilespmem:s15+$0xFFFFFF10]  }
0x11f: {  	v8 =	vmul.f32 v1, v1;
	v1 =	vmul.f32 v50, v50;
	v50 =	vld [tilespmem:s21+$0xFFFFFF10];
	v13 =	vsub.f32 v58, v59  }
0x120: {  	v61 =	vmul.f32 v47, v47;
	v27 =	vsub.f32 v25, v27;
	v60 =	vsub.f32 v17, v18;
	v18 =	vld [tilespmem:s15+$0xFFFFFF20]  }
0x121: {  	[tilespmem:$0x1FE30] =	vst v8;
	v8 =	vmul.f32 v37, v37;
	v25 =	vsub.f32 v30, v31;
	v21 =	vsub.f32 v17, v21;
	v17 =	vld [tilespmem:s21+$0x10]  }
0x122: {  	v59 =	vmul.f32 v41, v41;
	v41 =	vld [tilespmem:s21+$0xFFFFFF00];
	v30 =	vsub.f32 v49, v1;
	v49 =	vsub.f32 v52, v53  }
0x123: {  	v0 =	vsub.f32 v62, v0;
	v62 =	vsub.f32 v32, v35;
	v35 =	vmul.f32 v20, v20;
	v20 =	vld [tilespmem:s15+$0xFFFFFF80]  }
0x124: {  	v36 =	vmul.f32 v55, v55;
	[tilespmem:$0x1FDE0] =	vst v5;
	v31 =	vsub.f32 v7, v8;
	v32 =	vsub.f32 v32, v38;
	v38 =	vld [tilespmem:s21+$0xFFFFFF90]  }
0x125: {  	v28 =	vmul.f32 v9, v9;
	v9 =	vsub.f32 v18, v14;
	v2 =	vsub.f32 v18, v15;
	v18 =	vld [tilespmem:$0x1FDE0]  }
0x126: {  	[tilespmem:$0x1FE40] =	vst v35;
	v35 =	vmul.f32 v54, v54;
	v5 =	vsub.f32 v58, v17;
	v58 =	vmul.f32 v40, v40;
	v40 =	vld [tilespmem:s20+$0xFFFFFF00]  }
0x127: {  	v44 =	vmul.f32 v62, v62;
	v14 =	vsub.f32 v23, v33;
	v33 =	vmul.f32 v21, v21;
	v21 =	vld [tilespmem:$0x1FE00]  }
0x128: {  	v15 =	vmul.f32 v46, v46;
	v46 =	vmul.f32 v22, v22;
	v22 =	vsub.f32 v42, v50;
	v62 =	vld [tilespmem:$0x1FE40]  }
0x129: {  	[tilespmem:$0x1FDF0] =	vst v0;
	v12 =	vsub.f32 v20, v12;
	v0 =	vsub.f32 v20, v26;
	v26 =	vmul.f32 v60, v60;
	v60 =	vld [tilespmem:$0x1FE20]  }
0x12a: {  	v17 =	vsub.f32 v23, v38;
	v20 =	vsub.f32 v39, v41;
	v37 =	vmul.f32 v18, v18;
	v18 =	vld [tilespmem:$0x1FDF0]  }
0x12b: {  	s22 =	sadd.s32 $0x4, s22;
	v47 =	vmul.f32 v32, v32;
	v23 =	vsub.f32 v57, v29;
	v29 =	vld [tilespmem:$0x1FE30];
	v32 =	vsub.f32 v58, v59  }
0x12c: {  	p0 =	slt.u32 s22, $0x3C;
	v50 =	vmul.f32 v12, v12;
	v41 =	vmul.f32 v21, v21;
	v21 =	vsub.f32 v42, v48  }
.Ltmp0:
0x12d: {  	v42 =	vmul.f32 v4, v4;
	v48 =	vmul.f32 v45, v45;
	v55 =	vsub.f32 v62, v28;
	(pc) =	sbr.rel @p0 .LBB2_3-.Ltmp0, $4  }
0x12e: {  	v62 =	vsub.f32 v19, v16;
	v16 =	vsub.f32 v6, v34;
	v45 =	vmul.f32 v56, v56  }
0x12f: {  	v53 =	vmovc v13;
	v34 =	vmul.f32 v9, v9;
	v28 =	vsub.f32 v10, v3;
	v38 =	vmul.f32 v18, v18  }
0x130: {  	v52 =	vmovc v5;
	v18 =	vsub.f32 v39, v40;
	v39 =	vmul.f32 v63, v63;
	v63 =	vsub.f32 v60, v29  }
0x131: {  	s15 =	sadd.s32 $0x200, s15;
	v40 =	vmul.f32 v51, v51;
	v29 =	vsub.f32 v15, v61;
	v15 =	vmovc v2;
	v51 =	vmul.f32 v0, v0  }
0x132: {  	v0 =	vsub.f32 v35, v36  }
0x133: {  	v1 =	vmul.f32 v14, v14;
	v2 =	vsub.f32 v37, v38;
	v3 =	vmul.f32 v17, v17  }
0x134: {  	v4 =	vsub.f32 v39, v41;
	v5 =	vsub.f32 v43, v46;
	v6 =	vmul.f32 v18, v18  }
0x135: {  	v7 =	vsub.f32 v44, v47;
	v8 =	vsub.f32 v26, v33;
	v9 =	vmul.f32 v20, v20  }
0x136: {  	v10 =	vsub.f32 v42, v48;
	v46 =	vmul.f32 v21, v21;
	v12 =	vsub.f32 v50, v51  }
0x137: {  	v47 =	vmul.f32 v22, v22;
	v13 =	vsub.f32 v40, v45;
	v4 =	vadd.f32 v5, v4  }
0x138: {  	v48 =	vmul.f32 v15, v15;
	v1 =	vsub.f32 v1, v3;
	v6 =	vsub.f32 v6, v9  }
0x139: {  	v50 =	vmul.f32 v52, v52;
	v52 =	vld [tilespmem:$0x1FEF0];
	v3 =	vsub.f32 v46, v47;
	v4 =	vadd.f32 v49, v4  }
0x13a: {  	v9 =	vsub.f32 v34, v48;
	v1 =	vadd.f32 v1, v12;
	v49 =	vmul.f32 v53, v53;
	v53 =	vld [tilespmem:$0x1FF00]  }
0x13b: {  	v57 =	vld [tilespmem:$0x1FEA0];
	v3 =	vadd.f32 v3, v6;
	v4 =	vadd.f32 v32, v4  }
0x13c: {  	v54 =	vld [tilespmem:$0x1FED0];
	v1 =	vadd.f32 v10, v1;
	v51 =	vsub.f32 v49, v50  }
0x13d: {  	v56 =	vld [tilespmem:$0x1FEE0];
	v3 =	vadd.f32 v9, v3;
	v4 =	vadd.f32 v25, v4  }
0x13e: {  	v58 =	vld [tilespmem:$0x1FEC0];
	v5 =	vmul.f32 v52, v52;
	v1 =	vadd.f32 v2, v1;
	v2 =	vadd.f32 v51, v13  }
0x13f: {  	v3 =	vadd.f32 v7, v3;
	v6 =	vmul.f32 v53, v53;
	v4 =	vadd.f32 v27, v4  }
0x140: {  	v60 =	vld [tilespmem:$0x1FE60];
	v7 =	vmul.f32 v57, v57;
	v1 =	vadd.f32 v29, v1;
	v2 =	vadd.f32 v8, v2  }
0x141: {  	v61 =	vld [tilespmem:$0x1FE70];
	v0 =	vadd.f32 v0, v3;
	v3 =	vmul.f32 v54, v54;
	v5 =	vsub.f32 v5, v6  }
0x142: {  	v6 =	vmul.f32 v56, v56;
	v4 =	vadd.f32 v23, v4;
	v2 =	vadd.f32 v30, v2  }
0x143: {  	v8 =	vmul.f32 v58, v58;
	v1 =	vadd.f32 v31, v1;
	v0 =	vadd.f32 v28, v0  }
0x144: {  	v3 =	vsub.f32 v3, v6;
	v2 =	vadd.f32 v5, v2  }
0x145: {  	v59 =	vsub.f32 v7, v8;
	v6 =	vmul.f32 v60, v60;
	v1 =	vadd.f32 v24, v1  }
0x146: {  	v4 =	vadd.f32 v63, v4;
	v2 =	vadd.f32 v3, v2;
	v3 =	vmul.f32 v61, v61  }
0x147: {  	v0 =	vadd.f32 v16, v0;
	v1 =	vadd.f32 v55, v1  }
0x148: {  	v2 =	vadd.f32 v59, v2;
	v3 =	vsub.f32 v6, v3  }
0x149: {  	(xrf2) =	vadd.scan.msk.f32 $0xffff, v4;
	v0 =	vadd.f32 v62, v0  }
0x14a: {  	(xrf2) =	vadd.scan.msk.f32 $0xffff, v1;
	v62 =	vadd.f32 v3, v2  }
0x14b: {  	(xrf2) =	vadd.scan.msk.f32 $0xffff, v0  }
0x14c: {  	(xrf2) =	vadd.scan.msk.f32 $0xffff, v62;
	_ =	sdelay $0x4  }
0x14d: {  	s15 =	sor.u32 $0xC0, s19  }
0x14e: {  	[tilespmem:s28], [sflag:$0x5] =	stream.indirect.gather [hbm4b:s3+s14], $0x80, s15, s14, $0xb8;
	[tilespmem:$0x1E080] =	vst v63  }
0x14f: {  	s20 =	sadd.s32 $0x20C0, s19;
	v0, _, _ =	vpop (xrf2)  }
0x150: {  	[tilespmem:s29], [sflag:$0x5] =	stream.indirect.gather [hbm4b:s4+s14], $0x80, s20, s14, $0xb8;
	v63, _, _ =	vpop (xrf2);
	[tilespmem:$0x1E080] =	vst v63  }
0x151: {  	s21 =	sadd.s32 $0x40C0, s19;
	v60, _, _ =	vpop (xrf2)  }
0x152: {  	[tilespmem:s30], [sflag:$0x5] =	stream.indirect.gather [hbm4b:s5+s14], $0x80, s21, s14, $0xb8;
	v3, _, _ =	vpop (xrf2);
	[tilespmem:$0x1E080] =	vst v63  }
0x153: {  	_ =	swait.ge [sflag:s31], $0x2000  }
0x154: {  	[sflag:s31] =	ssyncset.done $0x0  }
0x155: {  	[sflag:s31] =	ssyncadd.s32 $0xFFFFE000  }
0x156: {  	_ =	swait.ge [sflag:s31], $0x2000  }
0x157: {  	[sflag:s31] =	ssyncset.done $0x0  }
0x158: {  	[sflag:s31] =	ssyncadd.s32 $0xFFFFE000  }
0x159: {  	_ =	swait.ge [sflag:s31], $0x2000  }
0x15a: {  	[sflag:s31] =	ssyncset.done $0x0  }
0x15b: {  	s21 =	simm.s32 $0x10100;
	[sflag:s31] =	ssyncadd.s32 $0xFFFFE000  }
0x15c: {  	s22 =	simm.s32 $0xC100;
	v61 =	vld [tilespmem:s21+$0x70]  }
0x15d: {  	s20 =	simm.s32 $0xE100;
	v5 =	vld [tilespmem:s22+$0xF0]  }
0x15e: {  	v9 =	vld [tilespmem:s20+$0xF0]  }
0x15f: {  	v14 =	vld [tilespmem:s21+$0xF0]  }
0x160: {  	v7 =	vld [tilespmem:s22+$0x70]  }
0x161: {  	v8 =	vld [tilespmem:s20+$0x70];
	[tilespmem:$0x1FC20] =	vst v61  }
0x162: {  	v62 =	vld [tilespmem:s21+$0xE0];
	_ =	sdelay $0x3  }
0x163: {  	v4 =	vld [tilespmem:s22+$0xE0]  }
0x164: {  	v6 =	vld [tilespmem:s20+$0xE0];
	[tilespmem:$0x1FC40] =	vst v62  }
0x165: {  	v10 =	vld [tilespmem:s21+$0xFFFFFFF0];
	_ =	sdelay $0x3  }
0x166: {  	v13 =	vld [tilespmem:s22+$0xFFFFFFF0]  }
0x167: {  	v12 =	vld [tilespmem:s20+$0xFFFFFFF0];
	[tilespmem:$0x1FC50] =	vst v10  }
0x168: {  	v10 =	vld [tilespmem:s21+$0x60];
	_ =	sdelay $0x3  }
0x169: {  	v16 =	vld [tilespmem:s22+$0x60]  }
0x16a: {  	v21 =	vld [tilespmem:s20+$0x60];
	[tilespmem:$0x1FC70] =	vst v10  }
0x16b: {  	v10 =	vld [tilespmem:s21+$0xD0];
	_ =	sdelay $0x3  }
0x16c: {  	v19 =	vld [tilespmem:s22+$0xD0]  }
0x16d: {  	v20 =	vld [tilespmem:s20+$0xD0];
	[tilespmem:$0x1FC90] =	vst v10  }
0x16e: {  	v10 =	vld [tilespmem:s21+$0xFFFFFF70];
	_ =	sdelay $0x2  }
0x16f: {  	v1 =	vadd.f32 $2.000000030e-01, v63;
	v63 =	vld [tilespmem:$0x1FE50]  }
0x170: {  	v22 =	vld [tilespmem:s22+$0xFFFFFF70]  }
0x171: {  	v24 =	vld [tilespmem:s20+$0xFFFFFF70];
	[tilespmem:$0x1FCA0] =	vst v10  }
0x172: {  	v25 =	vld [tilespmem:s22+$0xFFFFFFE0]  }
0x173: {  	v26 =	vld [tilespmem:s20+$0xFFFFFFE0]  }
0x174: {  	v27 =	vld [tilespmem:s21+$0xFFFFFFE0]  }
0x175: {  	v28 =	vld [tilespmem:s22+$0x50]  }
0x176: {  	v29 =	vld [tilespmem:s20+$0x50]  }
0x177: {  	v30 =	vld [tilespmem:s21+$0x50]  }
0x178: {  	v31 =	vld [tilespmem:s22+$0xC0]  }
0x179: {  	v32 =	vld [tilespmem:s20+$0xC0]  }
0x17a: {  	v33 =	vld [tilespmem:s21+$0xC0]  }
0x17b: {  	v34 =	vld [tilespmem:s22+$0xFFFFFF60]  }
0x17c: {  	v35 =	vld [tilespmem:s20+$0xFFFFFF60]  }
0x17d: {  	v36 =	vld [tilespmem:s21+$0xFFFFFF60]  }
0x17e: {  	v37 =	vld [tilespmem:s22+$0xFFFFFFD0]  }
0x17f: {  	v38 =	vld [tilespmem:s20+$0xFFFFFFD0]  }
0x180: {  	v39 =	vld [tilespmem:s21+$0xFFFFFFD0]  }
0x181: {  	v40 =	vld [tilespmem:s22+$0x40]  }
0x182: {  	v41 =	vld [tilespmem:s20+$0x40]  }
0x183: {  	v42 =	vld [tilespmem:s21+$0x40]  }
0x184: {  	v43 =	vld [tilespmem:s22+$0xB0]  }
0x185: {  	v44 =	vld [tilespmem:s20+$0xB0]  }
0x186: {  	v45 =	vld [tilespmem:s21+$0xB0]  }
0x187: {  	v46 =	vld [tilespmem:s22+$0xFFFFFF50]  }
0x188: {  	v47 =	vld [tilespmem:s20+$0xFFFFFF50]  }
0x189: {  	v48 =	vld [tilespmem:s21+$0xFFFFFF50]  }
0x18a: {  	v49 =	vld [tilespmem:s22+$0xFFFFFFC0]  }
0x18b: {  	v50 =	vld [tilespmem:s20+$0xFFFFFFC0]  }
0x18c: {  	v51 =	vld [tilespmem:s21+$0xFFFFFFC0]  }
0x18d: {  	v52 =	vld [tilespmem:s22+$0x30]  }
0x18e: {  	v53 =	vld [tilespmem:s20+$0x30]  }
0x18f: {  	v54 =	vld [tilespmem:s21+$0x30]  }
0x190: {  	v2 =	vadd.f32 $2.000000030e-01, v60;
	v55 =	vld [tilespmem:s22+$0xA0]  }
0x191: {  	v56 =	vld [tilespmem:s20+$0xA0]  }
0x192: {  	v2 =	vmax.f32 v2, $0.0e+00;
	v57 =	vld [tilespmem:s21+$0xA0]  }
0x193: {  	v2 =	vsel vm0, $0x0, v2;
	v58 =	vld [tilespmem:s22+$0xFFFFFF40]  }
0x194: {  	v1 =	vmax.f32 v1, $0.0e+00;
	v3 =	vadd.f32 $2.000000030e-01, v3;
	v2 =	vadd.f32 v2, v63;
	v59 =	vld [tilespmem:s20+$0xFFFFFF40]  }
0x195: {  	v1 =	vsel vm0, $0x0, v1;
	v60 =	vld [tilespmem:s21+$0xFFFFFF40]  }
0x196: {  	v0 =	vadd.f32 $2.000000030e-01, v0;
	v1 =	vadd.f32 v1, v2;
	v2 =	vmax.f32 v3, $0.0e+00;
	v61 =	vld [tilespmem:s22+$0xFFFFFFB0]  }
0x197: {  	v2 =	vsel vm0, $0x0, v2;
	v62 =	vld [tilespmem:s20+$0xFFFFFFB0]  }
0x198: {  	v0 =	vmax.f32 v0, $0.0e+00;
	v1 =	vadd.f32 v2, v1;
	v63 =	vld [tilespmem:s21+$0xFFFFFFB0]  }
0x199: {  	v0 =	vsel vm0, $0x0, v0;
	v11 =	vld [tilespmem:s22+$0x20]  }
0x19a: {  	v0 =	vadd.f32 v0, v1;
	v23 =	vld [tilespmem:s20+$0x20]  }
0x19b: {  	v9 =	vsub.f32 v5, v9;
	v18 =	vld [tilespmem:s21+$0x20]  }
0x19c: {  	v10 =	vld [tilespmem:s22+$0x80];
	[tilespmem:$0x1FC00] =	vst v0  }
0x19d: {  	[tilespmem:$0x1FCF0] =	vst v9;
	v9 =	vsub.f32 v5, v14;
	v5 =	vsub.f32 v7, v8;
	v8 =	vld [tilespmem:$0x1FC20]  }
0x19e: {  	v17 =	vld [tilespmem:s20+$0x80]  }
0x19f: {  	[tilespmem:$0x1FC10] =	vst v5;
	v5 =	vld [tilespmem:$0x1FC40];
	_ =	sdelay $0x1  }
0x1a0: {  	[tilespmem:$0x1FD00] =	vst v9;
	v9 =	vsub.f32 v4, v6  }
0x1a1: {  	v0 =	vsub.f32 v7, v8  }
0x1a2: {  	v15 =	vld [tilespmem:s21+$0x80];
	[tilespmem:$0x1FD10] =	vst v9  }
0x1a3: {  	v6 =	vsub.f32 v13, v12;
	[tilespmem:$0x1FC30] =	vst v0;
	v0 =	vsub.f32 v4, v5;
	v4 =	vld [tilespmem:$0x1FC70]  }
0x1a4: {  	v9 =	vld [tilespmem:s22+$0x90]  }
0x1a5: {  	[tilespmem:$0x1FD30] =	vst v6;
	v6 =	vld [tilespmem:$0x1FC90];
	_ =	sdelay $0x1  }
0x1a6: {  	v7 =	vld [tilespmem:$0x1FC50];
	v8 =	vsub.f32 v16, v21  }
0x1a7: {  	v3 =	vsub.f32 v58, v60;
	[tilespmem:$0x1FD20] =	vst v0;
	v60 =	vld [tilespmem:$0x1FD30];
	v0 =	vsub.f32 v16, v4  }
0x1a8: {  	v5 =	vsub.f32 v19, v20;
	v14 =	vld [tilespmem:s20+$0x90];
	[tilespmem:$0x1FC60] =	vst v8  }
0x1a9: {  	v21 =	vld [tilespmem:s21+$0x90];
	[tilespmem:$0x1FC80] =	vst v0;
	v0 =	vsub.f32 v19, v6  }
0x1aa: {  	v8 =	vld [tilespmem:$0x1FCA0];
	[tilespmem:$0x1FD40] =	vst v5  }
0x1ab: {  	v4 =	vsub.f32 v25, v27;
	v20 =	vld [tilespmem:s22+$0xFFFFFF30];
	[tilespmem:$0x1FD50] =	vst v0  }
0x1ac: {  	v7 =	vsub.f32 v13, v7;
	v5 =	vsub.f32 v28, v29;
	v13 =	vld [tilespmem:s20+$0xFFFFFF30]  }
0x1ad: {  	v33 =	vsub.f32 v31, v33;
	v6 =	vsub.f32 v28, v30;
	v12 =	vld [tilespmem:s21+$0xFFFFFF30];
	[tilespmem:$0x1FD60] =	vst v4  }
0x1ae: {  	v30 =	vsub.f32 v46, v47;
	v46 =	vsub.f32 v46, v48;
	v48 =	vld [tilespmem:$0x1FD00];
	[tilespmem:$0x1FCB0] =	vst v5  }
0x1af: {  	v24 =	vsub.f32 v22, v24;
	v27 =	vld [tilespmem:s22+$0xFFFFFFA0];
	[tilespmem:$0x1FCC0] =	vst v6  }
0x1b0: {  	v41 =	vsub.f32 v40, v41;
	v42 =	vsub.f32 v40, v42;
	v29 =	vld [tilespmem:s20+$0xFFFFFFA0];
	[tilespmem:$0x1FD70] =	vst v33  }
0x1b1: {  	v8 =	vsub.f32 v22, v8;
	v22 =	vsub.f32 v31, v32;
	v32 =	vld [tilespmem:s21+$0xFFFFFFA0]  }
0x1b2: {  	v31 =	vsub.f32 v34, v35;
	v35 =	vld [tilespmem:s22+$0x0];
	[tilespmem:$0x1FCD0] =	vst v41  }
0x1b3: {  	v19 =	vsub.f32 v37, v38;
	v28 =	vsub.f32 v37, v39;
	v37 =	vld [tilespmem:s20+$0x0];
	[tilespmem:$0x1FCE0] =	vst v42  }
0x1b4: {  	v39 =	vld [tilespmem:s21+$0x0]  }
0x1b5: {  	v6 =	vsub.f32 v52, v54;
	v42 =	vld [tilespmem:s22+$0x10];
	[tilespmem:$0x1FD80] =	vst v46  }
0x1b6: {  	v40 =	vsub.f32 v43, v45;
	v45 =	vld [tilespmem:s20+$0x10]  }
0x1b7: {  	v1 =	vsub.f32 v55, v57;
	v47 =	vld [tilespmem:s21+$0x10];
	[tilespmem:$0x1FD90] =	vst v6  }
0x1b8: {  	v2 =	vsub.f32 v58, v59;
	v46 =	vsub.f32 v49, v51;
	v51 =	vld [tilespmem:s22+$0xFFFFFF20]  }
0x1b9: {  	v58 =	vsub.f32 v61, v63;
	v59 =	vsub.f32 v11, v23;
	v54 =	vld [tilespmem:s20+$0xFFFFFF20]  }
0x1ba: {  	v38 =	vsub.f32 v43, v44;
	v63 =	vsub.f32 v9, v14;
	v57 =	vld [tilespmem:s21+$0xFFFFFF20]  }
0x1bb: {  	v0 =	vsub.f32 v10, v17;
	v4 =	vsub.f32 v11, v18;
	v23 =	vld [tilespmem:s22+$0xFFFFFF80]  }
0x1bc: {  	v33 =	vsub.f32 v34, v36;
	v11 =	vld [tilespmem:s20+$0xFFFFFF80];
	v36 =	vsub.f32 v27, v29  }
0x1bd: {  	v34 =	vsub.f32 v49, v50;
	v50 =	vsub.f32 v55, v56;
	v14 =	vld [tilespmem:s21+$0xFFFFFF80]  }
0x1be: {  	v56 =	vsub.f32 v61, v62;
	v49 =	vsub.f32 v52, v53;
	v17 =	vld [tilespmem:s22+$0xFFFFFF90];
	[tilespmem:$0x1FDA0] =	vst v36  }
0x1bf: {  	v61 =	vsub.f32 v20, v12;
	v43 =	vsub.f32 v35, v37;
	v12 =	vld [tilespmem:s20+$0xFFFFFF90]  }
0x1c0: {  	v41 =	vsub.f32 v27, v32;
	v52 =	vsub.f32 v42, v47;
	v47 =	vld [tilespmem:$0x1FCF0]  }
0x1c1: {  	v40 =	vmul.f32 v40, v40;
	[tilespmem:$0x1FDC0] =	vst v43;
	v43 =	vld [tilespmem:$0x1FD40]  }
0x1c2: {  	v16 =	vsub.f32 v25, v26;
	[tilespmem:$0x1FDB0] =	vst v41;
	v53 =	vsub.f32 v42, v45;
	v42 =	vmul.f32 v60, v60;
	v60 =	vld [tilespmem:$0x1FD80]  }
0x1c3: {  	v26 =	vmul.f32 v24, v24;
	v5 =	vsub.f32 v10, v15;
	v44 =	vsub.f32 v35, v39;
	v18 =	vld [tilespmem:s21+$0xFFFFFF90]  }
0x1c4: {  	v24 =	vmul.f32 v16, v16;
	v54 =	vsub.f32 v51, v54;
	v15 =	vsub.f32 v51, v57;
	v51 =	vld [tilespmem:$0x1FD10]  }
0x1c5: {  	v28 =	vmul.f32 v28, v28;
	v31 =	vmul.f32 v31, v31;
	v57 =	vld [tilespmem:$0x1FD20]  }
0x1c6: {  	v33 =	vmul.f32 v33, v33;
	v34 =	vmul.f32 v34, v34;
	[tilespmem:$0x1FDD0] =	vst v44;
	v44 =	vld [tilespmem:$0x1FD50]  }
0x1c7: {  	v50 =	vmul.f32 v50, v50;
	v10 =	vsub.f32 v20, v13;
	v13 =	vmul.f32 v8, v8;
	v20 =	vld [tilespmem:s22+$0xFFFFFF00]  }
0x1c8: {  	v9 =	vsub.f32 v9, v21;
	v49 =	vmul.f32 v49, v49;
	v32 =	vmul.f32 v38, v38;
	v21 =	vld [tilespmem:s20+$0xFFFFFF00]  }
0x1c9: {  	v38 =	vmul.f32 v58, v58;
	v36 =	vmul.f32 v48, v48;
	v55 =	vld [tilespmem:s21+$0xFFFFFF00]  }
0x1ca: {  	v37 =	vmul.f32 v56, v56;
	v45 =	vmul.f32 v7, v7;
	v62 =	vld [tilespmem:s22+$0xFFFFFF10]  }
0x1cb: {  	v27 =	vmul.f32 v47, v47;
	v47 =	vld [tilespmem:$0x1FD60];
	v35 =	vmul.f32 v51, v51  }
0x1cc: {  	v39 =	vmul.f32 v57, v57;
	v51 =	vsub.f32 v23, v11;
	v57 =	vsub.f32 v23, v14;
	v23 =	vld [tilespmem:s20+$0xFFFFFF10]  }
0x1cd: {  	v48 =	vmul.f32 v43, v43;
	v43 =	vmul.f32 v22, v22;
	v14 =	vsub.f32 v17, v12;
	v12 =	vld [tilespmem:s21+$0xFFFFFF10]  }
0x1ce: {  	v29 =	vmul.f32 v60, v60;
	v60 =	vsub.f32 v26, v13;
	v13 =	vmul.f32 v1, v1  }
0x1cf: {  	v26 =	vmul.f32 v59, v59;
	v25 =	vmul.f32 v44, v44;
	v17 =	vsub.f32 v17, v18  }
0x1d0: {  	v44 =	vmul.f32 v19, v19;
	v18 =	vsub.f32 v20, v21;
	v20 =	vsub.f32 v20, v55;
	v55 =	vld [tilespmem:$0x1FD70]  }
0x1d1: {  	v11 =	vmul.f32 v46, v46;
	v46 =	vmul.f32 v9, v9  }
0x1d2: {  	v16 =	vmul.f32 v47, v47;
	v21 =	vsub.f32 v62, v23;
	v22 =	vsub.f32 v62, v12  }
0x1d3: {  	v58 =	vld [tilespmem:$0x1FDA0];
	v47 =	vmul.f32 v30, v30;
	v23 =	vsub.f32 v35, v39;
	v62 =	vsub.f32 v27, v36  }
0x1d4: {  	v59 =	vld [tilespmem:$0x1FDB0];
	v27 =	vsub.f32 v48, v25;
	v35 =	vmul.f32 v2, v2;
	v36 =	vmul.f32 v3, v3  }
0x1d5: {  	v48 =	vld [tilespmem:$0x1FD90];
	v41 =	vmul.f32 v55, v55;
	v24 =	vsub.f32 v24, v16;
	v16 =	vsub.f32 v31, v33  }
0x1d6: {  	v31 =	vsub.f32 v44, v28;
	v28 =	vsub.f32 v47, v29;
	v47 =	vmul.f32 v61, v61;
	v61 =	vld [tilespmem:$0x1FDC0]  }
0x1d7: {  	v39 =	vmul.f32 v0, v0;
	v55 =	vsub.f32 v42, v45;
	v33 =	vmul.f32 v4, v4  }
0x1d8: {  	v44 =	vmul.f32 v10, v10;
	v25 =	vsub.f32 v43, v41;
	v43 =	vmul.f32 v63, v63;
	v63 =	vld [tilespmem:$0x1FDD0]  }
0x1d9: {  	v42 =	vmul.f32 v58, v58;
	v29 =	vsub.f32 v34, v11;
	v34 =	vmul.f32 v54, v54  }
0x1da: {  	v41 =	vmul.f32 v5, v5;
	v30 =	vmul.f32 v48, v48  }
0x1db: {  	v32 =	vsub.f32 v32, v40;
	v48 =	vmul.f32 v59, v59;
	v40 =	vmul.f32 v61, v61  }
0x1dc: {  	v30 =	vsub.f32 v49, v30;
	v49 =	vsub.f32 v50, v13;
	v50 =	vmul.f32 v51, v51  }
0x1dd: {  	s15 =	simm.s32 $0xC300;
	s22 =	simm.s32 $0x0;
	v51 =	vmul.f32 v57, v57;
	v45 =	vmul.f32 v63, v63  }
.LBB2_5:
0x1de: {  	v13 =	vld [tilespmem:s15+$0xF0]  }
0x1df: {  	v2 =	vmul.f32 v18, v18;
	v18 =	vld [tilespmem:s15+$0x70]  }
0x1e0: {  	v9 =	vld [tilespmem:s15+$0xFFFFFFF0]  }
0x1e1: {  	v7 =	vmul.f32 v53, v53;
	v53 =	vld [tilespmem:$0x1FC10]  }
0x1e2: {  	s20 =	sadd.s32 $0x200, s20;
	v61 =	vld [tilespmem:$0x1FC00]  }
0x1e3: {  	v63 =	vmul.f32 v14, v14;
	s21 =	sadd.s32 $0x200, s21;
	v14 =	vld [tilespmem:s20+$0xF0]  }
0x1e4: {  	v0 =	vmul.f32 v17, v17;
	v17 =	vld [tilespmem:s21+$0xF0]  }
0x1e5: {  	v33 =	vsub.f32 v26, v33;
	v26 =	vmul.f32 v20, v20;
	v20 =	vld [tilespmem:s20+$0x70]  }
0x1e6: {  	v3 =	vmul.f32 v21, v21;
	v21 =	vld [tilespmem:s21+$0x70]  }
0x1e7: {  	v5 =	vmul.f32 v22, v22;
	v22 =	vld [tilespmem:s15+$0xE0]  }
0x1e8: {  	v6 =	vmul.f32 v15, v15;
	v15 =	vld [tilespmem:s20+$0xE0]  }
0x1e9: {  	v10 =	vld [tilespmem:s21+$0xE0]  }
0x1ea: {  	v8 =	vld [tilespmem:s21+$0x60]  }
0x1eb: {  	v1 =	vsub.f32 v43, v46;
	v46 =	vld [tilespmem:$0x1FCE0]  }
0x1ec: {  	v42 =	vsub.f32 v42, v48;
	v48 =	vld [tilespmem:$0x1FCB0]  }
0x1ed: {  	v4 =	vsub.f32 v50, v51;
	v50 =	vld [tilespmem:$0x1FCC0]  }
0x1ee: {  	v51 =	vld [tilespmem:$0x1FC60]  }
0x1ef: {  	v37 =	vsub.f32 v37, v38;
	v12 =	vld [tilespmem:s20+$0xFFFFFF70]  }
0x1f0: {  	v35 =	vsub.f32 v35, v36;
	v39 =	vsub.f32 v39, v41;
	v41 =	vld [tilespmem:s15+$0x40]  }
0x1f1: {  	v36 =	vsub.f32 v63, v0;
	v26 =	vsub.f32 v2, v26;
	v0 =	vld [tilespmem:$0x1FCD0]  }
0x1f2: {  	v34 =	vsub.f32 v34, v6;
	v6 =	vld [tilespmem:s20+$0xD0];
	v38 =	vsub.f32 v3, v5  }
0x1f3: {  	v5 =	vld [tilespmem:s21+$0xD0]  }
0x1f4: {  	v36 =	vadd.f32 v36, v4;
	v38 =	vadd.f32 v38, v26;
	v26 =	vld [tilespmem:s21+$0xFFFFFFF0]  }
0x1f5: {  	v2 =	vmul.f32 v53, v53;
	v53 =	vld [tilespmem:s15+$0x30]  }
0x1f6: {  	v39 =	vadd.f32 v1, v39;
	v36 =	vadd.f32 v42, v36;
	v42 =	vmul.f32 v52, v52;
	v52 =	vld [tilespmem:$0x1FC80]  }
0x1f7: {  	v44 =	vsub.f32 v44, v47;
	v47 =	vmul.f32 v46, v46;
	v46 =	vld [tilespmem:s21+$0xB0]  }
0x1f8: {  	v39 =	vadd.f32 v49, v39;
	v49 =	vmul.f32 v48, v48;
	v48 =	vld [tilespmem:s20+$0xFFFFFF50]  }
0x1f9: {  	v4 =	vmul.f32 v51, v51;
	v51 =	vld [tilespmem:s20+$0xFFFFFFC0]  }
0x1fa: {  	v15 =	vsub.f32 v22, v15;
	v10 =	vsub.f32 v22, v10;
	v22 =	vld [tilespmem:s15+$0x80]  }
0x1fb: {  	v34 =	vadd.f32 v34, v38;
	v38 =	vld [tilespmem:s15+$0xFFFFFFD0]  }
0x1fc: {  	v32 =	vadd.f32 v32, v39;
	v39 =	vld [tilespmem:s20+$0xFFFFFFD0]  }
0x1fd: {  	v43 =	vsub.f32 v7, v42;
	v7 =	vld [tilespmem:s15+$0xD0]  }
0x1fe: {  	v36 =	vadd.f32 v37, v36;
	v42 =	vld [tilespmem:s20+$0x40]  }
0x1ff: {  	v40 =	vsub.f32 v40, v45;
	v32 =	vadd.f32 v25, v32;
	v25 =	vld [tilespmem:s20+$0xFFFFFFF0]  }
0x200: {  	v36 =	vadd.f32 v29, v36;
	v29 =	vld [tilespmem:s20+$0x60]  }
0x201: {  	v37 =	vadd.f32 v43, v40;
	v40 =	vld [tilespmem:s21+$0xFFFFFFD0]  }
0x202: {  	v34 =	vadd.f32 v44, v34;
	v43 =	vld [tilespmem:s21+$0x40]  }
0x203: {  	v32 =	vadd.f32 v27, v32;
	v27 =	vld [tilespmem:s15+$0x60]  }
0x204: {  	v34 =	vadd.f32 v35, v34;
	v35 =	vld [tilespmem:s15+$0xFFFFFF60]  }
0x205: {  	v3 =	vmul.f32 v52, v52;
	v52 =	vld [tilespmem:s21+$0xFFFFFFC0]  }
0x206: {  	v45 =	vadd.f32 v33, v37;
	v33 =	vld [tilespmem:s20+$0xC0]  }
0x207: {  	v31 =	vadd.f32 v31, v36;
	v36 =	vld [tilespmem:s20+$0xFFFFFF60]  }
0x208: {  	v37 =	vld [tilespmem:s21+$0xFFFFFF60]  }
0x209: {  	v23 =	vadd.f32 v23, v32;
	v32 =	vld [tilespmem:s15+$0xC0]  }
0x20a: {  	v28 =	vadd.f32 v28, v34;
	v34 =	vld [tilespmem:s21+$0xC0]  }
0x20b: {  	v3 =	vsub.f32 v4, v3;
	v30 =	vadd.f32 v30, v45;
	v45 =	vld [tilespmem:s20+$0xB0]  }
0x20c: {  	v44 =	vmul.f32 v0, v0;
	v4 =	vsub.f32 v18, v20;
	v20 =	vsub.f32 v9, v25;
	v25 =	vld [tilespmem:s20+$0x80]  }
0x20d: {  	v19 =	vadd.f32 v62, v23;
	v28 =	vadd.f32 v16, v28;
	v16 =	vld [tilespmem:s21+$0xFFFFFF70]  }
0x20e: {  	v23 =	vadd.f32 v24, v31;
	v24 =	vsub.f32 v44, v47;
	v44 =	vld [tilespmem:s15+$0xB0]  }
0x20f: {  	v47 =	vld [tilespmem:s15+$0xFFFFFF50]  }
0x210: {  	v31 =	vmul.f32 v50, v50;
	v50 =	vld [tilespmem:s15+$0xFFFFFFC0]  }
0x211: {  	[tilespmem:$0x1FC10] =	vst v4;
	v4 =	vsub.f32 v18, v21;
	v18 =	vld [tilespmem:s20+$0x20]  }
0x212: {  	v21 =	vld [tilespmem:s21+$0x20]  }
0x213: {  	(xrf2) =	vadd.scan.msk.f32 $0xffff, v19;
	v19 =	vld [tilespmem:s15+$0xFFFFFF70]  }
0x214: {  	v23 =	vadd.f32 v55, v23;
	v55 =	vld [tilespmem:$0x1FC30]  }
0x215: {  	v54 =	vadd.f32 v60, v28;
	v28 =	vld [tilespmem:s21+$0xFFFFFFE0]  }
0x216: {  	v24 =	vadd.f32 v24, v30;
	v30 =	vld [tilespmem:s20+$0x50]  }
0x217: {  	v31 =	vsub.f32 v49, v31;
	v49 =	vld [tilespmem:s21+$0xFFFFFF50]  }
0x218: {  	[tilespmem:$0x1FC30] =	vst v4;
	v4 =	vsub.f32 v27, v29;
	v29 =	vld [tilespmem:s21+$0x90]  }
0x219: {  	(xrf2) =	vadd.scan.msk.f32 $0xffff, v23;
	v23 =	vld [tilespmem:s15+$0xFFFFFFE0]  }
0x21a: {  	v42 =	vsub.f32 v41, v42;
	v11 =	vadd.f32 v31, v24;
	v24 =	vld [tilespmem:s20+$0xFFFFFFE0]  }
0x21b: {  	v9 =	vsub.f32 v9, v26;
	v26 =	vsub.f32 v7, v6;
	v31 =	vld [tilespmem:s21+$0x50]  }
0x21c: {  	[tilespmem:$0x1FC60] =	vst v4;
	v4 =	vsub.f32 v27, v8;
	v27 =	vsub.f32 v7, v5;
	v7 =	vld [tilespmem:s20+$0x90]  }
0x21d: {  	(xrf2) =	vadd.scan.msk.f32 $0xffff, v54;
	v54 =	vld [tilespmem:s20+$0x30]  }
0x21e: {  	[tilespmem:$0x1FCD0] =	vst v42;
	v42 =	vsub.f32 v47, v48;
	v48 =	vld [tilespmem:s15+$0x0]  }
0x21f: {  	v43 =	vsub.f32 v41, v43;
	v3 =	vadd.f32 v3, v11;
	v11 =	vld [tilespmem:s15+$0x50];
	v1 =	vmul.f32 v55, v55  }
0x220: {  	v41 =	vsub.f32 v44, v46;
	v46 =	vsub.f32 v50, v51;
	v51 =	vld [tilespmem:s20+$0x0]  }
0x221: {  	[tilespmem:$0x1FC80] =	vst v4;
	v4 =	vld [tilespmem:s20+$0xFFFFFFA0];
	v12 =	vsub.f32 v19, v12;
	v1 =	vsub.f32 v2, v1  }
0x222: {  	v55 =	vld [tilespmem:s21+$0x30];
	v16 =	vsub.f32 v19, v16;
	v24 =	vsub.f32 v23, v24  }
0x223: {  	v19 =	vld [tilespmem:s21+$0x80];
	v23 =	vsub.f32 v23, v28;
	v56 =	vadd.f32 v1, v3  }
0x224: {  	v28 =	vld [tilespmem:s15+$0x90];
	v5 =	vsub.f32 v11, v30;
	v6 =	vsub.f32 v11, v31  }
0x225: {  	v30 =	vsub.f32 v32, v33;
	v31 =	vsub.f32 v32, v34;
	v32 =	vld [tilespmem:s15+$0xFFFFFF30]  }
0x226: {  	v33 =	vsub.f32 v35, v36;
	v34 =	vsub.f32 v35, v37;
	v35 =	vld [tilespmem:s20+$0xFFFFFF30]  }
0x227: {  	v36 =	vsub.f32 v38, v39;
	v37 =	vsub.f32 v38, v40;
	v38 =	vld [tilespmem:s21+$0xFFFFFF30]  }
0x228: {  	v39 =	vld [tilespmem:s15+$0xFFFFFFA0]  }
0x229: {  	v40 =	vsub.f32 v44, v45;
	v45 =	vld [tilespmem:s21+$0xFFFFFFA0];
	(xrf2) =	vadd.scan.msk.f32 $0xffff, v56  }
0x22a: {  	v11 =	vmul.f32 v15, v15;
	v15 =	vld [tilespmem:s21+$0xFFFFFF20]  }
0x22b: {  	v57, _, _ =	vpop (xrf2);
	v56 =	vld [tilespmem:s15+$0xA0]  }
0x22c: {  	v1 =	vadd.f32 $2.000000030e-01, v57;
	v57 =	vld [tilespmem:s20+$0xA0]  }
0x22d: {  	[tilespmem:$0x1FCC0] =	vst v6;
	v6 =	vsub.f32 v22, v19;
	v19 =	vmul.f32 v12, v12;
	v12 =	vld [tilespmem:s20+$0xFFFFFF80]  }
0x22e: {  	v14 =	vsub.f32 v13, v14;
	[tilespmem:$0x1FBC0] =	vst v11;
	v11 =	vmul.f32 v23, v23;
	v23 =	vld [tilespmem:s15+$0xFFFFFF90];
	v58, _, _ =	vpop (xrf2)  }
0x22f: {  	[tilespmem:$0x1FCE0] =	vst v43;
	v43 =	vsub.f32 v47, v49;
	v59, _, _ =	vpop (xrf2);
	v2 =	vadd.f32 $2.000000030e-01, v58;
	v58 =	vld [tilespmem:s21+$0xA0]  }
0x230: {  	v47 =	vsub.f32 v50, v52;
	[tilespmem:$0x1FBB0] =	vst v6;
	v6 =	vmul.f32 v33, v33;
	v33 =	vld [tilespmem:s20+$0xFFFFFF90];
	v3 =	vadd.f32 $2.000000030e-01, v59  }
0x231: {  	v49 =	vsub.f32 v53, v54;
	v59 =	vld [tilespmem:s15+$0xFFFFFF40];
	v4 =	vsub.f32 v39, v4  }
0x232: {  	v45 =	vsub.f32 v39, v45;
	v39 =	vld [tilespmem:s15+$0xFFFFFF00];
	v3 =	vmax.f32 v3, $0.0e+00;
	v52 =	vsub.f32 v56, v57  }
0x233: {  	v57 =	vsub.f32 v28, v7;
	v7 =	vmul.f32 v14, v14;
	v14 =	vld [tilespmem:s20+$0xFFFFFF20];
	v3 =	vsel vm0, $0x0, v3;
	v60, _, _ =	vpop (xrf2)  }
0x234: {  	v2 =	vmax.f32 v2, $0.0e+00;
	v0 =	vadd.f32 v3, v61;
	v61 =	vld [tilespmem:s21+$0xFFFFFF40];
	v62 =	vadd.f32 $2.000000030e-01, v60  }
0x235: {  	v50 =	vsub.f32 v53, v55;
	v2 =	vsel vm0, $0x0, v2;
	v53 =	vsub.f32 v56, v58;
	v56 =	vld [tilespmem:s21+$0x0]  }
0x236: {  	v58 =	vld [tilespmem:s15+$0x10];
	v0 =	vadd.f32 v2, v0;
	v63 =	vmax.f32 v62, $0.0e+00  }
0x237: {  	v27 =	vmul.f32 v27, v27;
	v16 =	vmul.f32 v16, v16;
	v60 =	vld [tilespmem:s20+$0xFFFFFF40];
	v2 =	vsel vm0, $0x0, v63  }
0x238: {  	v51 =	vsub.f32 v48, v51;
	v1 =	vmax.f32 v1, $0.0e+00;
	v62 =	vld [tilespmem:s15+$0xFFFFFFB0];
	v0 =	vadd.f32 v2, v0  }
0x239: {  	v24 =	vmul.f32 v24, v24;
	v49 =	vmul.f32 v49, v49;
	v1 =	vsel vm0, $0x0, v1;
	v63 =	vld [tilespmem:s20+$0xFFFFFFB0]  }
0x23a: {  	v30 =	vmul.f32 v30, v30;
	v0 =	vadd.f32 v1, v0;
	v1 =	vsub.f32 v13, v17;
	v17 =	vld [tilespmem:s15+$0x20]  }
0x23b: {  	v31 =	vmul.f32 v31, v31;
	v34 =	vmul.f32 v34, v34;
	v56 =	vsub.f32 v48, v56;
	v48 =	vld [tilespmem:s20+$0xFFFFFF10]  }
0x23c: {  	[tilespmem:$0x1FBD0] =	vst v7;
	v7 =	vmul.f32 v36, v36;
	v55 =	vsub.f32 v59, v61;
	v54 =	vsub.f32 v59, v60;
	v59 =	vld [tilespmem:s20+$0x10]  }
0x23d: {  	v3 =	vmul.f32 v43, v43;
	v52 =	vmul.f32 v52, v52;
	[tilespmem:$0x1FC00] =	vst v0;
	v0 =	vld [tilespmem:s21+$0xFFFFFFB0]  }
0x23e: {  	[tilespmem:$0x1FCB0] =	vst v5;
	v5 =	vsub.f32 v62, v63;
	v63 =	vsub.f32 v22, v25;
	v25 =	vmul.f32 v26, v26;
	v26 =	vld [tilespmem:s21+$0xFFFFFF80]  }
0x23f: {  	v43 =	vmul.f32 v57, v57;
	v53 =	vmul.f32 v53, v53;
	v60 =	vsub.f32 v17, v18;
	v18 =	vld [tilespmem:s15+$0xFFFFFF20]  }
0x240: {  	v22 =	vsub.f32 v28, v29;
	v29 =	vmul.f32 v10, v10;
	v10 =	vmul.f32 v42, v42;
	v42 =	vld [tilespmem:s15+$0xFFFFFF10]  }
0x241: {  	v24 =	vsub.f32 v24, v11;
	v8 =	vmul.f32 v1, v1;
	v1 =	vmul.f32 v50, v50;
	v50 =	vld [tilespmem:s21+$0xFFFFFF10]  }
0x242: {  	v61 =	vmul.f32 v47, v47;
	v36 =	vmul.f32 v55, v55;
	v21 =	vsub.f32 v17, v21;
	v17 =	vld [tilespmem:s21+$0x10]  }
0x243: {  	[tilespmem:$0x1FB90] =	vst v5;
	v0 =	vsub.f32 v62, v0;
	v62 =	vsub.f32 v32, v35;
	v35 =	vmul.f32 v20, v20;
	v20 =	vld [tilespmem:s15+$0xFFFFFF80]  }
0x244: {  	v28 =	vmul.f32 v9, v9;
	v9 =	vsub.f32 v18, v14;
	v2 =	vsub.f32 v18, v15;
	v18 =	vld [tilespmem:$0x1FB90]  }
0x245: {  	v13 =	vsub.f32 v58, v59;
	v59 =	vmul.f32 v41, v41;
	v41 =	vld [tilespmem:s21+$0xFFFFFF00];
	v27 =	vsub.f32 v25, v27  }
0x246: {  	[tilespmem:$0x1FBE0] =	vst v8;
	v8 =	vmul.f32 v37, v37;
	v25 =	vsub.f32 v30, v31;
	v32 =	vsub.f32 v32, v38;
	v38 =	vld [tilespmem:s21+$0xFFFFFF90]  }
0x247: {  	v30 =	vsub.f32 v49, v1;
	v5 =	vsub.f32 v58, v17;
	v58 =	vmul.f32 v40, v40;
	v40 =	vld [tilespmem:s20+$0xFFFFFF00]  }
0x248: {  	v49 =	vsub.f32 v52, v53;
	[tilespmem:$0x1FBA0] =	vst v0;
	v0 =	vsub.f32 v20, v26;
	v26 =	vmul.f32 v60, v60;
	v60 =	vld [tilespmem:$0x1FBC0]  }
0x249: {  	v31 =	vsub.f32 v7, v8;
	[tilespmem:$0x1FBF0] =	vst v35;
	v35 =	vmul.f32 v54, v54;
	v37 =	vmul.f32 v18, v18;
	v18 =	vld [tilespmem:$0x1FBA0]  }
0x24a: {  	v44 =	vmul.f32 v62, v62;
	v14 =	vsub.f32 v23, v33;
	v33 =	vmul.f32 v21, v21;
	v21 =	vld [tilespmem:$0x1FBB0]  }
0x24b: {  	v47 =	vmul.f32 v32, v32;
	v15 =	vmul.f32 v46, v46;
	v12 =	vsub.f32 v20, v12  }
0x24c: {  	v62 =	vld [tilespmem:$0x1FBD0];
	v46 =	vmul.f32 v22, v22;
	v22 =	vsub.f32 v42, v50;
	v17 =	vsub.f32 v23, v38  }
0x24d: {  	s22 =	sadd.s32 $0x4, s22;
	v20 =	vsub.f32 v39, v41;
	v50 =	vmul.f32 v12, v12;
	v23 =	vsub.f32 v60, v29;
	v29 =	vld [tilespmem:$0x1FBE0]  }
0x24e: {  	p0 =	slt.u32 s22, $0x3C;
	v38 =	vmul.f32 v18, v18;
	v18 =	vsub.f32 v39, v40;
	v39 =	vmul.f32 v63, v63;
	v63 =	vld [tilespmem:$0x1FBF0]  }
.Ltmp1:
0x24f: {  	v41 =	vmul.f32 v21, v21;
	v21 =	vsub.f32 v42, v48;
	v42 =	vmul.f32 v4, v4;
	(pc) =	sbr.rel @p0 .LBB2_5-.Ltmp1, $4  }
0x250: {  	v32 =	vsub.f32 v58, v59;
	v48 =	vmul.f32 v45, v45;
	v45 =	vmul.f32 v56, v56  }
0x251: {  	v53 =	vmovc v13;
	v60 =	vsub.f32 v19, v16;
	v16 =	vsub.f32 v6, v34;
	v34 =	vmul.f32 v9, v9  }
0x252: {  	v52 =	vmovc v5;
	v40 =	vmul.f32 v51, v51;
	v62 =	vsub.f32 v62, v29;
	v29 =	vsub.f32 v15, v61  }
0x253: {  	s15 =	sadd.s32 $0x200, s15;
	v51 =	vmul.f32 v0, v0;
	v15 =	vmovc v2;
	v55 =	vsub.f32 v63, v28;
	v28 =	vsub.f32 v10, v3  }
0x254: {  	v0 =	vsub.f32 v35, v36  }
0x255: {  	v1 =	vmul.f32 v14, v14;
	v2 =	vsub.f32 v37, v38;
	v3 =	vmul.f32 v17, v17  }
0x256: {  	v4 =	vsub.f32 v39, v41;
	v5 =	vsub.f32 v43, v46;
	v6 =	vmul.f32 v18, v18  }
0x257: {  	v7 =	vsub.f32 v44, v47;
	v8 =	vsub.f32 v26, v33;
	v9 =	vmul.f32 v20, v20  }
0x258: {  	v10 =	vsub.f32 v42, v48;
	v44 =	vmul.f32 v21, v21;
	v13 =	vsub.f32 v40, v45  }
0x259: {  	v46 =	vmul.f32 v22, v22;
	v12 =	vsub.f32 v50, v51;
	v4 =	vadd.f32 v5, v4  }
0x25a: {  	v47 =	vmul.f32 v15, v15;
	v1 =	vsub.f32 v1, v3;
	v6 =	vsub.f32 v6, v9  }
0x25b: {  	v48 =	vmul.f32 v53, v53;
	v51 =	vld [tilespmem:$0x1FCD0];
	v3 =	vsub.f32 v44, v46;
	v4 =	vadd.f32 v49, v4  }
0x25c: {  	v9 =	vsub.f32 v34, v47;
	v1 =	vadd.f32 v1, v12;
	v49 =	vmul.f32 v52, v52;
	v52 =	vld [tilespmem:$0x1FCE0]  }
0x25d: {  	v56 =	vld [tilespmem:$0x1FC60];
	v3 =	vadd.f32 v3, v6;
	v4 =	vadd.f32 v32, v4  }
0x25e: {  	v53 =	vld [tilespmem:$0x1FCB0];
	v1 =	vadd.f32 v10, v1;
	v50 =	vsub.f32 v48, v49  }
0x25f: {  	v54 =	vld [tilespmem:$0x1FCC0];
	v3 =	vadd.f32 v9, v3;
	v4 =	vadd.f32 v25, v4  }
0x260: {  	v57 =	vld [tilespmem:$0x1FC80];
	v5 =	vmul.f32 v51, v51;
	v1 =	vadd.f32 v2, v1;
	v2 =	vadd.f32 v50, v13  }
0x261: {  	v3 =	vadd.f32 v7, v3;
	v6 =	vmul.f32 v52, v52;
	v4 =	vadd.f32 v27, v4  }
0x262: {  	v59 =	vld [tilespmem:$0x1FC10];
	v7 =	vmul.f32 v56, v56;
	v1 =	vadd.f32 v29, v1;
	v2 =	vadd.f32 v8, v2  }
0x263: {  	v61 =	vld [tilespmem:$0x1FC30];
	v0 =	vadd.f32 v0, v3;
	v3 =	vmul.f32 v53, v53;
	v5 =	vsub.f32 v5, v6  }
0x264: {  	v6 =	vmul.f32 v54, v54;
	v4 =	vadd.f32 v23, v4;
	v2 =	vadd.f32 v30, v2  }
0x265: {  	v8 =	vmul.f32 v57, v57;
	v1 =	vadd.f32 v31, v1;
	v0 =	vadd.f32 v28, v0  }
0x266: {  	v3 =	vsub.f32 v3, v6;
	v2 =	vadd.f32 v5, v2  }
0x267: {  	v58 =	vsub.f32 v7, v8;
	v6 =	vmul.f32 v59, v59;
	v1 =	vadd.f32 v24, v1  }
0x268: {  	v4 =	vadd.f32 v62, v4;
	v2 =	vadd.f32 v3, v2;
	v3 =	vmul.f32 v61, v61  }
0x269: {  	v0 =	vadd.f32 v16, v0;
	v1 =	vadd.f32 v55, v1  }
0x26a: {  	v2 =	vadd.f32 v58, v2;
	v3 =	vsub.f32 v6, v3  }
0x26b: {  	(xrf2) =	vadd.scan.msk.f32 $0xffff, v4;
	v0 =	vadd.f32 v60, v0  }
0x26c: {  	(xrf2) =	vadd.scan.msk.f32 $0xffff, v1;
	v62 =	vadd.f32 v3, v2  }
0x26d: {  	(xrf2) =	vadd.scan.msk.f32 $0xffff, v0  }
0x26e: {  	(xrf2) =	vadd.scan.msk.f32 $0xffff, v62;
	_ =	sdelay $0x3  }
0x26f: {  	p0 =	seq.s32 s18, $0x1F  }
0x270: {  	s15 =	sadd.s32 @!p0 $0x100, s19;
	s20 =	simm.s32 @!p0 $0x40;
	s21 =	simm.s32 @!p0 $0x6000  }
0x271: {  	[tilespmem:s21], [sflag:$0x2] =	stream.indirect.gather @!p0 [hbm4b:s3+s20], $0x80, s15, s20, $0xb8;
	[tilespmem:$0x1E080] =	vst v63  }
0x272: {  	s15 =	sadd.s32 @!p0 $0x2100, s19;
	s21 =	simm.s32 @!p0 $0x8000;
	v0, _, _ =	vpop (xrf2)  }
0x273: {  	[tilespmem:s21], [sflag:$0x2] =	stream.indirect.gather @!p0 [hbm4b:s4+s20], $0x80, s15, s20, $0xb8;
	v63, _, _ =	vpop (xrf2);
	[tilespmem:$0x1E080] =	vst v63  }
0x274: {  	s15 =	sadd.s32 @!p0 $0x4100, s19;
	s21 =	simm.s32 @!p0 $0xA000;
	v60, _, _ =	vpop (xrf2)  }
0x275: {  	[tilespmem:s21], [sflag:$0x2] =	stream.indirect.gather @!p0 [hbm4b:s5+s20], $0x80, s15, s20, $0xb8;
	v3, _, _ =	vpop (xrf2);
	[tilespmem:$0x1E080] =	vst v63  }
0x276: {  	_ =	swait.ge [sflag:s0], $0x2000  }
0x277: {  	[sflag:s0] =	ssyncset.done $0x0  }
0x278: {  	[sflag:s0] =	ssyncadd.s32 $0xFFFFE000  }
0x279: {  	_ =	swait.ge [sflag:s0], $0x2000  }
0x27a: {  	[sflag:s0] =	ssyncset.done $0x0  }
0x27b: {  	[sflag:s0] =	ssyncadd.s32 $0xFFFFE000  }
0x27c: {  	_ =	swait.ge [sflag:s0], $0x2000  }
0x27d: {  	[sflag:s0] =	ssyncset.done $0x0  }
0x27e: {  	s21 =	simm.s32 $0x16100;
	[sflag:s0] =	ssyncadd.s32 $0xFFFFE000  }
0x27f: {  	s22 =	simm.s32 $0x12100;
	v61 =	vld [tilespmem:s21+$0x70]  }
0x280: {  	s20 =	simm.s32 $0x14100;
	v5 =	vld [tilespmem:s22+$0xF0]  }
0x281: {  	v9 =	vld [tilespmem:s20+$0xF0]  }
0x282: {  	v14 =	vld [tilespmem:s21+$0xF0]  }
0x283: {  	v7 =	vld [tilespmem:s22+$0x70]  }
0x284: {  	v8 =	vld [tilespmem:s20+$0x70];
	[tilespmem:$0x1F9D0] =	vst v61  }
0x285: {  	v62 =	vld [tilespmem:s21+$0xE0];
	_ =	sdelay $0x3  }
0x286: {  	v4 =	vld [tilespmem:s22+$0xE0]  }
0x287: {  	v6 =	vld [tilespmem:s20+$0xE0];
	[tilespmem:$0x1F9F0] =	vst v62  }
0x288: {  	v10 =	vld [tilespmem:s21+$0xFFFFFFF0];
	_ =	sdelay $0x3  }
0x289: {  	v13 =	vld [tilespmem:s22+$0xFFFFFFF0]  }
0x28a: {  	v12 =	vld [tilespmem:s20+$0xFFFFFFF0];
	[tilespmem:$0x1FA00] =	vst v10  }
0x28b: {  	v10 =	vld [tilespmem:s21+$0x60];
	_ =	sdelay $0x3  }
0x28c: {  	v16 =	vld [tilespmem:s22+$0x60]  }
0x28d: {  	v21 =	vld [tilespmem:s20+$0x60];
	[tilespmem:$0x1FA20] =	vst v10  }
0x28e: {  	v10 =	vld [tilespmem:s21+$0xD0];
	_ =	sdelay $0x3  }
0x28f: {  	v19 =	vld [tilespmem:s22+$0xD0]  }
0x290: {  	v20 =	vld [tilespmem:s20+$0xD0];
	[tilespmem:$0x1FA40] =	vst v10  }
0x291: {  	v10 =	vld [tilespmem:s21+$0xFFFFFF70];
	_ =	sdelay $0x2  }
0x292: {  	v1 =	vadd.f32 $2.000000030e-01, v63;
	v63 =	vld [tilespmem:$0x1FC00]  }
0x293: {  	v22 =	vld [tilespmem:s22+$0xFFFFFF70]  }
0x294: {  	v24 =	vld [tilespmem:s20+$0xFFFFFF70];
	[tilespmem:$0x1FA50] =	vst v10  }
0x295: {  	v25 =	vld [tilespmem:s22+$0xFFFFFFE0]  }
0x296: {  	v26 =	vld [tilespmem:s20+$0xFFFFFFE0]  }
0x297: {  	v27 =	vld [tilespmem:s21+$0xFFFFFFE0]  }
0x298: {  	v28 =	vld [tilespmem:s22+$0x50]  }
0x299: {  	v29 =	vld [tilespmem:s20+$0x50]  }
0x29a: {  	v30 =	vld [tilespmem:s21+$0x50]  }
0x29b: {  	v31 =	vld [tilespmem:s22+$0xC0]  }
0x29c: {  	v32 =	vld [tilespmem:s20+$0xC0]  }
0x29d: {  	v33 =	vld [tilespmem:s21+$0xC0]  }
0x29e: {  	v34 =	vld [tilespmem:s22+$0xFFFFFF60]  }
0x29f: {  	v35 =	vld [tilespmem:s20+$0xFFFFFF60]  }
0x2a0: {  	v36 =	vld [tilespmem:s21+$0xFFFFFF60]  }
0x2a1: {  	v37 =	vld [tilespmem:s22+$0xFFFFFFD0]  }
0x2a2: {  	v38 =	vld [tilespmem:s20+$0xFFFFFFD0]  }
0x2a3: {  	v39 =	vld [tilespmem:s21+$0xFFFFFFD0]  }
0x2a4: {  	v40 =	vld [tilespmem:s22+$0x40]  }
0x2a5: {  	v41 =	vld [tilespmem:s20+$0x40]  }
0x2a6: {  	v42 =	vld [tilespmem:s21+$0x40]  }
0x2a7: {  	v43 =	vld [tilespmem:s22+$0xB0]  }
0x2a8: {  	v44 =	vld [tilespmem:s20+$0xB0]  }
0x2a9: {  	v45 =	vld [tilespmem:s21+$0xB0]  }
0x2aa: {  	v46 =	vld [tilespmem:s22+$0xFFFFFF50]  }
0x2ab: {  	v47 =	vld [tilespmem:s20+$0xFFFFFF50]  }
0x2ac: {  	v48 =	vld [tilespmem:s21+$0xFFFFFF50]  }
0x2ad: {  	v49 =	vld [tilespmem:s22+$0xFFFFFFC0]  }
0x2ae: {  	v50 =	vld [tilespmem:s20+$0xFFFFFFC0]  }
0x2af: {  	v51 =	vld [tilespmem:s21+$0xFFFFFFC0]  }
0x2b0: {  	v52 =	vld [tilespmem:s22+$0x30]  }
0x2b1: {  	v53 =	vld [tilespmem:s20+$0x30]  }
0x2b2: {  	v54 =	vld [tilespmem:s21+$0x30]  }
0x2b3: {  	v2 =	vadd.f32 $2.000000030e-01, v60;
	v55 =	vld [tilespmem:s22+$0xA0]  }
0x2b4: {  	v56 =	vld [tilespmem:s20+$0xA0]  }
0x2b5: {  	v2 =	vmax.f32 v2, $0.0e+00;
	v57 =	vld [tilespmem:s21+$0xA0]  }
0x2b6: {  	v2 =	vsel vm0, $0x0, v2;
	v58 =	vld [tilespmem:s22+$0xFFFFFF40]  }
0x2b7: {  	v1 =	vmax.f32 v1, $0.0e+00;
	v3 =	vadd.f32 $2.000000030e-01, v3;
	v2 =	vadd.f32 v2, v63;
	v59 =	vld [tilespmem:s20+$0xFFFFFF40]  }
0x2b8: {  	v1 =	vsel vm0, $0x0, v1;
	v60 =	vld [tilespmem:s21+$0xFFFFFF40]  }
0x2b9: {  	v0 =	vadd.f32 $2.000000030e-01, v0;
	v1 =	vadd.f32 v1, v2;
	v2 =	vmax.f32 v3, $0.0e+00;
	v61 =	vld [tilespmem:s22+$0xFFFFFFB0]  }
0x2ba: {  	v2 =	vsel vm0, $0x0, v2;
	v62 =	vld [tilespmem:s20+$0xFFFFFFB0]  }
0x2bb: {  	v0 =	vmax.f32 v0, $0.0e+00;
	v1 =	vadd.f32 v2, v1;
	v63 =	vld [tilespmem:s21+$0xFFFFFFB0]  }
0x2bc: {  	v0 =	vsel vm0, $0x0, v0;
	v11 =	vld [tilespmem:s22+$0x20]  }
0x2bd: {  	v0 =	vadd.f32 v0, v1;
	v23 =	vld [tilespmem:s20+$0x20]  }
0x2be: {  	v9 =	vsub.f32 v5, v9;
	v18 =	vld [tilespmem:s21+$0x20]  }
0x2bf: {  	v10 =	vld [tilespmem:s22+$0x80];
	[tilespmem:$0x1F9B0] =	vst v0  }
0x2c0: {  	[tilespmem:$0x1FAA0] =	vst v9;
	v9 =	vsub.f32 v5, v14;
	v5 =	vsub.f32 v7, v8;
	v8 =	vld [tilespmem:$0x1F9D0]  }
0x2c1: {  	v17 =	vld [tilespmem:s20+$0x80]  }
0x2c2: {  	[tilespmem:$0x1F9C0] =	vst v5;
	v5 =	vld [tilespmem:$0x1F9F0];
	_ =	sdelay $0x1  }
0x2c3: {  	[tilespmem:$0x1FAB0] =	vst v9;
	v9 =	vsub.f32 v4, v6  }
0x2c4: {  	v0 =	vsub.f32 v7, v8  }
0x2c5: {  	v15 =	vld [tilespmem:s21+$0x80];
	[tilespmem:$0x1FAC0] =	vst v9  }
0x2c6: {  	v6 =	vsub.f32 v13, v12;
	[tilespmem:$0x1F9E0] =	vst v0;
	v0 =	vsub.f32 v4, v5;
	v4 =	vld [tilespmem:$0x1FA20]  }
0x2c7: {  	v9 =	vld [tilespmem:s22+$0x90]  }
0x2c8: {  	[tilespmem:$0x1FAE0] =	vst v6;
	v6 =	vld [tilespmem:$0x1FA40];
	_ =	sdelay $0x1  }
0x2c9: {  	v7 =	vld [tilespmem:$0x1FA00];
	v8 =	vsub.f32 v16, v21  }
0x2ca: {  	v3 =	vsub.f32 v58, v60;
	[tilespmem:$0x1FAD0] =	vst v0;
	v60 =	vld [tilespmem:$0x1FAE0];
	v0 =	vsub.f32 v16, v4  }
0x2cb: {  	v5 =	vsub.f32 v19, v20;
	v14 =	vld [tilespmem:s20+$0x90];
	[tilespmem:$0x1FA10] =	vst v8  }
0x2cc: {  	v21 =	vld [tilespmem:s21+$0x90];
	[tilespmem:$0x1FA30] =	vst v0;
	v0 =	vsub.f32 v19, v6  }
0x2cd: {  	v8 =	vld [tilespmem:$0x1FA50];
	[tilespmem:$0x1FAF0] =	vst v5  }
0x2ce: {  	v4 =	vsub.f32 v25, v27;
	v20 =	vld [tilespmem:s22+$0xFFFFFF30];
	[tilespmem:$0x1FB00] =	vst v0  }
0x2cf: {  	v7 =	vsub.f32 v13, v7;
	v5 =	vsub.f32 v28, v29;
	v13 =	vld [tilespmem:s20+$0xFFFFFF30]  }
0x2d0: {  	v33 =	vsub.f32 v31, v33;
	v6 =	vsub.f32 v28, v30;
	v12 =	vld [tilespmem:s21+$0xFFFFFF30];
	[tilespmem:$0x1FB10] =	vst v4  }
0x2d1: {  	v30 =	vsub.f32 v46, v47;
	v46 =	vsub.f32 v46, v48;
	v48 =	vld [tilespmem:$0x1FAB0];
	[tilespmem:$0x1FA60] =	vst v5  }
0x2d2: {  	v24 =	vsub.f32 v22, v24;
	v27 =	vld [tilespmem:s22+$0xFFFFFFA0];
	[tilespmem:$0x1FA70] =	vst v6  }
0x2d3: {  	v41 =	vsub.f32 v40, v41;
	v42 =	vsub.f32 v40, v42;
	v29 =	vld [tilespmem:s20+$0xFFFFFFA0];
	[tilespmem:$0x1FB20] =	vst v33  }
0x2d4: {  	v8 =	vsub.f32 v22, v8;
	v22 =	vsub.f32 v31, v32;
	v32 =	vld [tilespmem:s21+$0xFFFFFFA0]  }
0x2d5: {  	v31 =	vsub.f32 v34, v35;
	v35 =	vld [tilespmem:s22+$0x0];
	[tilespmem:$0x1FA80] =	vst v41  }
0x2d6: {  	v19 =	vsub.f32 v37, v38;
	v28 =	vsub.f32 v37, v39;
	v37 =	vld [tilespmem:s20+$0x0];
	[tilespmem:$0x1FA90] =	vst v42  }
0x2d7: {  	v39 =	vld [tilespmem:s21+$0x0]  }
0x2d8: {  	v6 =	vsub.f32 v52, v54;
	v42 =	vld [tilespmem:s22+$0x10];
	[tilespmem:$0x1FB30] =	vst v46  }
0x2d9: {  	v40 =	vsub.f32 v43, v45;
	v45 =	vld [tilespmem:s20+$0x10]  }
0x2da: {  	v1 =	vsub.f32 v55, v57;
	v47 =	vld [tilespmem:s21+$0x10];
	[tilespmem:$0x1FB40] =	vst v6  }
0x2db: {  	v2 =	vsub.f32 v58, v59;
	v46 =	vsub.f32 v49, v51;
	v51 =	vld [tilespmem:s22+$0xFFFFFF20]  }
0x2dc: {  	v58 =	vsub.f32 v61, v63;
	v59 =	vsub.f32 v11, v23;
	v54 =	vld [tilespmem:s20+$0xFFFFFF20]  }
0x2dd: {  	v38 =	vsub.f32 v43, v44;
	v63 =	vsub.f32 v9, v14;
	v57 =	vld [tilespmem:s21+$0xFFFFFF20]  }
0x2de: {  	v0 =	vsub.f32 v10, v17;
	v4 =	vsub.f32 v11, v18;
	v23 =	vld [tilespmem:s22+$0xFFFFFF80]  }
0x2df: {  	v33 =	vsub.f32 v34, v36;
	v11 =	vld [tilespmem:s20+$0xFFFFFF80];
	v36 =	vsub.f32 v27, v29  }
0x2e0: {  	v34 =	vsub.f32 v49, v50;
	v50 =	vsub.f32 v55, v56;
	v14 =	vld [tilespmem:s21+$0xFFFFFF80]  }
0x2e1: {  	v56 =	vsub.f32 v61, v62;
	v49 =	vsub.f32 v52, v53;
	v17 =	vld [tilespmem:s22+$0xFFFFFF90];
	[tilespmem:$0x1FB50] =	vst v36  }
0x2e2: {  	v61 =	vsub.f32 v20, v12;
	v43 =	vsub.f32 v35, v37;
	v12 =	vld [tilespmem:s20+$0xFFFFFF90]  }
0x2e3: {  	v41 =	vsub.f32 v27, v32;
	v52 =	vsub.f32 v42, v47;
	v47 =	vld [tilespmem:$0x1FAA0]  }
0x2e4: {  	v40 =	vmul.f32 v40, v40;
	[tilespmem:$0x1FB70] =	vst v43;
	v43 =	vld [tilespmem:$0x1FAF0]  }
0x2e5: {  	v16 =	vsub.f32 v25, v26;
	[tilespmem:$0x1FB60] =	vst v41;
	v53 =	vsub.f32 v42, v45;
	v42 =	vmul.f32 v60, v60;
	v60 =	vld [tilespmem:$0x1FB30]  }
0x2e6: {  	v26 =	vmul.f32 v24, v24;
	v5 =	vsub.f32 v10, v15;
	v44 =	vsub.f32 v35, v39;
	v18 =	vld [tilespmem:s21+$0xFFFFFF90]  }
0x2e7: {  	v24 =	vmul.f32 v16, v16;
	v54 =	vsub.f32 v51, v54;
	v15 =	vsub.f32 v51, v57;
	v51 =	vld [tilespmem:$0x1FAC0]  }
0x2e8: {  	v28 =	vmul.f32 v28, v28;
	v31 =	vmul.f32 v31, v31;
	v57 =	vld [tilespmem:$0x1FAD0]  }
0x2e9: {  	v33 =	vmul.f32 v33, v33;
	v34 =	vmul.f32 v34, v34;
	[tilespmem:$0x1FB80] =	vst v44;
	v44 =	vld [tilespmem:$0x1FB00]  }
0x2ea: {  	v50 =	vmul.f32 v50, v50;
	v10 =	vsub.f32 v20, v13;
	v13 =	vmul.f32 v8, v8;
	v20 =	vld [tilespmem:s22+$0xFFFFFF00]  }
0x2eb: {  	v9 =	vsub.f32 v9, v21;
	v49 =	vmul.f32 v49, v49;
	v32 =	vmul.f32 v38, v38;
	v21 =	vld [tilespmem:s20+$0xFFFFFF00]  }
0x2ec: {  	v38 =	vmul.f32 v58, v58;
	v36 =	vmul.f32 v48, v48;
	v55 =	vld [tilespmem:s21+$0xFFFFFF00]  }
0x2ed: {  	v37 =	vmul.f32 v56, v56;
	v45 =	vmul.f32 v7, v7;
	v62 =	vld [tilespmem:s22+$0xFFFFFF10]  }
0x2ee: {  	v27 =	vmul.f32 v47, v47;
	v47 =	vld [tilespmem:$0x1FB10];
	v35 =	vmul.f32 v51, v51  }
0x2ef: {  	v39 =	vmul.f32 v57, v57;
	v51 =	vsub.f32 v23, v11;
	v57 =	vsub.f32 v23, v14;
	v23 =	vld [tilespmem:s20+$0xFFFFFF10]  }
0x2f0: {  	v48 =	vmul.f32 v43, v43;
	v43 =	vmul.f32 v22, v22;
	v14 =	vsub.f32 v17, v12;
	v12 =	vld [tilespmem:s21+$0xFFFFFF10]  }
0x2f1: {  	v29 =	vmul.f32 v60, v60;
	v60 =	vsub.f32 v26, v13;
	v13 =	vmul.f32 v1, v1  }
0x2f2: {  	v26 =	vmul.f32 v59, v59;
	v25 =	vmul.f32 v44, v44;
	v17 =	vsub.f32 v17, v18  }
0x2f3: {  	v44 =	vmul.f32 v19, v19;
	v18 =	vsub.f32 v20, v21;
	v20 =	vsub.f32 v20, v55;
	v55 =	vld [tilespmem:$0x1FB20]  }
0x2f4: {  	v11 =	vmul.f32 v46, v46;
	v46 =	vmul.f32 v9, v9  }
0x2f5: {  	v16 =	vmul.f32 v47, v47;
	v21 =	vsub.f32 v62, v23;
	v22 =	vsub.f32 v62, v12  }
0x2f6: {  	v58 =	vld [tilespmem:$0x1FB50];
	v47 =	vmul.f32 v30, v30;
	v23 =	vsub.f32 v35, v39;
	v62 =	vsub.f32 v27, v36  }
0x2f7: {  	v59 =	vld [tilespmem:$0x1FB60];
	v27 =	vsub.f32 v48, v25;
	v35 =	vmul.f32 v2, v2;
	v36 =	vmul.f32 v3, v3  }
0x2f8: {  	v48 =	vld [tilespmem:$0x1FB40];
	v41 =	vmul.f32 v55, v55;
	v24 =	vsub.f32 v24, v16;
	v16 =	vsub.f32 v31, v33  }
0x2f9: {  	v31 =	vsub.f32 v44, v28;
	v28 =	vsub.f32 v47, v29;
	v47 =	vmul.f32 v61, v61;
	v61 =	vld [tilespmem:$0x1FB70]  }
0x2fa: {  	v39 =	vmul.f32 v0, v0;
	v55 =	vsub.f32 v42, v45;
	v33 =	vmul.f32 v4, v4  }
0x2fb: {  	v44 =	vmul.f32 v10, v10;
	v25 =	vsub.f32 v43, v41;
	v43 =	vmul.f32 v63, v63;
	v63 =	vld [tilespmem:$0x1FB80]  }
0x2fc: {  	v42 =	vmul.f32 v58, v58;
	v29 =	vsub.f32 v34, v11;
	v34 =	vmul.f32 v54, v54  }
0x2fd: {  	v41 =	vmul.f32 v5, v5;
	v30 =	vmul.f32 v48, v48  }
0x2fe: {  	v32 =	vsub.f32 v32, v40;
	v48 =	vmul.f32 v59, v59;
	v40 =	vmul.f32 v61, v61  }
0x2ff: {  	v30 =	vsub.f32 v49, v30;
	v49 =	vsub.f32 v50, v13;
	v50 =	vmul.f32 v51, v51  }
0x300: {  	s15 =	simm.s32 $0x12300;
	s22 =	simm.s32 $0x0;
	v51 =	vmul.f32 v57, v57;
	v45 =	vmul.f32 v63, v63  }
.LBB2_7:
0x301: {  	v13 =	vld [tilespmem:s15+$0xF0]  }
0x302: {  	v2 =	vmul.f32 v18, v18;
	v18 =	vld [tilespmem:s15+$0x70]  }
0x303: {  	v9 =	vld [tilespmem:s15+$0xFFFFFFF0]  }
0x304: {  	v7 =	vmul.f32 v53, v53;
	v53 =	vld [tilespmem:$0x1F9C0]  }
0x305: {  	s20 =	sadd.s32 $0x200, s20;
	v61 =	vld [tilespmem:$0x1F9B0]  }
0x306: {  	v63 =	vmul.f32 v14, v14;
	s21 =	sadd.s32 $0x200, s21;
	v14 =	vld [tilespmem:s20+$0xF0]  }
0x307: {  	v0 =	vmul.f32 v17, v17;
	v17 =	vld [tilespmem:s21+$0xF0]  }
0x308: {  	v33 =	vsub.f32 v26, v33;
	v26 =	vmul.f32 v20, v20;
	v20 =	vld [tilespmem:s20+$0x70]  }
0x309: {  	v3 =	vmul.f32 v21, v21;
	v21 =	vld [tilespmem:s21+$0x70]  }
0x30a: {  	v5 =	vmul.f32 v22, v22;
	v22 =	vld [tilespmem:s15+$0xE0]  }
0x30b: {  	v6 =	vmul.f32 v15, v15;
	v15 =	vld [tilespmem:s20+$0xE0]  }
0x30c: {  	v10 =	vld [tilespmem:s21+$0xE0]  }
0x30d: {  	v8 =	vld [tilespmem:s21+$0x60]  }
0x30e: {  	v1 =	vsub.f32 v43, v46;
	v46 =	vld [tilespmem:$0x1FA90]  }
0x30f: {  	v42 =	vsub.f32 v42, v48;
	v48 =	vld [tilespmem:$0x1FA60]  }
0x310: {  	v4 =	vsub.f32 v50, v51;
	v50 =	vld [tilespmem:$0x1FA70]  }
0x311: {  	v51 =	vld [tilespmem:$0x1FA10]  }
0x312: {  	v37 =	vsub.f32 v37, v38;
	v12 =	vld [tilespmem:s20+$0xFFFFFF70]  }
0x313: {  	v35 =	vsub.f32 v35, v36;
	v39 =	vsub.f32 v39, v41;
	v41 =	vld [tilespmem:s15+$0x40]  }
0x314: {  	v36 =	vsub.f32 v63, v0;
	v26 =	vsub.f32 v2, v26;
	v0 =	vld [tilespmem:$0x1FA80]  }
0x315: {  	v34 =	vsub.f32 v34, v6;
	v6 =	vld [tilespmem:s20+$0xD0];
	v38 =	vsub.f32 v3, v5  }
0x316: {  	v5 =	vld [tilespmem:s21+$0xD0]  }
0x317: {  	v36 =	vadd.f32 v36, v4;
	v38 =	vadd.f32 v38, v26;
	v26 =	vld [tilespmem:s21+$0xFFFFFFF0]  }
0x318: {  	v2 =	vmul.f32 v53, v53;
	v53 =	vld [tilespmem:s15+$0x30]  }
0x319: {  	v39 =	vadd.f32 v1, v39;
	v36 =	vadd.f32 v42, v36;
	v42 =	vmul.f32 v52, v52;
	v52 =	vld [tilespmem:$0x1FA30]  }
0x31a: {  	v44 =	vsub.f32 v44, v47;
	v47 =	vmul.f32 v46, v46;
	v46 =	vld [tilespmem:s21+$0xB0]  }
0x31b: {  	v39 =	vadd.f32 v49, v39;
	v49 =	vmul.f32 v48, v48;
	v48 =	vld [tilespmem:s20+$0xFFFFFF50]  }
0x31c: {  	v4 =	vmul.f32 v51, v51;
	v51 =	vld [tilespmem:s20+$0xFFFFFFC0]  }
0x31d: {  	v15 =	vsub.f32 v22, v15;
	v10 =	vsub.f32 v22, v10;
	v22 =	vld [tilespmem:s15+$0x80]  }
0x31e: {  	v34 =	vadd.f32 v34, v38;
	v38 =	vld [tilespmem:s15+$0xFFFFFFD0]  }
0x31f: {  	v32 =	vadd.f32 v32, v39;
	v39 =	vld [tilespmem:s20+$0xFFFFFFD0]  }
0x320: {  	v43 =	vsub.f32 v7, v42;
	v7 =	vld [tilespmem:s15+$0xD0]  }
0x321: {  	v36 =	vadd.f32 v37, v36;
	v42 =	vld [tilespmem:s20+$0x40]  }
0x322: {  	v40 =	vsub.f32 v40, v45;
	v32 =	vadd.f32 v25, v32;
	v25 =	vld [tilespmem:s20+$0xFFFFFFF0]  }
0x323: {  	v36 =	vadd.f32 v29, v36;
	v29 =	vld [tilespmem:s20+$0x60]  }
0x324: {  	v37 =	vadd.f32 v43, v40;
	v40 =	vld [tilespmem:s21+$0xFFFFFFD0]  }
0x325: {  	v34 =	vadd.f32 v44, v34;
	v43 =	vld [tilespmem:s21+$0x40]  }
0x326: {  	v32 =	vadd.f32 v27, v32;
	v27 =	vld [tilespmem:s15+$0x60]  }
0x327: {  	v34 =	vadd.f32 v35, v34;
	v35 =	vld [tilespmem:s15+$0xFFFFFF60]  }
0x328: {  	v3 =	vmul.f32 v52, v52;
	v52 =	vld [tilespmem:s21+$0xFFFFFFC0]  }
0x329: {  	v45 =	vadd.f32 v33, v37;
	v33 =	vld [tilespmem:s20+$0xC0]  }
0x32a: {  	v31 =	vadd.f32 v31, v36;
	v36 =	vld [tilespmem:s20+$0xFFFFFF60]  }
0x32b: {  	v37 =	vld [tilespmem:s21+$0xFFFFFF60]  }
0x32c: {  	v23 =	vadd.f32 v23, v32;
	v32 =	vld [tilespmem:s15+$0xC0]  }
0x32d: {  	v28 =	vadd.f32 v28, v34;
	v34 =	vld [tilespmem:s21+$0xC0]  }
0x32e: {  	v3 =	vsub.f32 v4, v3;
	v30 =	vadd.f32 v30, v45;
	v45 =	vld [tilespmem:s20+$0xB0]  }
0x32f: {  	v44 =	vmul.f32 v0, v0;
	v4 =	vsub.f32 v18, v20;
	v20 =	vsub.f32 v9, v25;
	v25 =	vld [tilespmem:s20+$0x80]  }
0x330: {  	v19 =	vadd.f32 v62, v23;
	v28 =	vadd.f32 v16, v28;
	v16 =	vld [tilespmem:s21+$0xFFFFFF70]  }
0x331: {  	v23 =	vadd.f32 v24, v31;
	v24 =	vsub.f32 v44, v47;
	v44 =	vld [tilespmem:s15+$0xB0]  }
0x332: {  	v47 =	vld [tilespmem:s15+$0xFFFFFF50]  }
0x333: {  	v31 =	vmul.f32 v50, v50;
	v50 =	vld [tilespmem:s15+$0xFFFFFFC0]  }
0x334: {  	[tilespmem:$0x1F9C0] =	vst v4;
	v4 =	vsub.f32 v18, v21;
	v18 =	vld [tilespmem:s20+$0x20]  }
0x335: {  	v21 =	vld [tilespmem:s21+$0x20]  }
0x336: {  	(xrf2) =	vadd.scan.msk.f32 $0xffff, v19;
	v19 =	vld [tilespmem:s15+$0xFFFFFF70]  }
0x337: {  	v23 =	vadd.f32 v55, v23;
	v55 =	vld [tilespmem:$0x1F9E0]  }
0x338: {  	v54 =	vadd.f32 v60, v28;
	v28 =	vld [tilespmem:s21+$0xFFFFFFE0]  }
0x339: {  	v24 =	vadd.f32 v24, v30;
	v30 =	vld [tilespmem:s20+$0x50]  }
0x33a: {  	v31 =	vsub.f32 v49, v31;
	v49 =	vld [tilespmem:s21+$0xFFFFFF50]  }
0x33b: {  	[tilespmem:$0x1F9E0] =	vst v4;
	v4 =	vsub.f32 v27, v29;
	v29 =	vld [tilespmem:s21+$0x90]  }
0x33c: {  	(xrf2) =	vadd.scan.msk.f32 $0xffff, v23;
	v23 =	vld [tilespmem:s15+$0xFFFFFFE0]  }
0x33d: {  	v42 =	vsub.f32 v41, v42;
	v11 =	vadd.f32 v31, v24;
	v24 =	vld [tilespmem:s20+$0xFFFFFFE0]  }
0x33e: {  	v9 =	vsub.f32 v9, v26;
	v26 =	vsub.f32 v7, v6;
	v31 =	vld [tilespmem:s21+$0x50]  }
0x33f: {  	[tilespmem:$0x1FA10] =	vst v4;
	v4 =	vsub.f32 v27, v8;
	v27 =	vsub.f32 v7, v5;
	v7 =	vld [tilespmem:s20+$0x90]  }
0x340: {  	(xrf2) =	vadd.scan.msk.f32 $0xffff, v54;
	v54 =	vld [tilespmem:s20+$0x30]  }
0x341: {  	[tilespmem:$0x1FA80] =	vst v42;
	v42 =	vsub.f32 v47, v48;
	v48 =	vld [tilespmem:s15+$0x0]  }
0x342: {  	v43 =	vsub.f32 v41, v43;
	v3 =	vadd.f32 v3, v11;
	v11 =	vld [tilespmem:s15+$0x50];
	v1 =	vmul.f32 v55, v55  }
0x343: {  	v41 =	vsub.f32 v44, v46;
	v46 =	vsub.f32 v50, v51;
	v51 =	vld [tilespmem:s20+$0x0]  }
0x344: {  	[tilespmem:$0x1FA30] =	vst v4;
	v4 =	vld [tilespmem:s20+$0xFFFFFFA0];
	v12 =	vsub.f32 v19, v12;
	v1 =	vsub.f32 v2, v1  }
0x345: {  	v55 =	vld [tilespmem:s21+$0x30];
	v16 =	vsub.f32 v19, v16;
	v24 =	vsub.f32 v23, v24  }
0x346: {  	v19 =	vld [tilespmem:s21+$0x80];
	v23 =	vsub.f32 v23, v28;
	v56 =	vadd.f32 v1, v3  }
0x347: {  	v28 =	vld [tilespmem:s15+$0x90];
	v5 =	vsub.f32 v11, v30;
	v6 =	vsub.f32 v11, v31  }
0x348: {  	v30 =	vsub.f32 v32, v33;
	v31 =	vsub.f32 v32, v34;
	v32 =	vld [tilespmem:s15+$0xFFFFFF30]  }
0x349: {  	v33 =	vsub.f32 v35, v36;
	v34 =	vsub.f32 v35, v37;
	v35 =	vld [tilespmem:s20+$0xFFFFFF30]  }
0x34a: {  	v36 =	vsub.f32 v38, v39;
	v37 =	vsub.f32 v38, v40;
	v38 =	vld [tilespmem:s21+$0xFFFFFF30]  }
0x34b: {  	v39 =	vld [tilespmem:s15+$0xFFFFFFA0]  }
0x34c: {  	v40 =	vsub.f32 v44, v45;
	v45 =	vld [tilespmem:s21+$0xFFFFFFA0];
	(xrf2) =	vadd.scan.msk.f32 $0xffff, v56  }
0x34d: {  	v11 =	vmul.f32 v15, v15;
	v15 =	vld [tilespmem:s21+$0xFFFFFF20]  }
0x34e: {  	v57, _, _ =	vpop (xrf2);
	v56 =	vld [tilespmem:s15+$0xA0]  }
0x34f: {  	v1 =	vadd.f32 $2.000000030e-01, v57;
	v57 =	vld [tilespmem:s20+$0xA0]  }
0x350: {  	[tilespmem:$0x1FA70] =	vst v6;
	v6 =	vsub.f32 v22, v19;
	v19 =	vmul.f32 v12, v12;
	v12 =	vld [tilespmem:s20+$0xFFFFFF80]  }
0x351: {  	v14 =	vsub.f32 v13, v14;
	[tilespmem:$0x1F970] =	vst v11;
	v11 =	vmul.f32 v23, v23;
	v23 =	vld [tilespmem:s15+$0xFFFFFF90];
	v58, _, _ =	vpop (xrf2)  }
0x352: {  	[tilespmem:$0x1FA90] =	vst v43;
	v43 =	vsub.f32 v47, v49;
	v59, _, _ =	vpop (xrf2);
	v2 =	vadd.f32 $2.000000030e-01, v58;
	v58 =	vld [tilespmem:s21+$0xA0]  }
0x353: {  	v47 =	vsub.f32 v50, v52;
	[tilespmem:$0x1F960] =	vst v6;
	v6 =	vmul.f32 v33, v33;
	v33 =	vld [tilespmem:s20+$0xFFFFFF90];
	v3 =	vadd.f32 $2.000000030e-01, v59  }
0x354: {  	v49 =	vsub.f32 v53, v54;
	v59 =	vld [tilespmem:s15+$0xFFFFFF40];
	v4 =	vsub.f32 v39, v4  }
0x355: {  	v45 =	vsub.f32 v39, v45;
	v39 =	vld [tilespmem:s15+$0xFFFFFF00];
	v3 =	vmax.f32 v3, $0.0e+00;
	v52 =	vsub.f32 v56, v57  }
0x356: {  	v57 =	vsub.f32 v28, v7;
	v7 =	vmul.f32 v14, v14;
	v14 =	vld [tilespmem:s20+$0xFFFFFF20];
	v3 =	vsel vm0, $0x0, v3;
	v60, _, _ =	vpop (xrf2)  }
0x357: {  	v2 =	vmax.f32 v2, $0.0e+00;
	v0 =	vadd.f32 v3, v61;
	v61 =	vld [tilespmem:s21+$0xFFFFFF40];
	v62 =	vadd.f32 $2.000000030e-01, v60  }
0x358: {  	v50 =	vsub.f32 v53, v55;
	v2 =	vsel vm0, $0x0, v2;
	v53 =	vsub.f32 v56, v58;
	v56 =	vld [tilespmem:s21+$0x0]  }
0x359: {  	v58 =	vld [tilespmem:s15+$0x10];
	v0 =	vadd.f32 v2, v0;
	v63 =	vmax.f32 v62, $0.0e+00  }
0x35a: {  	v27 =	vmul.f32 v27, v27;
	v16 =	vmul.f32 v16, v16;
	v60 =	vld [tilespmem:s20+$0xFFFFFF40];
	v2 =	vsel vm0, $0x0, v63  }
0x35b: {  	v51 =	vsub.f32 v48, v51;
	v1 =	vmax.f32 v1, $0.0e+00;
	v62 =	vld [tilespmem:s15+$0xFFFFFFB0];
	v0 =	vadd.f32 v2, v0  }
0x35c: {  	v24 =	vmul.f32 v24, v24;
	v49 =	vmul.f32 v49, v49;
	v1 =	vsel vm0, $0x0, v1;
	v63 =	vld [tilespmem:s20+$0xFFFFFFB0]  }
0x35d: {  	v30 =	vmul.f32 v30, v30;
	v0 =	vadd.f32 v1, v0;
	v1 =	vsub.f32 v13, v17;
	v17 =	vld [tilespmem:s15+$0x20]  }
0x35e: {  	v31 =	vmul.f32 v31, v31;
	v34 =	vmul.f32 v34, v34;
	v56 =	vsub.f32 v48, v56;
	v48 =	vld [tilespmem:s20+$0xFFFFFF10]  }
0x35f: {  	[tilespmem:$0x1F980] =	vst v7;
	v7 =	vmul.f32 v36, v36;
	v55 =	vsub.f32 v59, v61;
	v54 =	vsub.f32 v59, v60;
	v59 =	vld [tilespmem:s20+$0x10]  }
0x360: {  	v3 =	vmul.f32 v43, v43;
	v52 =	vmul.f32 v52, v52;
	[tilespmem:$0x1F9B0] =	vst v0;
	v0 =	vld [tilespmem:s21+$0xFFFFFFB0]  }
0x361: {  	[tilespmem:$0x1FA60] =	vst v5;
	v5 =	vsub.f32 v62, v63;
	v63 =	vsub.f32 v22, v25;
	v25 =	vmul.f32 v26, v26;
	v26 =	vld [tilespmem:s21+$0xFFFFFF80]  }
0x362: {  	v43 =	vmul.f32 v57, v57;
	v53 =	vmul.f32 v53, v53;
	v60 =	vsub.f32 v17, v18;
	v18 =	vld [tilespmem:s15+$0xFFFFFF20]  }
0x363: {  	v22 =	vsub.f32 v28, v29;
	v29 =	vmul.f32 v10, v10;
	v10 =	vmul.f32 v42, v42;
	v42 =	vld [tilespmem:s15+$0xFFFFFF10]  }
0x364: {  	v24 =	vsub.f32 v24, v11;
	v8 =	vmul.f32 v1, v1;
	v1 =	vmul.f32 v50, v50;
	v50 =	vld [tilespmem:s21+$0xFFFFFF10]  }
0x365: {  	v61 =	vmul.f32 v47, v47;
	v36 =	vmul.f32 v55, v55;
	v21 =	vsub.f32 v17, v21;
	v17 =	vld [tilespmem:s21+$0x10]  }
0x366: {  	[tilespmem:$0x1F940] =	vst v5;
	v0 =	vsub.f32 v62, v0;
	v62 =	vsub.f32 v32, v35;
	v35 =	vmul.f32 v20, v20;
	v20 =	vld [tilespmem:s15+$0xFFFFFF80]  }
0x367: {  	v28 =	vmul.f32 v9, v9;
	v9 =	vsub.f32 v18, v14;
	v2 =	vsub.f32 v18, v15;
	v18 =	vld [tilespmem:$0x1F940]  }
0x368: {  	v13 =	vsub.f32 v58, v59;
	v59 =	vmul.f32 v41, v41;
	v41 =	vld [tilespmem:s21+$0xFFFFFF00];
	v27 =	vsub.f32 v25, v27  }
0x369: {  	[tilespmem:$0x1F990] =	vst v8;
	v8 =	vmul.f32 v37, v37;
	v25 =	vsub.f32 v30, v31;
	v32 =	vsub.f32 v32, v38;
	v38 =	vld [tilespmem:s21+$0xFFFFFF90]  }
0x36a: {  	v30 =	vsub.f32 v49, v1;
	v5 =	vsub.f32 v58, v17;
	v58 =	vmul.f32 v40, v40;
	v40 =	vld [tilespmem:s20+$0xFFFFFF00]  }
0x36b: {  	v49 =	vsub.f32 v52, v53;
	[tilespmem:$0x1F950] =	vst v0;
	v0 =	vsub.f32 v20, v26;
	v26 =	vmul.f32 v60, v60;
	v60 =	vld [tilespmem:$0x1F970]  }
0x36c: {  	v31 =	vsub.f32 v7, v8;
	[tilespmem:$0x1F9A0] =	vst v35;
	v35 =	vmul.f32 v54, v54;
	v37 =	vmul.f32 v18, v18;
	v18 =	vld [tilespmem:$0x1F950]  }
0x36d: {  	v44 =	vmul.f32 v62, v62;
	v14 =	vsub.f32 v23, v33;
	v33 =	vmul.f32 v21, v21;
	v21 =	vld [tilespmem:$0x1F960]  }
0x36e: {  	v47 =	vmul.f32 v32, v32;
	v15 =	vmul.f32 v46, v46;
	v12 =	vsub.f32 v20, v12  }
0x36f: {  	v62 =	vld [tilespmem:$0x1F980];
	v46 =	vmul.f32 v22, v22;
	v22 =	vsub.f32 v42, v50;
	v17 =	vsub.f32 v23, v38  }
0x370: {  	s22 =	sadd.s32 $0x4, s22;
	v20 =	vsub.f32 v39, v41;
	v50 =	vmul.f32 v12, v12;
	v23 =	vsub.f32 v60, v29;
	v29 =	vld [tilespmem:$0x1F990]  }
0x371: {  	p1 =	slt.u32 s22, $0x3C;
	v38 =	vmul.f32 v18, v18;
	v18 =	vsub.f32 v39, v40;
	v39 =	vmul.f32 v63, v63;
	v63 =	vld [tilespmem:$0x1F9A0]  }
.Ltmp2:
0x372: {  	v41 =	vmul.f32 v21, v21;
	v21 =	vsub.f32 v42, v48;
	v42 =	vmul.f32 v4, v4;
	(pc) =	sbr.rel @p1 .LBB2_7-.Ltmp2, $4  }
0x373: {  	v32 =	vsub.f32 v58, v59;
	v48 =	vmul.f32 v45, v45;
	v45 =	vmul.f32 v56, v56  }
0x374: {  	v53 =	vmovc v13;
	v60 =	vsub.f32 v19, v16;
	v16 =	vsub.f32 v6, v34;
	v34 =	vmul.f32 v9, v9  }
0x375: {  	v52 =	vmovc v5;
	v40 =	vmul.f32 v51, v51;
	v62 =	vsub.f32 v62, v29;
	v29 =	vsub.f32 v15, v61  }
0x376: {  	s15 =	sadd.s32 $0x200, s15;
	v51 =	vmul.f32 v0, v0;
	v15 =	vmovc v2;
	v55 =	vsub.f32 v63, v28;
	v28 =	vsub.f32 v10, v3  }
0x377: {  	v0 =	vsub.f32 v35, v36  }
0x378: {  	v1 =	vmul.f32 v14, v14;
	v2 =	vsub.f32 v37, v38;
	v3 =	vmul.f32 v17, v17  }
0x379: {  	v4 =	vsub.f32 v39, v41;
	v5 =	vsub.f32 v43, v46;
	v6 =	vmul.f32 v18, v18  }
0x37a: {  	v7 =	vsub.f32 v44, v47;
	v8 =	vsub.f32 v26, v33;
	v9 =	vmul.f32 v20, v20  }
0x37b: {  	v10 =	vsub.f32 v42, v48;
	v43 =	vmul.f32 v21, v21;
	v13 =	vsub.f32 v40, v45  }
0x37c: {  	v44 =	vmul.f32 v22, v22;
	v12 =	vsub.f32 v50, v51;
	v4 =	vadd.f32 v5, v4  }
0x37d: {  	v45 =	vmul.f32 v15, v15;
	v1 =	vsub.f32 v1, v3;
	v6 =	vsub.f32 v6, v9  }
0x37e: {  	v46 =	vmul.f32 v53, v53;
	v50 =	vld [tilespmem:$0x1FA90];
	v3 =	vsub.f32 v43, v44;
	v4 =	vadd.f32 v49, v4  }
0x37f: {  	v47 =	vmul.f32 v52, v52;
	v9 =	vsub.f32 v34, v45;
	v1 =	vadd.f32 v1, v12;
	v49 =	vld [tilespmem:$0x1FA80]  }
0x380: {  	v53 =	vld [tilespmem:$0x1FA10];
	v3 =	vadd.f32 v3, v6;
	v4 =	vadd.f32 v32, v4  }
0x381: {  	v51 =	vld [tilespmem:$0x1FA60];
	v48 =	vsub.f32 v46, v47;
	v1 =	vadd.f32 v10, v1  }
0x382: {  	v52 =	vld [tilespmem:$0x1FA70];
	v3 =	vadd.f32 v9, v3;
	v4 =	vadd.f32 v25, v4  }
0x383: {  	v54 =	vld [tilespmem:$0x1FA30];
	v6 =	vmul.f32 v50, v50;
	v1 =	vadd.f32 v2, v1;
	v2 =	vadd.f32 v48, v13  }
0x384: {  	v3 =	vadd.f32 v7, v3;
	v5 =	vmul.f32 v49, v49;
	v4 =	vadd.f32 v27, v4  }
0x385: {  	v57 =	vld [tilespmem:$0x1F9C0];
	v7 =	vmul.f32 v53, v53;
	v1 =	vadd.f32 v29, v1;
	v2 =	vadd.f32 v8, v2  }
0x386: {  	v58 =	vld [tilespmem:$0x1F9E0];
	v0 =	vadd.f32 v0, v3;
	v3 =	vmul.f32 v51, v51;
	v5 =	vsub.f32 v5, v6  }
0x387: {  	v6 =	vmul.f32 v52, v52;
	v4 =	vadd.f32 v23, v4;
	v2 =	vadd.f32 v30, v2  }
0x388: {  	v8 =	vmul.f32 v54, v54;
	v1 =	vadd.f32 v31, v1;
	v0 =	vadd.f32 v28, v0  }
0x389: {  	v3 =	vsub.f32 v3, v6;
	v2 =	vadd.f32 v5, v2  }
0x38a: {  	v56 =	vsub.f32 v7, v8;
	v6 =	vmul.f32 v57, v57;
	v1 =	vadd.f32 v24, v1  }
0x38b: {  	v4 =	vadd.f32 v62, v4;
	v2 =	vadd.f32 v3, v2;
	v3 =	vmul.f32 v58, v58  }
0x38c: {  	v0 =	vadd.f32 v16, v0;
	v1 =	vadd.f32 v55, v1  }
0x38d: {  	v2 =	vadd.f32 v56, v2;
	v3 =	vsub.f32 v6, v3  }
0x38e: {  	(xrf2) =	vadd.scan.msk.f32 $0xffff, v4;
	v0 =	vadd.f32 v60, v0  }
0x38f: {  	(xrf2) =	vadd.scan.msk.f32 $0xffff, v1;
	v59 =	vadd.f32 v3, v2  }
0x390: {  	(xrf2) =	vadd.scan.msk.f32 $0xffff, v0  }
0x391: {  	(xrf2) =	vadd.scan.msk.f32 $0xffff, v59;
	_ =	sdelay $0x4  }
0x392: {  	s15 =	sadd.s32 @!p0 $0x140, s19;
	s20 =	simm.s32 @!p0 $0x40;
	s21 =	simm.s32 @!p0 $0xC000  }
0x393: {  	[tilespmem:s21], [sflag:$0x3] =	stream.indirect.gather @!p0 [hbm4b:s3+s20], $0x80, s15, s20, $0xb8;
	[tilespmem:$0x1E080] =	vst v63  }
0x394: {  	s15 =	sadd.s32 @!p0 $0x2140, s19;
	s21 =	simm.s32 @!p0 $0xE000;
	v0, _, _ =	vpop (xrf2)  }
0x395: {  	[tilespmem:s21], [sflag:$0x3] =	stream.indirect.gather @!p0 [hbm4b:s4+s20], $0x80, s15, s20, $0xb8;
	v60, _, _ =	vpop (xrf2);
	[tilespmem:$0x1E080] =	vst v63  }
0x396: {  	s15 =	sadd.s32 @!p0 $0x4140, s19;
	s19 =	simm.s32 @!p0 $0x10000;
	v61, _, _ =	vpop (xrf2)  }
0x397: {  	[tilespmem:s19], [sflag:$0x3] =	stream.indirect.gather @!p0 [hbm4b:s5+s20], $0x80, s15, s20, $0xb8;
	v3, _, _ =	vpop (xrf2);
	[tilespmem:$0x1E080] =	vst v63  }
0x398: {  	_ =	swait.ge [sflag:s2], $0x2000  }
0x399: {  	[sflag:s2] =	ssyncset.done $0x0  }
0x39a: {  	[sflag:s2] =	ssyncadd.s32 $0xFFFFE000  }
0x39b: {  	_ =	swait.ge [sflag:s2], $0x2000  }
0x39c: {  	[sflag:s2] =	ssyncset.done $0x0  }
0x39d: {  	[sflag:s2] =	ssyncadd.s32 $0xFFFFE000  }
0x39e: {  	_ =	swait.ge [sflag:s2], $0x2000  }
0x39f: {  	[sflag:s2] =	ssyncset.done $0x0  }
0x3a0: {  	s22 =	simm.s32 $0x18100;
	[sflag:s2] =	ssyncadd.s32 $0xFFFFE000  }
0x3a1: {  	s19 =	simm.s32 $0x1A100;
	v5 =	vld [tilespmem:s22+$0xF0]  }
0x3a2: {  	s20 =	simm.s32 $0x1C100;
	v9 =	vld [tilespmem:s19+$0xF0]  }
0x3a3: {  	v14 =	vld [tilespmem:s20+$0xF0]  }
0x3a4: {  	v62 =	vld [tilespmem:s20+$0xE0]  }
0x3a5: {  	v7 =	vld [tilespmem:s22+$0x70]  }
0x3a6: {  	v8 =	vld [tilespmem:s19+$0x70]  }
0x3a7: {  	v36 =	vld [tilespmem:s20+$0x70]  }
0x3a8: {  	v4 =	vld [tilespmem:s22+$0xE0]  }
0x3a9: {  	v6 =	vld [tilespmem:s19+$0xE0];
	[tilespmem:$0x1F7C0] =	vst v62  }
0x3aa: {  	v10 =	vld [tilespmem:s20+$0xFFFFFFF0];
	_ =	sdelay $0x3  }
0x3ab: {  	v13 =	vld [tilespmem:s22+$0xFFFFFFF0]  }
0x3ac: {  	v12 =	vld [tilespmem:s19+$0xFFFFFFF0];
	[tilespmem:$0x1F7D0] =	vst v10  }
0x3ad: {  	v10 =	vld [tilespmem:s20+$0x60];
	_ =	sdelay $0x3  }
0x3ae: {  	v16 =	vld [tilespmem:s22+$0x60]  }
0x3af: {  	v21 =	vld [tilespmem:s19+$0x60];
	[tilespmem:$0x1F7F0] =	vst v10  }
0x3b0: {  	v10 =	vld [tilespmem:s20+$0xD0];
	_ =	sdelay $0x3  }
0x3b1: {  	v19 =	vld [tilespmem:s22+$0xD0]  }
0x3b2: {  	v20 =	vld [tilespmem:s19+$0xD0];
	[tilespmem:$0x1F810] =	vst v10  }
0x3b3: {  	v10 =	vld [tilespmem:s20+$0xFFFFFF70];
	_ =	sdelay $0x2  }
0x3b4: {  	v63 =	vld [tilespmem:$0x1F9B0]  }
0x3b5: {  	v22 =	vld [tilespmem:s22+$0xFFFFFF70]  }
0x3b6: {  	v24 =	vld [tilespmem:s19+$0xFFFFFF70];
	[tilespmem:$0x1F820] =	vst v10  }
0x3b7: {  	v25 =	vld [tilespmem:s22+$0xFFFFFFE0]  }
0x3b8: {  	v26 =	vld [tilespmem:s19+$0xFFFFFFE0]  }
0x3b9: {  	v27 =	vld [tilespmem:s20+$0xFFFFFFE0]  }
0x3ba: {  	v28 =	vld [tilespmem:s22+$0x50]  }
0x3bb: {  	v29 =	vld [tilespmem:s19+$0x50]  }
0x3bc: {  	v30 =	vld [tilespmem:s20+$0x50]  }
0x3bd: {  	v10 =	vld [tilespmem:s20+$0xFFFFFF60]  }
0x3be: {  	v31 =	vld [tilespmem:s22+$0xC0]  }
0x3bf: {  	v32 =	vld [tilespmem:s19+$0xC0]  }
0x3c0: {  	v33 =	vld [tilespmem:s20+$0xC0]  }
0x3c1: {  	v34 =	vld [tilespmem:s22+$0xFFFFFF60]  }
0x3c2: {  	v35 =	vld [tilespmem:s19+$0xFFFFFF60];
	[tilespmem:$0x1F850] =	vst v10  }
0x3c3: {  	v37 =	vld [tilespmem:s22+$0xFFFFFFD0]  }
0x3c4: {  	v38 =	vld [tilespmem:s19+$0xFFFFFFD0]  }
0x3c5: {  	v39 =	vld [tilespmem:s20+$0xFFFFFFD0]  }
0x3c6: {  	v40 =	vld [tilespmem:s22+$0x40]  }
0x3c7: {  	v41 =	vld [tilespmem:s19+$0x40]  }
0x3c8: {  	v42 =	vld [tilespmem:s20+$0x40]  }
0x3c9: {  	v43 =	vld [tilespmem:s22+$0xB0]  }
0x3ca: {  	v44 =	vld [tilespmem:s19+$0xB0]  }
0x3cb: {  	v45 =	vld [tilespmem:s20+$0xB0]  }
0x3cc: {  	v46 =	vld [tilespmem:s22+$0xFFFFFF50]  }
0x3cd: {  	v47 =	vld [tilespmem:s19+$0xFFFFFF50]  }
0x3ce: {  	v48 =	vld [tilespmem:s20+$0xFFFFFF50]  }
0x3cf: {  	v49 =	vld [tilespmem:s22+$0xFFFFFFC0]  }
0x3d0: {  	v50 =	vld [tilespmem:s19+$0xFFFFFFC0]  }
0x3d1: {  	v51 =	vld [tilespmem:s20+$0xFFFFFFC0]  }
0x3d2: {  	v52 =	vld [tilespmem:s22+$0x30]  }
0x3d3: {  	v53 =	vld [tilespmem:s19+$0x30]  }
0x3d4: {  	v54 =	vld [tilespmem:s20+$0x30]  }
0x3d5: {  	v55 =	vld [tilespmem:s22+$0xA0]  }
0x3d6: {  	v2 =	vadd.f32 $2.000000030e-01, v61;
	v56 =	vld [tilespmem:s19+$0xA0]  }
0x3d7: {  	v57 =	vld [tilespmem:s20+$0xA0]  }
0x3d8: {  	v1 =	vadd.f32 $2.000000030e-01, v60;
	v2 =	vmax.f32 v2, $0.0e+00;
	v58 =	vld [tilespmem:s22+$0xFFFFFF40]  }
0x3d9: {  	v2 =	vsel vm0, $0x0, v2;
	v59 =	vld [tilespmem:s19+$0xFFFFFF40]  }
0x3da: {  	v1 =	vmax.f32 v1, $0.0e+00;
	v3 =	vadd.f32 $2.000000030e-01, v3;
	v2 =	vadd.f32 v2, v63;
	v60 =	vld [tilespmem:s20+$0xFFFFFF40]  }
0x3db: {  	v1 =	vsel vm0, $0x0, v1;
	v61 =	vld [tilespmem:s22+$0xFFFFFFB0]  }
0x3dc: {  	v0 =	vadd.f32 $2.000000030e-01, v0;
	v1 =	vadd.f32 v1, v2;
	v2 =	vmax.f32 v3, $0.0e+00;
	v62 =	vld [tilespmem:s19+$0xFFFFFFB0]  }
0x3dd: {  	v2 =	vsel vm0, $0x0, v2;
	v63 =	vld [tilespmem:s20+$0xFFFFFFB0]  }
0x3de: {  	v0 =	vmax.f32 v0, $0.0e+00;
	v1 =	vadd.f32 v2, v1;
	v11 =	vld [tilespmem:s22+$0x20]  }
0x3df: {  	v0 =	vsel vm0, $0x0, v0;
	v9 =	vsub.f32 v5, v9;
	v23 =	vld [tilespmem:s19+$0x20]  }
0x3e0: {  	v0 =	vadd.f32 v0, v1;
	v18 =	vld [tilespmem:s20+$0x20]  }
0x3e1: {  	v10 =	vld [tilespmem:s22+$0x80];
	[tilespmem:$0x1F880] =	vst v9;
	v9 =	vsub.f32 v7, v8  }
0x3e2: {  	v36 =	vsub.f32 v7, v36;
	[tilespmem:$0x1F790] =	vst v0;
	v7 =	vld [tilespmem:$0x1F7C0]  }
0x3e3: {  	v17 =	vld [tilespmem:s19+$0x80];
	[tilespmem:$0x1F7A0] =	vst v9  }
0x3e4: {  	v15 =	vld [tilespmem:s20+$0x80]  }
0x3e5: {  	v6 =	vsub.f32 v4, v6;
	[tilespmem:$0x1F7B0] =	vst v36;
	v36 =	vld [tilespmem:$0x1F7D0];
	_ =	sdelay $0x1  }
0x3e6: {  	v8 =	vsub.f32 v13, v12;
	[tilespmem:$0x1F890] =	vst v6;
	v0 =	vsub.f32 v4, v7;
	v7 =	vld [tilespmem:$0x1F7F0]  }
0x3e7: {  	v9 =	vld [tilespmem:s22+$0x90]  }
0x3e8: {  	[tilespmem:$0x1F8B0] =	vst v8;
	v8 =	vld [tilespmem:$0x1F810]  }
0x3e9: {  	v6 =	vsub.f32 v13, v36;
	v36 =	vld [tilespmem:$0x1F820]  }
0x3ea: {  	v5 =	vsub.f32 v5, v14;
	v4 =	vsub.f32 v16, v21  }
0x3eb: {  	v2 =	vsub.f32 v58, v60;
	v60 =	vld [tilespmem:$0x1F8B0];
	[tilespmem:$0x1F8A0] =	vst v0;
	v0 =	vsub.f32 v16, v7  }
0x3ec: {  	v26 =	vsub.f32 v25, v26;
	v33 =	vsub.f32 v31, v33;
	v14 =	vld [tilespmem:s19+$0x90];
	[tilespmem:$0x1F7E0] =	vst v4  }
0x3ed: {  	v4 =	vsub.f32 v28, v29;
	v21 =	vld [tilespmem:s20+$0x90];
	[tilespmem:$0x1F800] =	vst v0;
	v0 =	vsub.f32 v19, v8  }
0x3ee: {  	v16 =	vsub.f32 v19, v20;
	v20 =	vld [tilespmem:s22+$0xFFFFFF30];
	v8 =	vsub.f32 v22, v36  }
0x3ef: {  	v36 =	vsub.f32 v31, v32;
	v31 =	vsub.f32 v34, v35;
	v35 =	vld [tilespmem:$0x1F850];
	[tilespmem:$0x1F8C0] =	vst v0  }
0x3f0: {  	v25 =	vsub.f32 v25, v27;
	v7 =	vsub.f32 v28, v30;
	v13 =	vld [tilespmem:s19+$0xFFFFFF30]  }
0x3f1: {  	v39 =	vsub.f32 v37, v39;
	v41 =	vsub.f32 v40, v41;
	v12 =	vld [tilespmem:s20+$0xFFFFFF30];
	[tilespmem:$0x1F830] =	vst v4  }
0x3f2: {  	v42 =	vsub.f32 v40, v42;
	v28 =	vsub.f32 v46, v47;
	v27 =	vld [tilespmem:s22+$0xFFFFFFA0];
	[tilespmem:$0x1F840] =	vst v7  }
0x3f3: {  	v30 =	vsub.f32 v46, v48;
	v46 =	vsub.f32 v49, v51;
	v29 =	vld [tilespmem:s19+$0xFFFFFFA0];
	[tilespmem:$0x1F8D0] =	vst v33  }
0x3f4: {  	v47 =	vsub.f32 v52, v53;
	v32 =	vld [tilespmem:s20+$0xFFFFFFA0];
	v33 =	vsub.f32 v34, v35  }
0x3f5: {  	v35 =	vld [tilespmem:s22+$0x0];
	[tilespmem:$0x1F8E0] =	vst v39;
	v34 =	vsub.f32 v49, v50;
	v49 =	vsub.f32 v52, v54  }
0x3f6: {  	[tilespmem:$0x1F860] =	vst v41;
	v50 =	vsub.f32 v55, v56;
	v52 =	vsub.f32 v55, v57;
	v55 =	vld [tilespmem:$0x1F890]  }
0x3f7: {  	v24 =	vsub.f32 v22, v24;
	v22 =	vsub.f32 v37, v38;
	v37 =	vld [tilespmem:s19+$0x0];
	[tilespmem:$0x1F870] =	vst v42  }
0x3f8: {  	v39 =	vld [tilespmem:s20+$0x0]  }
0x3f9: {  	v42 =	vld [tilespmem:s22+$0x10]  }
0x3fa: {  	v40 =	vsub.f32 v43, v45;
	v45 =	vld [tilespmem:s19+$0x10]  }
0x3fb: {  	v48 =	vld [tilespmem:s20+$0x10]  }
0x3fc: {  	v1 =	vsub.f32 v58, v59;
	v51 =	vld [tilespmem:s22+$0xFFFFFF20]  }
0x3fd: {  	v24 =	vmul.f32 v24, v24;
	v58 =	vsub.f32 v61, v63;
	v59 =	vsub.f32 v11, v23;
	v54 =	vld [tilespmem:s19+$0xFFFFFF20]  }
0x3fe: {  	v26 =	vmul.f32 v26, v26;
	v3 =	vsub.f32 v11, v18;
	v38 =	vsub.f32 v43, v44;
	v57 =	vld [tilespmem:s20+$0xFFFFFF20]  }
0x3ff: {  	v25 =	vmul.f32 v25, v25;
	v63 =	vsub.f32 v9, v14;
	v0 =	vsub.f32 v10, v17;
	v23 =	vld [tilespmem:s22+$0xFFFFFF80]  }
0x400: {  	v19 =	vmul.f32 v5, v5;
	v56 =	vsub.f32 v61, v62;
	v11 =	vld [tilespmem:s19+$0xFFFFFF80];
	v61 =	vsub.f32 v20, v12  }
0x401: {  	v31 =	vmul.f32 v31, v31;
	v7 =	vmul.f32 v40, v40;
	v14 =	vld [tilespmem:s20+$0xFFFFFF80];
	v62 =	vsub.f32 v27, v29  }
0x402: {  	v4 =	vsub.f32 v10, v15;
	v17 =	vld [tilespmem:s22+$0xFFFFFF90];
	v33 =	vmul.f32 v33, v33;
	v34 =	vmul.f32 v34, v34;
	[tilespmem:$0x1F8F0] =	vst v61  }
0x403: {  	v49 =	vmul.f32 v49, v49;
	v41 =	vsub.f32 v27, v32;
	v32 =	vmul.f32 v55, v55;
	v55 =	vld [tilespmem:$0x1F8C0];
	[tilespmem:$0x1F900] =	vst v62  }
0x404: {  	v10 =	vsub.f32 v20, v13;
	v50 =	vmul.f32 v50, v50;
	v52 =	vmul.f32 v52, v52;
	v12 =	vld [tilespmem:s19+$0xFFFFFF90]  }
0x405: {  	v29 =	vmul.f32 v38, v38;
	v43 =	vsub.f32 v35, v37;
	v53 =	vsub.f32 v42, v48;
	v48 =	vld [tilespmem:$0x1F880]  }
0x406: {  	v38 =	vmul.f32 v58, v58;
	[tilespmem:$0x1F910] =	vst v41;
	v44 =	vsub.f32 v35, v39;
	v15 =	vsub.f32 v51, v57;
	v57 =	vld [tilespmem:$0x1F8A0]  }
0x407: {  	v27 =	vmul.f32 v16, v16;
	v61 =	vsub.f32 v42, v45;
	v39 =	vmul.f32 v60, v60;
	v60 =	vld [tilespmem:$0x1F8D0];
	[tilespmem:$0x1F920] =	vst v43  }
0x408: {  	v54 =	vsub.f32 v51, v54;
	v42 =	vmul.f32 v6, v6;
	v41 =	vmul.f32 v22, v22;
	v18 =	vld [tilespmem:s20+$0xFFFFFF90];
	[tilespmem:$0x1F930] =	vst v44  }
0x409: {  	v51 =	vsub.f32 v23, v11;
	v11 =	vmul.f32 v47, v47;
	v43 =	vmul.f32 v36, v36;
	v20 =	vld [tilespmem:s22+$0xFFFFFF00]  }
0x40a: {  	v9 =	vsub.f32 v9, v21;
	v36 =	vmul.f32 v2, v2;
	v21 =	vld [tilespmem:s19+$0xFFFFFF00];
	v45 =	vmul.f32 v48, v48  }
0x40b: {  	v35 =	vld [tilespmem:s20+$0xFFFFFF00];
	v37 =	vmul.f32 v57, v57;
	v57 =	vsub.f32 v23, v14;
	v48 =	vmul.f32 v55, v55  }
0x40c: {  	v62 =	vld [tilespmem:s22+$0xFFFFFF10];
	v44 =	vmul.f32 v60, v60;
	v55 =	vsub.f32 v39, v42;
	v39 =	vmul.f32 v0, v0  }
0x40d: {  	v23 =	vld [tilespmem:s19+$0xFFFFFF10];
	v16 =	vsub.f32 v17, v18;
	v18 =	vmul.f32 v8, v8;
	v8 =	vmul.f32 v28, v28  }
0x40e: {  	v14 =	vsub.f32 v17, v12;
	v12 =	vld [tilespmem:s20+$0xFFFFFF10];
	v28 =	vmul.f32 v30, v30;
	v30 =	vmul.f32 v46, v46  }
0x40f: {  	v27 =	vsub.f32 v27, v48;
	v46 =	vmul.f32 v9, v9;
	v17 =	vsub.f32 v20, v21  }
0x410: {  	v58 =	vld [tilespmem:$0x1F910];
	v20 =	vsub.f32 v20, v35;
	v35 =	vmul.f32 v1, v1;
	v60 =	vsub.f32 v24, v18  }
0x411: {  	v48 =	vld [tilespmem:$0x1F8F0];
	v24 =	vsub.f32 v26, v25;
	v18 =	vsub.f32 v31, v33;
	v26 =	vmul.f32 v59, v59  }
0x412: {  	v25 =	vsub.f32 v43, v44;
	v33 =	vmul.f32 v3, v3;
	v59 =	vld [tilespmem:$0x1F920];
	v21 =	vsub.f32 v62, v23  }
0x413: {  	v43 =	vmul.f32 v63, v63;
	v22 =	vsub.f32 v62, v12;
	v62 =	vld [tilespmem:$0x1F8E0];
	v23 =	vsub.f32 v32, v37  }
0x414: {  	v37 =	vmul.f32 v56, v56;
	v32 =	vsub.f32 v29, v7;
	v29 =	vsub.f32 v8, v28;
	v56 =	vld [tilespmem:$0x1F900]  }
0x415: {  	v44 =	vmul.f32 v10, v10;
	v63 =	vld [tilespmem:$0x1F930];
	v28 =	vsub.f32 v34, v30;
	v30 =	vsub.f32 v11, v49  }
0x416: {  	v34 =	vmul.f32 v54, v54;
	v49 =	vsub.f32 v50, v52;
	v50 =	vmul.f32 v51, v51  }
0x417: {  	v51 =	vmul.f32 v57, v57;
	v47 =	vmul.f32 v48, v48  }
0x418: {  	v48 =	vmul.f32 v58, v58;
	v13 =	vmul.f32 v62, v62  }
0x419: {  	v40 =	vmul.f32 v59, v59;
	v62 =	vsub.f32 v45, v19;
	v42 =	vmul.f32 v56, v56  }
0x41a: {  	s21 =	simm.s32 $0x0;
	s15 =	simm.s32 $0x18300;
	v45 =	vmul.f32 v63, v63;
	v31 =	vsub.f32 v41, v13;
	v41 =	vmul.f32 v4, v4  }
.LBB2_9:
0x41b: {  	v13 =	vld [tilespmem:s15+$0xF0]  }
0x41c: {  	v2 =	vmul.f32 v17, v17;
	v17 =	vld [tilespmem:s15+$0x70]  }
0x41d: {  	v9 =	vld [tilespmem:s15+$0xFFFFFFF0]  }
0x41e: {  	v52 =	vld [tilespmem:$0x1F800]  }
0x41f: {  	s19 =	sadd.s32 $0x200, s19;
	v7 =	vmul.f32 v61, v61;
	v61 =	vld [tilespmem:$0x1F790]  }
0x420: {  	v63 =	vmul.f32 v14, v14;
	s20 =	sadd.s32 $0x200, s20;
	v14 =	vld [tilespmem:s19+$0xF0]  }
0x421: {  	v0 =	vmul.f32 v16, v16;
	v16 =	vld [tilespmem:s20+$0xF0]  }
0x422: {  	v33 =	vsub.f32 v26, v33;
	v26 =	vmul.f32 v20, v20;
	v20 =	vld [tilespmem:s19+$0x70]  }
0x423: {  	v3 =	vmul.f32 v21, v21;
	v21 =	vld [tilespmem:s20+$0x70]  }
0x424: {  	v5 =	vmul.f32 v22, v22;
	v22 =	vld [tilespmem:s15+$0xE0]  }
0x425: {  	v6 =	vmul.f32 v15, v15;
	v15 =	vld [tilespmem:s19+$0xE0]  }
0x426: {  	v10 =	vld [tilespmem:s20+$0xE0]  }
0x427: {  	v8 =	vld [tilespmem:s20+$0x60]  }
0x428: {  	v1 =	vsub.f32 v43, v46;
	v46 =	vld [tilespmem:$0x1F870]  }
0x429: {  	v42 =	vsub.f32 v42, v48;
	v48 =	vld [tilespmem:$0x1F830]  }
0x42a: {  	v4 =	vsub.f32 v50, v51;
	v50 =	vld [tilespmem:$0x1F840]  }
0x42b: {  	v51 =	vld [tilespmem:$0x1F7E0]  }
0x42c: {  	v37 =	vsub.f32 v37, v38;
	v12 =	vld [tilespmem:s19+$0xFFFFFF70]  }
0x42d: {  	v35 =	vsub.f32 v35, v36;
	v39 =	vsub.f32 v39, v41;
	v41 =	vld [tilespmem:s15+$0x40]  }
0x42e: {  	v36 =	vsub.f32 v63, v0;
	v26 =	vsub.f32 v2, v26;
	v0 =	vld [tilespmem:$0x1F860]  }
0x42f: {  	v34 =	vsub.f32 v34, v6;
	v6 =	vld [tilespmem:s19+$0xD0];
	v38 =	vsub.f32 v3, v5  }
0x430: {  	v5 =	vld [tilespmem:s20+$0xD0]  }
0x431: {  	v36 =	vadd.f32 v36, v4;
	v38 =	vadd.f32 v38, v26;
	v26 =	vld [tilespmem:s20+$0xFFFFFFF0]  }
0x432: {  	v3 =	vmul.f32 v52, v52;
	v52 =	vld [tilespmem:s20+$0xFFFFFFC0]  }
0x433: {  	v39 =	vadd.f32 v1, v39;
	v36 =	vadd.f32 v42, v36;
	v42 =	vmul.f32 v53, v53;
	v53 =	vld [tilespmem:$0x1F7A0]  }
0x434: {  	v44 =	vsub.f32 v44, v47;
	v47 =	vmul.f32 v46, v46;
	v46 =	vld [tilespmem:s20+$0xB0]  }
0x435: {  	v39 =	vadd.f32 v49, v39;
	v49 =	vmul.f32 v48, v48;
	v48 =	vld [tilespmem:s19+$0xFFFFFF50]  }
0x436: {  	v4 =	vmul.f32 v51, v51;
	v51 =	vld [tilespmem:s19+$0xFFFFFFC0]  }
0x437: {  	v15 =	vsub.f32 v22, v15;
	v10 =	vsub.f32 v22, v10;
	v22 =	vld [tilespmem:s15+$0x80]  }
0x438: {  	v34 =	vadd.f32 v34, v38;
	v38 =	vld [tilespmem:s15+$0xFFFFFFD0]  }
0x439: {  	v32 =	vadd.f32 v32, v39;
	v39 =	vld [tilespmem:s19+$0xFFFFFFD0]  }
0x43a: {  	v43 =	vsub.f32 v7, v42;
	v7 =	vld [tilespmem:s15+$0xD0]  }
0x43b: {  	v36 =	vadd.f32 v37, v36;
	v42 =	vld [tilespmem:s19+$0x40]  }
0x43c: {  	v40 =	vsub.f32 v40, v45;
	v32 =	vadd.f32 v25, v32;
	v25 =	vld [tilespmem:s19+$0xFFFFFFF0]  }
0x43d: {  	v3 =	vsub.f32 v4, v3;
	v36 =	vadd.f32 v28, v36;
	v28 =	vld [tilespmem:s19+$0x60]  }
0x43e: {  	v4 =	vsub.f32 v17, v20;
	v37 =	vadd.f32 v43, v40;
	v40 =	vld [tilespmem:s20+$0xFFFFFFD0]  }
0x43f: {  	v43 =	vld [tilespmem:s20+$0x40]  }
0x440: {  	[tilespmem:$0x1F7A0] =	vst v4;
	v4 =	vsub.f32 v17, v21;
	v17 =	vld [tilespmem:s19+$0x20]  }
0x441: {  	v34 =	vadd.f32 v44, v34;
	v21 =	vld [tilespmem:s20+$0x20]  }
0x442: {  	v32 =	vadd.f32 v27, v32;
	v27 =	vld [tilespmem:s15+$0x60]  }
0x443: {  	v34 =	vadd.f32 v35, v34;
	v35 =	vld [tilespmem:s15+$0xFFFFFF60]  }
0x444: {  	v2 =	vmul.f32 v53, v53;
	v53 =	vld [tilespmem:s15+$0x30]  }
0x445: {  	v45 =	vadd.f32 v33, v37;
	v33 =	vld [tilespmem:s19+$0xC0]  }
0x446: {  	v31 =	vadd.f32 v31, v36;
	v36 =	vld [tilespmem:s19+$0xFFFFFF60]  }
0x447: {  	v37 =	vld [tilespmem:s20+$0xFFFFFF60]  }
0x448: {  	v23 =	vadd.f32 v23, v32;
	v32 =	vld [tilespmem:s15+$0xC0]  }
0x449: {  	v29 =	vadd.f32 v29, v34;
	v34 =	vld [tilespmem:s20+$0xC0]  }
0x44a: {  	v30 =	vadd.f32 v30, v45;
	v45 =	vld [tilespmem:s19+$0xB0]  }
0x44b: {  	v44 =	vmul.f32 v0, v0;
	v20 =	vsub.f32 v9, v25;
	v25 =	vld [tilespmem:s19+$0x80]  }
0x44c: {  	v19 =	vadd.f32 v62, v23;
	v29 =	vadd.f32 v18, v29;
	v18 =	vld [tilespmem:s20+$0xFFFFFF70]  }
0x44d: {  	v23 =	vadd.f32 v24, v31;
	v24 =	vsub.f32 v44, v47;
	v44 =	vld [tilespmem:s15+$0xB0]  }
0x44e: {  	v47 =	vld [tilespmem:s15+$0xFFFFFF50]  }
0x44f: {  	v31 =	vmul.f32 v50, v50;
	v50 =	vld [tilespmem:s15+$0xFFFFFFC0]  }
0x450: {  	(xrf2) =	vadd.scan.msk.f32 $0xffff, v19;
	v19 =	vld [tilespmem:s15+$0xFFFFFF70]  }
0x451: {  	v23 =	vadd.f32 v55, v23;
	v55 =	vld [tilespmem:$0x1F7B0]  }
0x452: {  	v54 =	vadd.f32 v60, v29;
	v29 =	vld [tilespmem:s20+$0xFFFFFFE0]  }
0x453: {  	v24 =	vadd.f32 v24, v30;
	v30 =	vld [tilespmem:s19+$0x50]  }
0x454: {  	v31 =	vsub.f32 v49, v31;
	v49 =	vld [tilespmem:s20+$0xFFFFFF50]  }
0x455: {  	[tilespmem:$0x1F7B0] =	vst v4;
	v4 =	vsub.f32 v27, v28;
	v28 =	vld [tilespmem:s15+$0x90]  }
0x456: {  	(xrf2) =	vadd.scan.msk.f32 $0xffff, v23;
	v23 =	vld [tilespmem:s15+$0xFFFFFFE0]  }
0x457: {  	v42 =	vsub.f32 v41, v42;
	v11 =	vadd.f32 v31, v24;
	v24 =	vld [tilespmem:s19+$0xFFFFFFE0]  }
0x458: {  	v9 =	vsub.f32 v9, v26;
	v26 =	vsub.f32 v7, v6;
	v31 =	vld [tilespmem:s20+$0x50]  }
0x459: {  	[tilespmem:$0x1F7E0] =	vst v4;
	v4 =	vsub.f32 v27, v8;
	v27 =	vsub.f32 v7, v5;
	v7 =	vld [tilespmem:s19+$0x90]  }
0x45a: {  	(xrf2) =	vadd.scan.msk.f32 $0xffff, v54;
	v54 =	vld [tilespmem:s19+$0x30]  }
0x45b: {  	[tilespmem:$0x1F860] =	vst v42;
	v42 =	vsub.f32 v47, v48;
	v48 =	vld [tilespmem:s15+$0x0]  }
0x45c: {  	v43 =	vsub.f32 v41, v43;
	v3 =	vadd.f32 v3, v11;
	v11 =	vld [tilespmem:s15+$0x50];
	v1 =	vmul.f32 v55, v55  }
0x45d: {  	v41 =	vsub.f32 v44, v46;
	v46 =	vsub.f32 v50, v51;
	v51 =	vld [tilespmem:s19+$0x0]  }
0x45e: {  	[tilespmem:$0x1F800] =	vst v4;
	v4 =	vld [tilespmem:s19+$0xFFFFFFA0];
	v12 =	vsub.f32 v19, v12;
	v1 =	vsub.f32 v2, v1  }
0x45f: {  	v55 =	vld [tilespmem:s20+$0x30];
	v18 =	vsub.f32 v19, v18;
	v24 =	vsub.f32 v23, v24  }
0x460: {  	v19 =	vld [tilespmem:s20+$0x80];
	v23 =	vsub.f32 v23, v29;
	v56 =	vadd.f32 v1, v3  }
0x461: {  	v29 =	vld [tilespmem:s20+$0x90];
	v5 =	vsub.f32 v11, v30;
	v6 =	vsub.f32 v11, v31  }
0x462: {  	v30 =	vsub.f32 v32, v33;
	v31 =	vsub.f32 v32, v34;
	v32 =	vld [tilespmem:s15+$0xFFFFFF30]  }
0x463: {  	v33 =	vsub.f32 v35, v36;
	v34 =	vsub.f32 v35, v37;
	v35 =	vld [tilespmem:s19+$0xFFFFFF30]  }
0x464: {  	v36 =	vsub.f32 v38, v39;
	v37 =	vsub.f32 v38, v40;
	v38 =	vld [tilespmem:s20+$0xFFFFFF30]  }
0x465: {  	v39 =	vld [tilespmem:s15+$0xFFFFFFA0]  }
0x466: {  	v40 =	vsub.f32 v44, v45;
	v45 =	vld [tilespmem:s20+$0xFFFFFFA0];
	(xrf2) =	vadd.scan.msk.f32 $0xffff, v56  }
0x467: {  	v11 =	vmul.f32 v15, v15;
	v15 =	vld [tilespmem:s20+$0xFFFFFF20]  }
0x468: {  	v57, _, _ =	vpop (xrf2);
	v56 =	vld [tilespmem:s15+$0xA0]  }
0x469: {  	v1 =	vadd.f32 $2.000000030e-01, v57;
	v57 =	vld [tilespmem:s19+$0xA0];
	v58, _, _ =	vpop (xrf2)  }
0x46a: {  	[tilespmem:$0x1F840] =	vst v6;
	v6 =	vsub.f32 v22, v19;
	v2 =	vadd.f32 $2.000000030e-01, v58;
	v58 =	vld [tilespmem:s20+$0xA0]  }
0x46b: {  	v14 =	vsub.f32 v13, v14;
	[tilespmem:$0x1F870] =	vst v43;
	v43 =	vsub.f32 v47, v49;
	v19 =	vmul.f32 v12, v12;
	v12 =	vld [tilespmem:s19+$0xFFFFFF80]  }
0x46c: {  	v47 =	vsub.f32 v50, v52;
	v49 =	vsub.f32 v53, v54;
	v59, _, _ =	vpop (xrf2);
	[tilespmem:$0x1F740] =	vst v6;
	v6 =	vmul.f32 v33, v33;
	v33 =	vld [tilespmem:s19+$0xFFFFFF90]  }
0x46d: {  	v50 =	vsub.f32 v53, v55;
	v3 =	vadd.f32 $2.000000030e-01, v59;
	v59 =	vld [tilespmem:s15+$0xFFFFFF40]  }
0x46e: {  	v4 =	vsub.f32 v39, v4;
	v45 =	vsub.f32 v39, v45;
	v39 =	vld [tilespmem:s15+$0xFFFFFF00]  }
0x46f: {  	v3 =	vmax.f32 v3, $0.0e+00;
	v52 =	vsub.f32 v56, v57;
	v53 =	vsub.f32 v56, v58;
	v56 =	vld [tilespmem:s20+$0x0]  }
0x470: {  	v57 =	vsub.f32 v28, v7;
	v7 =	vmul.f32 v14, v14;
	v14 =	vld [tilespmem:s19+$0xFFFFFF20];
	v3 =	vsel vm0, $0x0, v3;
	v60, _, _ =	vpop (xrf2)  }
0x471: {  	v2 =	vmax.f32 v2, $0.0e+00;
	v0 =	vadd.f32 v3, v61;
	v61 =	vld [tilespmem:s20+$0xFFFFFF40];
	v62 =	vadd.f32 $2.000000030e-01, v60  }
0x472: {  	v27 =	vmul.f32 v27, v27;
	v18 =	vmul.f32 v18, v18;
	v2 =	vsel vm0, $0x0, v2;
	v58 =	vld [tilespmem:s15+$0x10]  }
0x473: {  	v51 =	vsub.f32 v48, v51;
	v0 =	vadd.f32 v2, v0;
	v60 =	vld [tilespmem:s19+$0xFFFFFF40];
	v63 =	vmax.f32 v62, $0.0e+00  }
0x474: {  	v24 =	vmul.f32 v24, v24;
	v56 =	vsub.f32 v48, v56;
	v48 =	vld [tilespmem:s19+$0xFFFFFF10];
	v2 =	vsel vm0, $0x0, v63  }
0x475: {  	v49 =	vmul.f32 v49, v49;
	v1 =	vmax.f32 v1, $0.0e+00;
	v62 =	vld [tilespmem:s15+$0xFFFFFFB0];
	v0 =	vadd.f32 v2, v0  }
0x476: {  	v30 =	vmul.f32 v30, v30;
	v31 =	vmul.f32 v31, v31;
	v1 =	vsel vm0, $0x0, v1;
	v63 =	vld [tilespmem:s19+$0xFFFFFFB0]  }
0x477: {  	v34 =	vmul.f32 v34, v34;
	v0 =	vadd.f32 v1, v0;
	v1 =	vsub.f32 v13, v16;
	v16 =	vld [tilespmem:s15+$0x20]  }
0x478: {  	[tilespmem:$0x1F760] =	vst v7;
	v7 =	vmul.f32 v36, v36;
	v55 =	vsub.f32 v59, v61;
	v54 =	vsub.f32 v59, v60;
	v59 =	vld [tilespmem:s19+$0x10]  }
0x479: {  	v3 =	vmul.f32 v43, v43;
	v13 =	vmul.f32 v23, v23;
	v23 =	vld [tilespmem:s15+$0xFFFFFF90]  }
0x47a: {  	v52 =	vmul.f32 v52, v52;
	v43 =	vmul.f32 v57, v57;
	[tilespmem:$0x1F790] =	vst v0;
	v0 =	vld [tilespmem:s20+$0xFFFFFFB0]  }
0x47b: {  	[tilespmem:$0x1F830] =	vst v5;
	v5 =	vsub.f32 v62, v63;
	v63 =	vsub.f32 v22, v25;
	v25 =	vmul.f32 v26, v26;
	v26 =	vld [tilespmem:s20+$0xFFFFFF80]  }
0x47c: {  	v53 =	vmul.f32 v53, v53;
	v61 =	vmul.f32 v47, v47;
	v60 =	vsub.f32 v16, v17;
	v17 =	vld [tilespmem:s15+$0xFFFFFF20]  }
0x47d: {  	v22 =	vsub.f32 v28, v29;
	v29 =	vmul.f32 v10, v10;
	v10 =	vmul.f32 v42, v42;
	v42 =	vld [tilespmem:s15+$0xFFFFFF10]  }
0x47e: {  	v8 =	vmul.f32 v1, v1;
	v1 =	vmul.f32 v50, v50;
	v50 =	vld [tilespmem:s20+$0xFFFFFF10];
	v24 =	vsub.f32 v24, v13  }
0x47f: {  	v36 =	vmul.f32 v55, v55;
	[tilespmem:$0x1F720] =	vst v5;
	v5 =	vsub.f32 v58, v59;
	v21 =	vsub.f32 v16, v21;
	v16 =	vld [tilespmem:s20+$0x10]  }
0x480: {  	v0 =	vsub.f32 v62, v0;
	v62 =	vsub.f32 v32, v35;
	v35 =	vmul.f32 v20, v20;
	v20 =	vld [tilespmem:s15+$0xFFFFFF80]  }
0x481: {  	v28 =	vmul.f32 v9, v9;
	v9 =	vsub.f32 v17, v14;
	v2 =	vsub.f32 v17, v15;
	v17 =	vld [tilespmem:$0x1F720]  }
0x482: {  	[tilespmem:$0x1F750] =	vst v11;
	v59 =	vmul.f32 v41, v41;
	v41 =	vld [tilespmem:s20+$0xFFFFFF00];
	v27 =	vsub.f32 v25, v27;
	v25 =	vsub.f32 v30, v31  }
0x483: {  	[tilespmem:$0x1F770] =	vst v8;
	v8 =	vmul.f32 v37, v37;
	v30 =	vsub.f32 v49, v1;
	v32 =	vsub.f32 v32, v38;
	v38 =	vld [tilespmem:s20+$0xFFFFFF90]  }
0x484: {  	v49 =	vsub.f32 v52, v53;
	[tilespmem:$0x1F730] =	vst v0;
	v11 =	vsub.f32 v58, v16;
	v58 =	vmul.f32 v40, v40;
	v40 =	vld [tilespmem:s19+$0xFFFFFF00]  }
0x485: {  	[tilespmem:$0x1F780] =	vst v35;
	v35 =	vmul.f32 v54, v54;
	v0 =	vsub.f32 v20, v26;
	v26 =	vmul.f32 v60, v60;
	v60 =	vld [tilespmem:$0x1F750]  }
0x486: {  	v31 =	vsub.f32 v7, v8;
	v44 =	vmul.f32 v62, v62;
	v37 =	vmul.f32 v17, v17;
	v17 =	vld [tilespmem:$0x1F730]  }
0x487: {  	v15 =	vmul.f32 v46, v46;
	v14 =	vsub.f32 v23, v33;
	v33 =	vmul.f32 v21, v21;
	v21 =	vld [tilespmem:$0x1F740]  }
0x488: {  	v46 =	vmul.f32 v22, v22;
	v22 =	vsub.f32 v42, v50;
	v12 =	vsub.f32 v20, v12  }
0x489: {  	v47 =	vmul.f32 v32, v32;
	v62 =	vld [tilespmem:$0x1F760];
	v16 =	vsub.f32 v23, v38;
	v20 =	vsub.f32 v39, v41  }
0x48a: {  	s21 =	sadd.s32 $0x4, s21;
	v32 =	vsub.f32 v58, v59;
	v50 =	vmul.f32 v12, v12;
	v23 =	vsub.f32 v60, v29;
	v29 =	vld [tilespmem:$0x1F770]  }
0x48b: {  	p0 =	slt.u32 s21, $0x3C;
	v38 =	vmul.f32 v17, v17;
	v17 =	vsub.f32 v39, v40;
	v39 =	vmul.f32 v63, v63;
	v63 =	vld [tilespmem:$0x1F780]  }
.Ltmp3:
0x48c: {  	v41 =	vmul.f32 v21, v21;
	v21 =	vsub.f32 v42, v48;
	v42 =	vmul.f32 v4, v4;
	(pc) =	sbr.rel @p0 .LBB2_9-.Ltmp3, $4  }
0x48d: {  	v48 =	vmul.f32 v45, v45;
	v45 =	vmul.f32 v56, v56;
	v60 =	vsub.f32 v19, v18  }
0x48e: {  	v18 =	vsub.f32 v6, v34;
	v34 =	vmul.f32 v9, v9;
	v40 =	vmul.f32 v51, v51  }
0x48f: {  	v51 =	vmul.f32 v0, v0;
	v62 =	vsub.f32 v62, v29;
	v29 =	vsub.f32 v10, v3  }
0x490: {  	s15 =	sadd.s32 $0x200, s15;
	v53 =	vmovc v11;
	v55 =	vsub.f32 v63, v28;
	v28 =	vsub.f32 v15, v61;
	v15 =	vmovc v2;
	v61 =	vmov v5  }
0x491: {  	v0 =	vsub.f32 v35, v36  }
0x492: {  	v1 =	vmul.f32 v14, v14;
	v2 =	vsub.f32 v37, v38;
	v3 =	vmul.f32 v16, v16  }
0x493: {  	v6 =	vmul.f32 v17, v17;
	v9 =	vmul.f32 v20, v20;
	v10 =	vsub.f32 v42, v48  }
0x494: {  	v48 =	vmul.f32 v21, v21;
	v1 =	vsub.f32 v1, v3;
	v3 =	vmul.f32 v22, v22  }
0x495: {  	v4 =	vsub.f32 v39, v41;
	v12 =	vsub.f32 v50, v51  }
0x496: {  	v51 =	vmul.f32 v15, v15;
	v6 =	vsub.f32 v6, v9;
	v3 =	vsub.f32 v48, v3  }
0x497: {  	v5 =	vsub.f32 v43, v46;
	v7 =	vsub.f32 v44, v47  }
0x498: {  	v9 =	vsub.f32 v34, v51;
	v3 =	vadd.f32 v3, v6  }
0x499: {  	v13 =	vsub.f32 v40, v45;
	v1 =	vadd.f32 v1, v12  }
0x49a: {  	v54 =	vld [tilespmem:$0x1F860];
	v4 =	vadd.f32 v5, v4;
	v3 =	vadd.f32 v9, v3  }
0x49b: {  	v52 =	vmul.f32 v61, v61;
	v53 =	vmul.f32 v53, v53;
	v56 =	vld [tilespmem:$0x1F870];
	v1 =	vadd.f32 v10, v1  }
0x49c: {  	v4 =	vadd.f32 v49, v4;
	v3 =	vadd.f32 v7, v3  }
0x49d: {  	v57 =	vld [tilespmem:$0x1F840];
	v1 =	vadd.f32 v2, v1;
	v2 =	vsub.f32 v52, v53  }
0x49e: {  	v4 =	vadd.f32 v32, v4;
	v0 =	vadd.f32 v0, v3;
	v3 =	vld [tilespmem:$0x1F830]  }
0x49f: {  	v8 =	vsub.f32 v26, v33;
	v2 =	vadd.f32 v2, v13  }
0x4a0: {  	v5 =	vmul.f32 v54, v54;
	v6 =	vmul.f32 v56, v56;
	v4 =	vadd.f32 v25, v4  }
0x4a1: {  	v2 =	vadd.f32 v8, v2  }
0x4a2: {  	v5 =	vsub.f32 v5, v6;
	v4 =	vadd.f32 v27, v4  }
0x4a3: {  	v6 =	vmul.f32 v57, v57;
	v2 =	vadd.f32 v30, v2;
	v3 =	vmul.f32 v3, v3  }
0x4a4: {  	v58 =	vld [tilespmem:$0x1F7E0];
	v1 =	vadd.f32 v28, v1;
	v4 =	vadd.f32 v23, v4  }
0x4a5: {  	v59 =	vld [tilespmem:$0x1F800];
	v2 =	vadd.f32 v5, v2;
	v3 =	vsub.f32 v3, v6  }
0x4a6: {  	v1 =	vadd.f32 v31, v1;
	v4 =	vadd.f32 v62, v4;
	v62 =	vld [tilespmem:$0x1F7A0]  }
0x4a7: {  	v0 =	vadd.f32 v29, v0;
	v2 =	vadd.f32 v3, v2;
	v3 =	vld [tilespmem:$0x1F7B0];
	_ =	sdelay $0x1  }
0x4a8: {  	v1 =	vadd.f32 v24, v1;
	v0 =	vadd.f32 v18, v0  }
0x4a9: {  	v7 =	vmul.f32 v58, v58;
	v6 =	vmul.f32 v59, v59  }
0x4aa: {  	v1 =	vadd.f32 v55, v1;
	v0 =	vadd.f32 v60, v0  }
0x4ab: {  	(xrf2) =	vadd.scan.msk.f32 $0xffff, v4;
	v61 =	vsub.f32 v7, v6;
	v6 =	vmul.f32 v62, v62;
	v3 =	vmul.f32 v3, v3  }
0x4ac: {  	(xrf2) =	vadd.scan.msk.f32 $0xffff, v1  }
0x4ad: {  	(xrf2) =	vadd.scan.msk.f32 $0xffff, v0;
	v1 =	vadd.f32 v61, v2;
	v2 =	vsub.f32 v6, v3;
	_ =	sdelay $0x1  }
0x4ae: {  	v0 =	vadd.f32 v2, v1;
	_ =	sdelay $0x1  }
0x4af: {  	(xrf2) =	vadd.scan.msk.f32 $0xffff, v0;
	_ =	sdelay $0x3  }
0x4b0: {  	v0, _, _ =	vpop (xrf2)  }
0x4b1: {  	v1, _, _ =	vpop (xrf2)  }
0x4b2: {  	v63 =	vld [tilespmem:$0x1F790];
	v2, _, _ =	vpop (xrf2)  }
0x4b3: {  	v2 =	vadd.f32 $2.000000030e-01, v2;
	_ =	sdelay $0x1  }
0x4b4: {  	v1 =	vadd.f32 $2.000000030e-01, v1;
	v2 =	vmax.f32 v2, $0.0e+00  }
0x4b5: {  	v2 =	vsel vm0, $0x0, v2;
	v3, _, _ =	vpop (xrf2)  }
0x4b6: {  	s18 =	sadd.s32 $0x1, s18;
	v1 =	vmax.f32 v1, $0.0e+00;
	v2 =	vadd.f32 v2, v63;
	v3 =	vadd.f32 $2.000000030e-01, v3  }
0x4b7: {  	p0 =	sne.s32 s18, $0x20;
	v1 =	vsel vm0, $0x0, v1  }
.Ltmp4:
0x4b8: {  	v0 =	vadd.f32 $2.000000030e-01, v0;
	v1 =	vadd.f32 v1, v2;
	v2 =	vmax.f32 v3, $0.0e+00;
	(pc) =	sbr.rel @p0 .LBB2_2-.Ltmp4, $4  }
0x4b9: {  	v2 =	vsel vm0, $0x0, v2  }
0x4ba: {  	v0 =	vmax.f32 v0, $0.0e+00;
	v1 =	vadd.f32 v2, v1  }
0x4bb: {  	v0 =	vsel vm0, $0x0, v0  }
0x4bc: {  	v0 =	vadd.f32 v0, v1  }
0x4bd: {  	s17 =	sadd.s32 $0x1, s17  }
0x4be: {  	p0 =	sne.s32 s17, s10  }
.Ltmp5:
0x4bf: {  	s15 =	simm.s32 $0x1E000;
	[tilespmem:$0x1E000] =	vst v0;
	(pc) =	sbr.rel @p0 .LBB2_1-.Ltmp5, $4  }
0x4c0: {  	[hbm4b:s9+s1] =	stream.linear.scatter [tilespmem:s15], [sflag:$0x6], $0x80, $0x38;
	[tilespmem:$0x1E080] =	vst v63  }
0x4c1: {  	_ =	swait.ge [sflag:s16], $0x80  }
0x4c2: {  	[sflag:s16] =	ssyncset.done $0x0  }
0x4c3: {  	[sflag:s16] =	ssyncadd.s32 $0xFFFFFF80  }
0x4c4: {  	_ =	sfence.sel $0x180000  }
0x4c5: {  	[bflag:$0x0] =	sbarrier.arrive $0xFFFF  }
0x4c6: {  	_ =	strace $0x90000047  }
0x4c7: {  	s0 =	stileid.u32;
	[bflag:$0x2] =	sbarrier.arrive $0xFFFF  }
0x4c8: {  	p0 =	sne.s32 s0, $0x0;
	s0 =	rddreg [dreg:$0x1]  }
0x4c9: {  	s0 =	sadd.s32 @!p0 $0x100000, s0  }
0x4ca: {  	[sflag:s0] =	ssyncadd.tile.s32 @!p0 $0x1;
	_ =	shalt  }
.Lfunc_end2:
_tile_overlayer_lowered:
.L_overlay_start_2:
0x4cb: {  	(tag) =	ssettag $0x2  }
0x4cc: {  	s0 =	rddreg [dreg:$0x0];
	s2 =	stileid.u32  }
0x4cd: {  	s1 =	rddreg [dreg:$0x1];
	p0 =	sne.s32 s2, $0x0  }
0x4ce: {  	s3 =	rddreg [dreg:$0x2];
	[bflag:$0x3] =	sbarrier.arrive $0xFFFF;
	s2 =	simm.s32 @!p0 $0x1C06  }
0x4cf: {  	[timem:s3], [sflag:s2] =	dma.local @!p0 [hbm:s0], s1  }
0x4d0: {  	s0 =	simm.s32 @!p0 $0x6  }
0x4d1: {  	_ =	swait.ge @!p0 [sflag:s0], s1  }
0x4d2: {  	s1 =	ssub.s32 @!p0 $0x0, s1;
	[sflag:s0] =	ssyncset.done @!p0 $0x0  }
0x4d3: {  	[sflag:s0] =	ssyncadd.s32 @!p0 s1  }
0x4d4: {  	[bflag:$0x3] =	sbarrier.arrive $0xFFFF  }
0x4d5: {  	_ =	shalt  }

</sc_bundles>
